<compile_context>
chip_gen: v7x
topology: tpu7x:2x2x1
jax: 0.10.2.dev20260603
libtpu: 0.0.44.dev20260713+nightly
codegen_flags: <defaults>
</compile_context>

<pallas_src>
import functools

import jax
import jax.numpy as jnp
from jax import lax
from jax.experimental import pallas as pl
from jax.experimental.pallas import tpu as pltpu
from jax.experimental.pallas import tpu_sc as plsc

N = 10000
D = 256
H = 128
E = 160000
K = 128
NCHUNK = E // K
NSUB = 16
NITER = -(-NCHUNK // NSUB)
ROWS_A = 624
ROWS_TAIL = N - NSUB * ROWS_A
CNT_TILES = 10
CNT_ROWS = N // CNT_TILES

RB = 1000
GRID = N // RB


def _agg_body(compute_counts, *refs):
    if compute_counts:
        (x_lo, x_hi, src, dst,
         out_lo, out_hi, out_cnt,
         src_v, dst_v, rows_v, ones_v, cz_v, accum, cnt_acc, sem,
         isems) = refs
    else:
        (x_lo, x_hi, src, dst,
         out_lo, out_hi,
         src_v, dst_v, rows_v, accum, sem, isems) = refs

    c = lax.axis_index("c")
    s = lax.axis_index("s")
    r0 = s * ROWS_A

    def _rows_copy(src_ref, dst_ref):
        pltpu.sync_copy(src_ref.at[pl.ds(r0, ROWS_A)],
                        dst_ref.at[pl.ds(r0, ROWS_A)])

        @pl.when(s == 0)
        def _():
            pltpu.sync_copy(src_ref.at[pl.ds(NSUB * ROWS_A, ROWS_TAIL)],
                            dst_ref.at[pl.ds(NSUB * ROWS_A, ROWS_TAIL)])

    z16 = jnp.zeros((16,), jnp.float32)

    def _zrow(r, carry):
        for j in range(H // 16):
            rows_v[r, pl.ds(j * 16, 16)] = z16
        return carry

    lax.fori_loop(0, K, _zrow, 0)
    for t in range(ROWS_A // K):
        pltpu.sync_copy(rows_v, accum.at[pl.ds(r0 + t * K, K)])
    pltpu.sync_copy(rows_v.at[pl.ds(0, ROWS_A % K)],
                    accum.at[pl.ds(r0 + (ROWS_A // K) * K, ROWS_A % K)])

    @pl.when(s == 0)
    def _():
        pltpu.sync_copy(rows_v.at[pl.ds(0, ROWS_TAIL)],
                        accum.at[pl.ds(NSUB * ROWS_A, ROWS_TAIL)])

    if compute_counts:
        @pl.when(jnp.logical_and(c == 0, s < CNT_TILES))
        def _():
            q0 = s * CNT_ROWS
            for j in range(CNT_ROWS // 16):
                cz_v[pl.ds(j * 16, 16)] = z16
            cz_v[pl.ds(CNT_ROWS - 16, 16)] = z16
            pltpu.sync_copy(cz_v, cnt_acc.at[pl.ds(q0, CNT_ROWS)])
        for k in range(K // 16):
            ones_v[pl.ds(k * 16, 16)] = jnp.full((16,), 1.0, jnp.float32)
    plsc.subcore_barrier()

    def _iload(j, b):
        pltpu.async_copy(src.at[pl.ds(j * K, K)], src_v[b], isems[2 * b])
        pltpu.async_copy(dst.at[pl.ds(j * K, K)], dst_v[b], isems[2 * b + 1])

    def _iwait(b):
        pltpu.make_async_copy(src.at[pl.ds(0, K)], src_v[b],
                              isems[2 * b]).wait()
        pltpu.make_async_copy(dst.at[pl.ds(0, K)], dst_v[b],
                              isems[2 * b + 1]).wait()

    _iload(s, 0)

    def step(i, carry):
        for half in range(2):
            j = (2 * i + half) * NSUB + s
            b = half
            nb = 1 - half

            @pl.when(j < NCHUNK)
            def _(j=j, b=b, nb=nb):
                jn = j + NSUB

                @pl.when(jn < NCHUNK)
                def _(jn=jn, nb=nb):
                    _iload(jn, nb)

                _iwait(b)

                @pl.when(c == 0)
                def _(b=b):
                    pltpu.async_copy(x_lo.at[src_v[b]], rows_v, sem).wait()

                @pl.when(c == 1)
                def _(b=b):
                    pltpu.async_copy(x_hi.at[src_v[b]], rows_v, sem).wait()

                pltpu.sync_copy(rows_v, accum.at[dst_v[b]], add=True)
                if compute_counts:
                    @pl.when(c == 0)
                    def _(b=b):
                        pltpu.sync_copy(ones_v, cnt_acc.at[dst_v[b]],
                                        add=True)

        return carry

    lax.fori_loop(0, (NITER + 1) // 2, step, 0)
    plsc.subcore_barrier()

    @pl.when(c == 0)
    def _():
        _rows_copy(accum, out_lo)

    @pl.when(c == 1)
    def _():
        _rows_copy(accum, out_hi)

    if compute_counts:
        @pl.when(jnp.logical_and(c == 0, s < CNT_TILES))
        def _():
            q0 = s * CNT_ROWS
            pltpu.sync_copy(cnt_acc.at[pl.ds(q0, CNT_ROWS)], cz_v)
            pltpu.sync_copy(cz_v, out_cnt.at[pl.ds(q0, CNT_ROWS)])


def _make_agg(compute_counts):
    out_type = [jax.ShapeDtypeStruct((N, H), jnp.float32),
                jax.ShapeDtypeStruct((N, H), jnp.float32)]
    scratch = [
        [pltpu.VMEM((K,), jnp.int32)] * 2,
        [pltpu.VMEM((K,), jnp.int32)] * 2,
        pltpu.VMEM((K, H), jnp.float32),
    ]
    if compute_counts:
        out_type.append(jax.ShapeDtypeStruct((N,), jnp.float32))
        scratch.append(pltpu.VMEM((K,), jnp.float32))
        scratch.append(pltpu.VMEM((CNT_ROWS,), jnp.float32))
    scratch.append(pltpu.VMEM_SHARED((N, H), jnp.float32))
    if compute_counts:
        scratch.append(pltpu.VMEM_SHARED((N,), jnp.float32))
    scratch.append(pltpu.SemaphoreType.DMA)
    scratch.append([pltpu.SemaphoreType.DMA] * 4)
    mesh = plsc.VectorSubcoreMesh(core_axis_name="c", subcore_axis_name="s")
    return pl.kernel(functools.partial(_agg_body, compute_counts),
                     out_type=tuple(out_type), mesh=mesh,
                     scratch_types=scratch)


_agg_cnt = _make_agg(True)
_agg_nocnt = _make_agg(False)


def _dense1_body(a_lo, a_hi, cnt, xin, wl, wr, b, wr2, b2, h_lo, h_hi,
                 root2):
    inv = 1.0 / jnp.maximum(cnt[...], 1.0)
    wlv = wl[...]
    acc = jnp.dot(a_lo[...] * inv, wlv[:H], preferred_element_type=jnp.float32)
    acc += jnp.dot(a_hi[...] * inv, wlv[H:], preferred_element_type=jnp.float32)
    acc += jnp.dot(xin[...], wr[...], preferred_element_type=jnp.float32)
    acc += b[...]
    acc = jnp.maximum(acc, 0.0)
    h_lo[...] = acc[:, :H]
    h_hi[...] = acc[:, H:]
    root2[...] = jnp.dot(acc, wr2[...],
                         preferred_element_type=jnp.float32) + b2[...]


_dense1 = pl.pallas_call(
    _dense1_body, grid=(GRID,),
    in_specs=[pl.BlockSpec((RB, H), lambda i: (i, 0)),
              pl.BlockSpec((RB, H), lambda i: (i, 0)),
              pl.BlockSpec((RB, 1), lambda i: (i, 0)),
              pl.BlockSpec((RB, D), lambda i: (i, 0)),
              pl.BlockSpec((D, D), lambda i: (0, 0)),
              pl.BlockSpec((D, D), lambda i: (0, 0)),
              pl.BlockSpec((1, D), lambda i: (0, 0)),
              pl.BlockSpec((D, D), lambda i: (0, 0)),
              pl.BlockSpec((1, D), lambda i: (0, 0))],
    out_specs=[pl.BlockSpec((RB, H), lambda i: (i, 0)),
               pl.BlockSpec((RB, H), lambda i: (i, 0)),
               pl.BlockSpec((RB, D), lambda i: (i, 0))],
    out_shape=[jax.ShapeDtypeStruct((N, H), jnp.float32),
               jax.ShapeDtypeStruct((N, H), jnp.float32),
               jax.ShapeDtypeStruct((N, D), jnp.float32)])


def _dense2_body(a_lo, a_hi, cnt, root, wl, out):
    inv = 1.0 / jnp.maximum(cnt[...], 1.0)
    wlv = wl[...]
    acc = jnp.dot(a_lo[...] * inv, wlv[:H], preferred_element_type=jnp.float32)
    acc += jnp.dot(a_hi[...] * inv, wlv[H:], preferred_element_type=jnp.float32)
    out[...] = acc + root[...]


_dense2 = pl.pallas_call(
    _dense2_body, grid=(GRID,),
    in_specs=[pl.BlockSpec((RB, H), lambda i: (i, 0)),
              pl.BlockSpec((RB, H), lambda i: (i, 0)),
              pl.BlockSpec((RB, 1), lambda i: (i, 0)),
              pl.BlockSpec((RB, D), lambda i: (i, 0)),
              pl.BlockSpec((D, D), lambda i: (0, 0))],
    out_specs=pl.BlockSpec((RB, D), lambda i: (i, 0)),
    out_shape=jax.ShapeDtypeStruct((N, D), jnp.float32))


def kernel(x, edge_index, W1_l, b1_l, W1_r, W2_l, b2_l, W2_r):
    src = edge_index[0].astype(jnp.int32)
    dst = edge_index[1].astype(jnp.int32)
    x_lo = x[:, :H]
    x_hi = x[:, H:]

    s1_lo, s1_hi, cnt = _agg_cnt(x_lo, x_hi, src, dst)
    cnt2 = cnt.reshape(N, 1)
    h_lo, h_hi, root2 = _dense1(s1_lo, s1_hi, cnt2, x, W1_l.T, W1_r.T,
                                b1_l.reshape(1, D), W2_r.T,
                                b2_l.reshape(1, D))
    s2_lo, s2_hi = _agg_nocnt(h_lo, h_hi, src, dst)
    out = _dense2(s2_lo, s2_hi, cnt2, root2, W2_l.T)
    return out

# --- scband reference (transcript-rebuilt; emitter-appended) ---
"""Pipeline reference for scband-graph-sagemodel-128849019371 (READ-ONLY COPY).

The authoritative reference and input builder live on the scoring server;
editing this copy changes nothing except your own understanding.
"""

import jax, jax.numpy as jnp
import numpy as np

N_NODES = 10000
N_EDGES = 160000
D_IN = 256
D_HID = 256
D_OUT = 256


def _glorot(key, shape):
    fan_in, fan_out = shape[1], shape[0]
    limit = float(np.sqrt(6.0 / (fan_in + fan_out)))
    return jax.random.uniform(key, shape, dtype=jnp.float32, minval=-limit, maxval=limit)


def setup_inputs(seed: int = 0) -> dict:
    key = jax.random.key(seed)
    ks = jax.random.split(key, 9)
    x = jax.random.normal(ks[0], (N_NODES, D_IN), dtype=jnp.float32)
    edge_index = jax.random.randint(ks[1], (2, N_EDGES), 0, N_NODES, dtype=jnp.int64)
    # SAGEConv layer 1 params: lin_l (applied to aggregated neighbors, has bias), lin_r (applied to root)
    W1_l = _glorot(ks[2], (D_HID, D_IN))
    b1_l = jnp.zeros((D_HID,), dtype=jnp.float32)
    W1_r = _glorot(ks[3], (D_HID, D_IN))
    # SAGEConv layer 2 params
    W2_l = _glorot(ks[4], (D_OUT, D_HID))
    b2_l = jnp.zeros((D_OUT,), dtype=jnp.float32)
    W2_r = _glorot(ks[5], (D_OUT, D_HID))
    return {
        "x": x,
        "edge_index": edge_index,
        "W1_l": W1_l,
        "b1_l": b1_l,
        "W1_r": W1_r,
        "W2_l": W2_l,
        "b2_l": b2_l,
        "W2_r": W2_r,
    }


def _sage_conv(x, edge_index, W_l, b_l, W_r):
    # PyG SAGEConv with mean aggregation:
    # out = lin_l(mean_{j in N(i)} x_j) + lin_r(x_i)
    src = edge_index[0]
    dst = edge_index[1]
    msgs = jnp.take(x, src, axis=0)                                   # gather [E, d]
    summed = jax.ops.segment_sum(msgs, dst, num_segments=x.shape[0])  # scatter-add
    counts = jax.ops.segment_sum(jnp.ones((edge_index.shape[1],), dtype=x.dtype), dst,
                                 num_segments=x.shape[0])
    mean = summed / jnp.clip(counts, 1.0, None)[:, None]
    return mean @ W_l.T + b_l + x @ W_r.T


def reference(x, edge_index, W1_l, b1_l, W1_r, W2_l, b2_l, W2_r):
    h = _sage_conv(x, edge_index, W1_l, b1_l, W1_r)
    h = jax.nn.relu(h)
    # F.dropout(p=0.5, training=self.training): identity in eval mode
    out = _sage_conv(h, edge_index, W2_l, b2_l, W2_r)
    return out

if __name__ == "__main__":
    import jax
    _d = setup_inputs()
    print(jax.jit(kernel)(*tuple(_d.values())))

</pallas_src>

<mosaic_0001>
#map = affine_map<(d0, d1) -> (0, 0)>
#map1 = affine_map<(d0, d1) -> (0)>
module attributes {stable_mosaic.version = 14 : i64} {
  func.func @_agg_body(%arg0: i32, %arg1: i32, %arg2: memref<10000x128xf32, #tpu.memory_space<hbm>>, %arg3: memref<10000x128xf32, #tpu.memory_space<hbm>>, %arg4: memref<160000xi32, #tpu.memory_space<hbm>>, %arg5: memref<160000xi32, #tpu.memory_space<hbm>>, %arg6: memref<10000x128xf32, #tpu.memory_space<hbm>>, %arg7: memref<10000x128xf32, #tpu.memory_space<hbm>>, %arg8: memref<128xi32, #tpu.memory_space<vmem>>, %arg9: memref<128xi32, #tpu.memory_space<vmem>>, %arg10: memref<128xi32, #tpu.memory_space<vmem>>, %arg11: memref<128xi32, #tpu.memory_space<vmem>>, %arg12: memref<128x128xf32, #tpu.memory_space<vmem>>, %arg13: memref<10000x128xf32, #tpu.memory_space<vmem_shared>>, %arg14: memref<!tpu.dma_semaphore, #tpu.memory_space<semaphore_mem>>, %arg15: memref<!tpu.dma_semaphore, #tpu.memory_space<semaphore_mem>>, %arg16: memref<!tpu.dma_semaphore, #tpu.memory_space<semaphore_mem>>, %arg17: memref<!tpu.dma_semaphore, #tpu.memory_space<semaphore_mem>>, %arg18: memref<!tpu.dma_semaphore, #tpu.memory_space<semaphore_mem>>) attributes {dimension_semantics = [#tpu.dimension_semantics<core_parallel>, #tpu.dimension_semantics<subcore_parallel>], iteration_bounds = array<i64: 2, 16>, scalar_prefetch = 0 : i64, scratch_operands = 11 : i64, tpu.core_type = #tpu.core_type<sc_vector_subcore>, window_params = [{transform_indices = #map}, {transform_indices = #map}, {transform_indices = #map1}, {transform_indices = #map1}, {transform_indices = #map}, {transform_indices = #map}]} {
    %mul3A = arith.constant 624 : i32
    %mul3A_0 = arith.muli %arg1, %mul3A : i32
    %broadcast_in_dim3A = arith.constant 0.000000e+00 : f32
    %broadcast_in_dim3A_1 = vector.broadcast %broadcast_in_dim3A : f32 to vector<16xf32>
    %scan3A = arith.constant 0 : i32
    %scan3A_2 = arith.constant 0 : i32
    %scan3A_3 = arith.constant 128 : i32
    %scan3A_4 = arith.addi %scan3A_2, %scan3A_3 : i32
    %scan3A_5 = arith.constant 1 : i32
    scf.for %scan3A_42 = %scan3A_2 to %scan3A_4 step %scan3A_5  : i32 {
      %swap3A = arith.index_cast %scan3A_42 : i32 to index
      %swap3A_43 = arith.constant 0 : index
      %swap3A_44 = tpu.vector_load %arg12[%swap3A, %swap3A_43] {strides = array<i32>} : memref<128x128xf32, #tpu.memory_space<vmem>>, vector<1x16xf32>,
      %swap3A_45 = vector.shape_cast %swap3A_44 : vector<1x16xf32> to vector<16xf32>
      %swap3A_46 = vector.shape_cast %broadcast_in_dim3A_1 : vector<16xf32> to vector<1x16xf32>
      tpu.vector_store %arg12[%swap3A, %swap3A_43], %swap3A_46 {strides = array<i32>} : memref<128x128xf32, #tpu.memory_space<vmem>>, vector<1x16xf32>,
      %swap3A_47 = arith.index_cast %scan3A_42 : i32 to index
      %swap3A_48 = arith.constant 16 : index
      %swap3A_49 = tpu.vector_load %arg12[%swap3A_47, %swap3A_48] {strides = array<i32>} : memref<128x128xf32, #tpu.memory_space<vmem>>, vector<1x16xf32>,
      %swap3A_50 = vector.shape_cast %swap3A_49 : vector<1x16xf32> to vector<16xf32>
      %swap3A_51 = vector.shape_cast %broadcast_in_dim3A_1 : vector<16xf32> to vector<1x16xf32>
      tpu.vector_store %arg12[%swap3A_47, %swap3A_48], %swap3A_51 {strides = array<i32>} : memref<128x128xf32, #tpu.memory_space<vmem>>, vector<1x16xf32>,
      %swap3A_52 = arith.index_cast %scan3A_42 : i32 to index
      %swap3A_53 = arith.constant 32 : index
      %swap3A_54 = tpu.vector_load %arg12[%swap3A_52, %swap3A_53] {strides = array<i32>} : memref<128x128xf32, #tpu.memory_space<vmem>>, vector<1x16xf32>,
      %swap3A_55 = vector.shape_cast %swap3A_54 : vector<1x16xf32> to vector<16xf32>
      %swap3A_56 = vector.shape_cast %broadcast_in_dim3A_1 : vector<16xf32> to vector<1x16xf32>
      tpu.vector_store %arg12[%swap3A_52, %swap3A_53], %swap3A_56 {strides = array<i32>} : memref<128x128xf32, #tpu.memory_space<vmem>>, vector<1x16xf32>,
      %swap3A_57 = arith.index_cast %scan3A_42 : i32 to index
      %swap3A_58 = arith.constant 48 : index
      %swap3A_59 = tpu.vector_load %arg12[%swap3A_57, %swap3A_58] {strides = array<i32>} : memref<128x128xf32, #tpu.memory_space<vmem>>, vector<1x16xf32>,
      %swap3A_60 = vector.shape_cast %swap3A_59 : vector<1x16xf32> to vector<16xf32>
      %swap3A_61 = vector.shape_cast %broadcast_in_dim3A_1 : vector<16xf32> to vector<1x16xf32>
      tpu.vector_store %arg12[%swap3A_57, %swap3A_58], %swap3A_61 {strides = array<i32>} : memref<128x128xf32, #tpu.memory_space<vmem>>, vector<1x16xf32>,
      %swap3A_62 = arith.index_cast %scan3A_42 : i32 to index
      %swap3A_63 = arith.constant 64 : index
      %swap3A_64 = tpu.vector_load %arg12[%swap3A_62, %swap3A_63] {strides = array<i32>} : memref<128x128xf32, #tpu.memory_space<vmem>>, vector<1x16xf32>,
      %swap3A_65 = vector.shape_cast %swap3A_64 : vector<1x16xf32> to vector<16xf32>
      %swap3A_66 = vector.shape_cast %broadcast_in_dim3A_1 : vector<16xf32> to vector<1x16xf32>
      tpu.vector_store %arg12[%swap3A_62, %swap3A_63], %swap3A_66 {strides = array<i32>} : memref<128x128xf32, #tpu.memory_space<vmem>>, vector<1x16xf32>,
      %swap3A_67 = arith.index_cast %scan3A_42 : i32 to index
      %swap3A_68 = arith.constant 80 : index
      %swap3A_69 = tpu.vector_load %arg12[%swap3A_67, %swap3A_68] {strides = array<i32>} : memref<128x128xf32, #tpu.memory_space<vmem>>, vector<1x16xf32>,
      %swap3A_70 = vector.shape_cast %swap3A_69 : vector<1x16xf32> to vector<16xf32>
      %swap3A_71 = vector.shape_cast %broadcast_in_dim3A_1 : vector<16xf32> to vector<1x16xf32>
      tpu.vector_store %arg12[%swap3A_67, %swap3A_68], %swap3A_71 {strides = array<i32>} : memref<128x128xf32, #tpu.memory_space<vmem>>, vector<1x16xf32>,
      %swap3A_72 = arith.index_cast %scan3A_42 : i32 to index
      %swap3A_73 = arith.constant 96 : index
      %swap3A_74 = tpu.vector_load %arg12[%swap3A_72, %swap3A_73] {strides = array<i32>} : memref<128x128xf32, #tpu.memory_space<vmem>>, vector<1x16xf32>,
      %swap3A_75 = vector.shape_cast %swap3A_74 : vector<1x16xf32> to vector<16xf32>
      %swap3A_76 = vector.shape_cast %broadcast_in_dim3A_1 : vector<16xf32> to vector<1x16xf32>
      tpu.vector_store %arg12[%swap3A_72, %swap3A_73], %swap3A_76 {strides = array<i32>} : memref<128x128xf32, #tpu.memory_space<vmem>>, vector<1x16xf32>,
      %swap3A_77 = arith.index_cast %scan3A_42 : i32 to index
      %swap3A_78 = arith.constant 112 : index
      %swap3A_79 = tpu.vector_load %arg12[%swap3A_77, %swap3A_78] {strides = array<i32>} : memref<128x128xf32, #tpu.memory_space<vmem>>, vector<1x16xf32>,
      %swap3A_80 = vector.shape_cast %swap3A_79 : vector<1x16xf32> to vector<16xf32>
      %swap3A_81 = vector.shape_cast %broadcast_in_dim3A_1 : vector<16xf32> to vector<1x16xf32>
      tpu.vector_store %arg12[%swap3A_77, %swap3A_78], %swap3A_81 {strides = array<i32>} : memref<128x128xf32, #tpu.memory_space<vmem>>, vector<1x16xf32>,
    }
    %scan3A_6 = arith.constant 128 : i32
    %add3A = arith.constant 0 : i32
    %add3A_7 = arith.addi %mul3A_0, %add3A : i32
    "tpu.region"() ({
      %run_scoped3A = tpu.sem_alloc : memref<!tpu.dma_semaphore, #tpu.memory_space<semaphore_mem>>
      %dma_start3A_42 = arith.constant 0 : i32
      %dma_start3A_43 = tpu.memref_slice %arg13[%add3A_7, %dma_start3A_42] : memref<10000x128xf32, #tpu.memory_space<vmem_shared>> -> memref<128x128xf32, #tpu.memory_space<vmem_shared>>
      %dma_start3A_44 = arith.constant 0 : i32
      %dma_start3A_45 = tpu.memref_slice %arg13[%add3A_7, %dma_start3A_44] : memref<10000x128xf32, #tpu.memory_space<vmem_shared>> -> memref<128x128xf32, #tpu.memory_space<vmem_shared>>
      tpu.enqueue_dma source(%arg12 : memref<128x128xf32, #tpu.memory_space<vmem>>) target(%dma_start3A_45 : memref<128x128xf32, #tpu.memory_space<vmem_shared>>) target_semaphore(%run_scoped3A : memref<!tpu.dma_semaphore, #tpu.memory_space<semaphore_mem>>)
      %dma_wait3A = arith.constant 0 : i32
      %dma_wait3A_46 = tpu.memref_slice %arg13[%add3A_7, %dma_wait3A] : memref<10000x128xf32, #tpu.memory_space<vmem_shared>> -> memref<128x128xf32, #tpu.memory_space<vmem_shared>>
      %dma_wait3A_47 = arith.constant 0 : i32
      %dma_wait3A_48 = tpu.memref_slice %arg13[%add3A_7, %dma_wait3A_47] : memref<10000x128xf32, #tpu.memory_space<vmem_shared>> -> memref<128x128xf32, #tpu.memory_space<vmem_shared>>
      tpu.wait_dma2 semaphore(%run_scoped3A : memref<!tpu.dma_semaphore, #tpu.memory_space<semaphore_mem>>) src(%arg12 : memref<128x128xf32, #tpu.memory_space<vmem>>) dst(%dma_wait3A_48 : memref<128x128xf32, #tpu.memory_space<vmem_shared>>)
      tpu.yield
    }) : () -> ()
    %add3A_8 = arith.constant 128 : i32
    %add3A_9 = arith.addi %mul3A_0, %add3A_8 : i32
    "tpu.region"() ({
      %run_scoped3A = tpu.sem_alloc : memref<!tpu.dma_semaphore, #tpu.memory_space<semaphore_mem>>
      %dma_start3A_42 = arith.constant 0 : i32
      %dma_start3A_43 = tpu.memref_slice %arg13[%add3A_9, %dma_start3A_42] : memref<10000x128xf32, #tpu.memory_space<vmem_shared>> -> memref<128x128xf32, #tpu.memory_space<vmem_shared>>
      %dma_start3A_44 = arith.constant 0 : i32
      %dma_start3A_45 = tpu.memref_slice %arg13[%add3A_9, %dma_start3A_44] : memref<10000x128xf32, #tpu.memory_space<vmem_shared>> -> memref<128x128xf32, #tpu.memory_space<vmem_shared>>
      tpu.enqueue_dma source(%arg12 : memref<128x128xf32, #tpu.memory_space<vmem>>) target(%dma_start3A_45 : memref<128x128xf32, #tpu.memory_space<vmem_shared>>) target_semaphore(%run_scoped3A : memref<!tpu.dma_semaphore, #tpu.memory_space<semaphore_mem>>)
      %dma_wait3A = arith.constant 0 : i32
      %dma_wait3A_46 = tpu.memref_slice %arg13[%add3A_9, %dma_wait3A] : memref<10000x128xf32, #tpu.memory_space<vmem_shared>> -> memref<128x128xf32, #tpu.memory_space<vmem_shared>>
      %dma_wait3A_47 = arith.constant 0 : i32
      %dma_wait3A_48 = tpu.memref_slice %arg13[%add3A_9, %dma_wait3A_47] : memref<10000x128xf32, #tpu.memory_space<vmem_shared>> -> memref<128x128xf32, #tpu.memory_space<vmem_shared>>
      tpu.wait_dma2 semaphore(%run_scoped3A : memref<!tpu.dma_semaphore, #tpu.memory_space<semaphore_mem>>) src(%arg12 : memref<128x128xf32, #tpu.memory_space<vmem>>) dst(%dma_wait3A_48 : memref<128x128xf32, #tpu.memory_space<vmem_shared>>)
      tpu.yield
    }) : () -> ()
    %add3A_10 = arith.constant 256 : i32
    %add3A_11 = arith.addi %mul3A_0, %add3A_10 : i32
    "tpu.region"() ({
      %run_scoped3A = tpu.sem_alloc : memref<!tpu.dma_semaphore, #tpu.memory_space<semaphore_mem>>
      %dma_start3A_42 = arith.constant 0 : i32
      %dma_start3A_43 = tpu.memref_slice %arg13[%add3A_11, %dma_start3A_42] : memref<10000x128xf32, #tpu.memory_space<vmem_shared>> -> memref<128x128xf32, #tpu.memory_space<vmem_shared>>
      %dma_start3A_44 = arith.constant 0 : i32
      %dma_start3A_45 = tpu.memref_slice %arg13[%add3A_11, %dma_start3A_44] : memref<10000x128xf32, #tpu.memory_space<vmem_shared>> -> memref<128x128xf32, #tpu.memory_space<vmem_shared>>
      tpu.enqueue_dma source(%arg12 : memref<128x128xf32, #tpu.memory_space<vmem>>) target(%dma_start3A_45 : memref<128x128xf32, #tpu.memory_space<vmem_shared>>) target_semaphore(%run_scoped3A : memref<!tpu.dma_semaphore, #tpu.memory_space<semaphore_mem>>)
      %dma_wait3A = arith.constant 0 : i32
      %dma_wait3A_46 = tpu.memref_slice %arg13[%add3A_11, %dma_wait3A] : memref<10000x128xf32, #tpu.memory_space<vmem_shared>> -> memref<128x128xf32, #tpu.memory_space<vmem_shared>>
      %dma_wait3A_47 = arith.constant 0 : i32
      %dma_wait3A_48 = tpu.memref_slice %arg13[%add3A_11, %dma_wait3A_47] : memref<10000x128xf32, #tpu.memory_space<vmem_shared>> -> memref<128x128xf32, #tpu.memory_space<vmem_shared>>
      tpu.wait_dma2 semaphore(%run_scoped3A : memref<!tpu.dma_semaphore, #tpu.memory_space<semaphore_mem>>) src(%arg12 : memref<128x128xf32, #tpu.memory_space<vmem>>) dst(%dma_wait3A_48 : memref<128x128xf32, #tpu.memory_space<vmem_shared>>)
      tpu.yield
    }) : () -> ()
    %add3A_12 = arith.constant 384 : i32
    %add3A_13 = arith.addi %mul3A_0, %add3A_12 : i32
    "tpu.region"() ({
      %run_scoped3A = tpu.sem_alloc : memref<!tpu.dma_semaphore, #tpu.memory_space<semaphore_mem>>
      %dma_start3A_42 = arith.constant 0 : i32
      %dma_start3A_43 = tpu.memref_slice %arg13[%add3A_13, %dma_start3A_42] : memref<10000x128xf32, #tpu.memory_space<vmem_shared>> -> memref<128x128xf32, #tpu.memory_space<vmem_shared>>
      %dma_start3A_44 = arith.constant 0 : i32
      %dma_start3A_45 = tpu.memref_slice %arg13[%add3A_13, %dma_start3A_44] : memref<10000x128xf32, #tpu.memory_space<vmem_shared>> -> memref<128x128xf32, #tpu.memory_space<vmem_shared>>
      tpu.enqueue_dma source(%arg12 : memref<128x128xf32, #tpu.memory_space<vmem>>) target(%dma_start3A_45 : memref<128x128xf32, #tpu.memory_space<vmem_shared>>) target_semaphore(%run_scoped3A : memref<!tpu.dma_semaphore, #tpu.memory_space<semaphore_mem>>)
      %dma_wait3A = arith.constant 0 : i32
      %dma_wait3A_46 = tpu.memref_slice %arg13[%add3A_13, %dma_wait3A] : memref<10000x128xf32, #tpu.memory_space<vmem_shared>> -> memref<128x128xf32, #tpu.memory_space<vmem_shared>>
      %dma_wait3A_47 = arith.constant 0 : i32
      %dma_wait3A_48 = tpu.memref_slice %arg13[%add3A_13, %dma_wait3A_47] : memref<10000x128xf32, #tpu.memory_space<vmem_shared>> -> memref<128x128xf32, #tpu.memory_space<vmem_shared>>
      tpu.wait_dma2 semaphore(%run_scoped3A : memref<!tpu.dma_semaphore, #tpu.memory_space<semaphore_mem>>) src(%arg12 : memref<128x128xf32, #tpu.memory_space<vmem>>) dst(%dma_wait3A_48 : memref<128x128xf32, #tpu.memory_space<vmem_shared>>)
      tpu.yield
    }) : () -> ()
    %add3A_14 = arith.constant 512 : i32
    %add3A_15 = arith.addi %mul3A_0, %add3A_14 : i32
    "tpu.region"() ({
      %run_scoped3A = tpu.sem_alloc : memref<!tpu.dma_semaphore, #tpu.memory_space<semaphore_mem>>
      %dma_start3A_42 = arith.constant 0 : i32
      %dma_start3A_43 = arith.constant 0 : i32
      %dma_start3A_44 = tpu.memref_slice %arg12[%dma_start3A_42, %dma_start3A_43] : memref<128x128xf32, #tpu.memory_space<vmem>> -> memref<112x128xf32, #tpu.memory_space<vmem>>
      %dma_start3A_45 = arith.constant 0 : i32
      %dma_start3A_46 = tpu.memref_slice %arg13[%add3A_15, %dma_start3A_45] : memref<10000x128xf32, #tpu.memory_space<vmem_shared>> -> memref<112x128xf32, #tpu.memory_space<vmem_shared>>
      %dma_start3A_47 = arith.constant 0 : i32
      %dma_start3A_48 = tpu.memref_slice %arg13[%add3A_15, %dma_start3A_47] : memref<10000x128xf32, #tpu.memory_space<vmem_shared>> -> memref<112x128xf32, #tpu.memory_space<vmem_shared>>
      %dma_start3A_49 = arith.constant 0 : i32
      %dma_start3A_50 = arith.constant 0 : i32
      %dma_start3A_51 = tpu.memref_slice %arg12[%dma_start3A_49, %dma_start3A_50] : memref<128x128xf32, #tpu.memory_space<vmem>> -> memref<112x128xf32, #tpu.memory_space<vmem>>
      tpu.enqueue_dma source(%dma_start3A_51 : memref<112x128xf32, #tpu.memory_space<vmem>>) target(%dma_start3A_48 : memref<112x128xf32, #tpu.memory_space<vmem_shared>>) target_semaphore(%run_scoped3A : memref<!tpu.dma_semaphore, #tpu.memory_space<semaphore_mem>>)
      %dma_wait3A = arith.constant 0 : i32
      %dma_wait3A_52 = arith.constant 0 : i32
      %dma_wait3A_53 = tpu.memref_slice %arg12[%dma_wait3A, %dma_wait3A_52] : memref<128x128xf32, #tpu.memory_space<vmem>> -> memref<112x128xf32, #tpu.memory_space<vmem>>
      %dma_wait3A_54 = arith.constant 0 : i32
      %dma_wait3A_55 = tpu.memref_slice %arg13[%add3A_15, %dma_wait3A_54] : memref<10000x128xf32, #tpu.memory_space<vmem_shared>> -> memref<112x128xf32, #tpu.memory_space<vmem_shared>>
      %dma_wait3A_56 = arith.constant 0 : i32
      %dma_wait3A_57 = tpu.memref_slice %arg13[%add3A_15, %dma_wait3A_56] : memref<10000x128xf32, #tpu.memory_space<vmem_shared>> -> memref<112x128xf32, #tpu.memory_space<vmem_shared>>
      %dma_wait3A_58 = arith.constant 0 : i32
      %dma_wait3A_59 = arith.constant 0 : i32
      %dma_wait3A_60 = tpu.memref_slice %arg12[%dma_wait3A_58, %dma_wait3A_59] : memref<128x128xf32, #tpu.memory_space<vmem>> -> memref<112x128xf32, #tpu.memory_space<vmem>>
      tpu.wait_dma2 semaphore(%run_scoped3A : memref<!tpu.dma_semaphore, #tpu.memory_space<semaphore_mem>>) src(%dma_wait3A_60 : memref<112x128xf32, #tpu.memory_space<vmem>>) dst(%dma_wait3A_57 : memref<112x128xf32, #tpu.memory_space<vmem_shared>>)
      tpu.yield
    }) : () -> ()
    %eq3A = arith.constant 0 : i32
    %eq3A_16 = arith.cmpi eq, %arg1, %eq3A : i32
    %convert_element_type3A = arith.extui %eq3A_16 : i1 to i32
    %cond3A = arith.constant 0 : i32
    %cond3A_17 = arith.cmpi ne, %convert_element_type3A, %cond3A : i32
    scf.if %cond3A_17 {
      "tpu.region"() ({
        %run_scoped3A = tpu.sem_alloc : memref<!tpu.dma_semaphore, #tpu.memory_space<semaphore_mem>>
        %dma_start3A_42 = arith.constant 0 : i32
        %dma_start3A_43 = arith.constant 0 : i32
        %dma_start3A_44 = tpu.memref_slice %arg12[%dma_start3A_42, %dma_start3A_43] : memref<128x128xf32, #tpu.memory_space<vmem>> -> memref<16x128xf32, #tpu.memory_space<vmem>>
        %dma_start3A_45 = arith.constant 9984 : i32
        %dma_start3A_46 = arith.constant 0 : i32
        %dma_start3A_47 = tpu.memref_slice %arg13[%dma_start3A_45, %dma_start3A_46] : memref<10000x128xf32, #tpu.memory_space<vmem_shared>> -> memref<16x128xf32, #tpu.memory_space<vmem_shared>>
        %dma_start3A_48 = arith.constant 9984 : i32
        %dma_start3A_49 = arith.constant 0 : i32
        %dma_start3A_50 = tpu.memref_slice %arg13[%dma_start3A_48, %dma_start3A_49] : memref<10000x128xf32, #tpu.memory_space<vmem_shared>> -> memref<16x128xf32, #tpu.memory_space<vmem_shared>>
        %dma_start3A_51 = arith.constant 0 : i32
        %dma_start3A_52 = arith.constant 0 : i32
        %dma_start3A_53 = tpu.memref_slice %arg12[%dma_start3A_51, %dma_start3A_52] : memref<128x128xf32, #tpu.memory_space<vmem>> -> memref<16x128xf32, #tpu.memory_space<vmem>>
        tpu.enqueue_dma source(%dma_start3A_53 : memref<16x128xf32, #tpu.memory_space<vmem>>) target(%dma_start3A_50 : memref<16x128xf32, #tpu.memory_space<vmem_shared>>) target_semaphore(%run_scoped3A : memref<!tpu.dma_semaphore, #tpu.memory_space<semaphore_mem>>)
        %dma_wait3A = arith.constant 0 : i32
        %dma_wait3A_54 = arith.constant 0 : i32
        %dma_wait3A_55 = tpu.memref_slice %arg12[%dma_wait3A, %dma_wait3A_54] : memref<128x128xf32, #tpu.memory_space<vmem>> -> memref<16x128xf32, #tpu.memory_space<vmem>>
        %dma_wait3A_56 = arith.constant 9984 : i32
        %dma_wait3A_57 = arith.constant 0 : i32
        %dma_wait3A_58 = tpu.memref_slice %arg13[%dma_wait3A_56, %dma_wait3A_57] : memref<10000x128xf32, #tpu.memory_space<vmem_shared>> -> memref<16x128xf32, #tpu.memory_space<vmem_shared>>
        %dma_wait3A_59 = arith.constant 9984 : i32
        %dma_wait3A_60 = arith.constant 0 : i32
        %dma_wait3A_61 = tpu.memref_slice %arg13[%dma_wait3A_59, %dma_wait3A_60] : memref<10000x128xf32, #tpu.memory_space<vmem_shared>> -> memref<16x128xf32, #tpu.memory_space<vmem_shared>>
        %dma_wait3A_62 = arith.constant 0 : i32
        %dma_wait3A_63 = arith.constant 0 : i32
        %dma_wait3A_64 = tpu.memref_slice %arg12[%dma_wait3A_62, %dma_wait3A_63] : memref<128x128xf32, #tpu.memory_space<vmem>> -> memref<16x128xf32, #tpu.memory_space<vmem>>
        tpu.wait_dma2 semaphore(%run_scoped3A : memref<!tpu.dma_semaphore, #tpu.memory_space<semaphore_mem>>) src(%dma_wait3A_64 : memref<16x128xf32, #tpu.memory_space<vmem>>) dst(%dma_wait3A_61 : memref<16x128xf32, #tpu.memory_space<vmem_shared>>)
        tpu.yield
      }) : () -> ()
    } else {
    }
    %barrier3A = arith.constant 0 : index
    tpu.barrier barrier_id(%barrier3A)
    %mul3A_18 = arith.constant 128 : i32
    %mul3A_19 = arith.muli %arg1, %mul3A_18 : i32
    %dma_start3A = tpu.memref_slice %arg4[%mul3A_19] : memref<160000xi32, #tpu.memory_space<hbm>> -> memref<128xi32, #tpu.memory_space<hbm>>
    %dma_start3A_20 = tpu.memref_slice %arg4[%mul3A_19] : memref<160000xi32, #tpu.memory_space<hbm>> -> memref<128xi32, #tpu.memory_space<hbm>>
    tpu.enqueue_dma source(%dma_start3A_20 : memref<128xi32, #tpu.memory_space<hbm>>) target(%arg8 : memref<128xi32, #tpu.memory_space<vmem>>) target_semaphore(%arg15 : memref<!tpu.dma_semaphore, #tpu.memory_space<semaphore_mem>>)
    %mul3A_21 = arith.constant 128 : i32
    %mul3A_22 = arith.muli %arg1, %mul3A_21 : i32
    %dma_start3A_23 = tpu.memref_slice %arg5[%mul3A_22] : memref<160000xi32, #tpu.memory_space<hbm>> -> memref<128xi32, #tpu.memory_space<hbm>>
    %dma_start3A_24 = tpu.memref_slice %arg5[%mul3A_22] : memref<160000xi32, #tpu.memory_space<hbm>> -> memref<128xi32, #tpu.memory_space<hbm>>
    tpu.enqueue_dma source(%dma_start3A_24 : memref<128xi32, #tpu.memory_space<hbm>>) target(%arg10 : memref<128xi32, #tpu.memory_space<vmem>>) target_semaphore(%arg16 : memref<!tpu.dma_semaphore, #tpu.memory_space<semaphore_mem>>)
    %scan3A_25 = arith.constant 0 : i32
    %scan3A_26 = arith.constant 0 : i32
    %scan3A_27 = arith.constant 40 : i32
    %scan3A_28 = arith.addi %scan3A_26, %scan3A_27 : i32
    %scan3A_29 = arith.constant 1 : i32
    scf.for %scan3A_42 = %scan3A_26 to %scan3A_28 step %scan3A_29  : i32 {
      %mul3A_43 = arith.constant 2 : i32
      %mul3A_44 = arith.muli %mul3A_43, %scan3A_42 : i32
      %add3A_45 = arith.constant 0 : i32
      %add3A_46 = arith.addi %mul3A_44, %add3A_45 : i32
      %mul3A_47 = arith.constant 16 : i32
      %mul3A_48 = arith.muli %add3A_46, %mul3A_47 : i32
      %add3A_49 = arith.addi %mul3A_48, %arg1 : i32
      %lt3A = arith.constant 1250 : i32
      %lt3A_50 = arith.cmpi slt, %add3A_49, %lt3A : i32
      %convert_element_type3A_51 = arith.extui %lt3A_50 : i1 to i32
      %cond3A_52 = arith.constant 0 : i32
      %cond3A_53 = arith.cmpi ne, %convert_element_type3A_51, %cond3A_52 : i32
      scf.if %cond3A_53 {
        %add3A_66 = arith.constant 16 : i32
        %add3A_67 = arith.addi %add3A_49, %add3A_66 : i32
        %lt3A_68 = arith.constant 1250 : i32
        %lt3A_69 = arith.cmpi slt, %add3A_67, %lt3A_68 : i32
        %convert_element_type3A_70 = arith.extui %lt3A_69 : i1 to i32
        %cond3A_71 = arith.constant 0 : i32
        %cond3A_72 = arith.cmpi ne, %convert_element_type3A_70, %cond3A_71 : i32
        scf.if %cond3A_72 {
          %mul3A_90 = arith.constant 128 : i32
          %mul3A_91 = arith.muli %add3A_67, %mul3A_90 : i32
          %dma_start3A_92 = tpu.memref_slice %arg4[%mul3A_91] : memref<160000xi32, #tpu.memory_space<hbm>> -> memref<128xi32, #tpu.memory_space<hbm>>
          %dma_start3A_93 = tpu.memref_slice %arg4[%mul3A_91] : memref<160000xi32, #tpu.memory_space<hbm>> -> memref<128xi32, #tpu.memory_space<hbm>>
          tpu.enqueue_dma source(%dma_start3A_93 : memref<128xi32, #tpu.memory_space<hbm>>) target(%arg9 : memref<128xi32, #tpu.memory_space<vmem>>) target_semaphore(%arg17 : memref<!tpu.dma_semaphore, #tpu.memory_space<semaphore_mem>>)
          %mul3A_94 = arith.constant 128 : i32
          %mul3A_95 = arith.muli %add3A_67, %mul3A_94 : i32
          %dma_start3A_96 = tpu.memref_slice %arg5[%mul3A_95] : memref<160000xi32, #tpu.memory_space<hbm>> -> memref<128xi32, #tpu.memory_space<hbm>>
          %dma_start3A_97 = tpu.memref_slice %arg5[%mul3A_95] : memref<160000xi32, #tpu.memory_space<hbm>> -> memref<128xi32, #tpu.memory_space<hbm>>
          tpu.enqueue_dma source(%dma_start3A_97 : memref<128xi32, #tpu.memory_space<hbm>>) target(%arg11 : memref<128xi32, #tpu.memory_space<vmem>>) target_semaphore(%arg18 : memref<!tpu.dma_semaphore, #tpu.memory_space<semaphore_mem>>)
        } else {
        }
        %dma_wait3A = arith.constant 0 : i32
        %dma_wait3A_73 = tpu.memref_slice %arg4[%dma_wait3A] : memref<160000xi32, #tpu.memory_space<hbm>> -> memref<128xi32, #tpu.memory_space<hbm>>
        %dma_wait3A_74 = arith.constant 0 : i32
        %dma_wait3A_75 = tpu.memref_slice %arg4[%dma_wait3A_74] : memref<160000xi32, #tpu.memory_space<hbm>> -> memref<128xi32, #tpu.memory_space<hbm>>
        tpu.wait_dma2 semaphore(%arg15 : memref<!tpu.dma_semaphore, #tpu.memory_space<semaphore_mem>>) src(%dma_wait3A_75 : memref<128xi32, #tpu.memory_space<hbm>>) dst(%arg8 : memref<128xi32, #tpu.memory_space<vmem>>)
        %dma_wait3A_76 = arith.constant 0 : i32
        %dma_wait3A_77 = tpu.memref_slice %arg5[%dma_wait3A_76] : memref<160000xi32, #tpu.memory_space<hbm>> -> memref<128xi32, #tpu.memory_space<hbm>>
        %dma_wait3A_78 = arith.constant 0 : i32
        %dma_wait3A_79 = tpu.memref_slice %arg5[%dma_wait3A_78] : memref<160000xi32, #tpu.memory_space<hbm>> -> memref<128xi32, #tpu.memory_space<hbm>>
        tpu.wait_dma2 semaphore(%arg16 : memref<!tpu.dma_semaphore, #tpu.memory_space<semaphore_mem>>) src(%dma_wait3A_79 : memref<128xi32, #tpu.memory_space<hbm>>) dst(%arg10 : memref<128xi32, #tpu.memory_space<vmem>>)
        %eq3A_80 = arith.constant 0 : i32
        %eq3A_81 = arith.cmpi eq, %arg0, %eq3A_80 : i32
        %convert_element_type3A_82 = arith.extui %eq3A_81 : i1 to i32
        %cond3A_83 = arith.constant 0 : i32
        %cond3A_84 = arith.cmpi ne, %convert_element_type3A_82, %cond3A_83 : i32
        scf.if %cond3A_84 {
          %dma_start3A_90 = arith.constant 0 : i32
          %dma_start3A_91 = arith.constant 0 : i32
          %dma_start3A_92 = tpu.memref_slice %arg2[%dma_start3A_90, %dma_start3A_91] : memref<10000x128xf32, #tpu.memory_space<hbm>> -> memref<10000x128xf32, #tpu.memory_space<hbm>>
          tpu.enqueue_indirect_dma source(%dma_start3A_92 : memref<10000x128xf32, #tpu.memory_space<hbm>>) target(%arg12 : memref<128x128xf32, #tpu.memory_space<vmem>>) offsets(%arg8 : memref<128xi32, #tpu.memory_space<vmem>>) semaphore(%arg14 : memref<!tpu.dma_semaphore, #tpu.memory_space<semaphore_mem>>)
          %dma_wait3A_93 = arith.constant 0 : i32
          %dma_wait3A_94 = arith.constant 0 : i32
          %dma_wait3A_95 = tpu.memref_slice %arg2[%dma_wait3A_93, %dma_wait3A_94] : memref<10000x128xf32, #tpu.memory_space<hbm>> -> memref<10000x128xf32, #tpu.memory_space<hbm>>
          tpu.wait_indirect_dma semaphore(%arg14 : memref<!tpu.dma_semaphore, #tpu.memory_space<semaphore_mem>>) src(%dma_wait3A_95 : memref<10000x128xf32, #tpu.memory_space<hbm>>) dst(%arg12 : memref<128x128xf32, #tpu.memory_space<vmem>>)
        } else {
        }
        %eq3A_85 = arith.constant 1 : i32
        %eq3A_86 = arith.cmpi eq, %arg0, %eq3A_85 : i32
        %convert_element_type3A_87 = arith.extui %eq3A_86 : i1 to i32
        %cond3A_88 = arith.constant 0 : i32
        %cond3A_89 = arith.cmpi ne, %convert_element_type3A_87, %cond3A_88 : i32
        scf.if %cond3A_89 {
          %dma_start3A_90 = arith.constant 0 : i32
          %dma_start3A_91 = arith.constant 0 : i32
          %dma_start3A_92 = tpu.memref_slice %arg3[%dma_start3A_90, %dma_start3A_91] : memref<10000x128xf32, #tpu.memory_space<hbm>> -> memref<10000x128xf32, #tpu.memory_space<hbm>>
          tpu.enqueue_indirect_dma source(%dma_start3A_92 : memref<10000x128xf32, #tpu.memory_space<hbm>>) target(%arg12 : memref<128x128xf32, #tpu.memory_space<vmem>>) offsets(%arg8 : memref<128xi32, #tpu.memory_space<vmem>>) semaphore(%arg14 : memref<!tpu.dma_semaphore, #tpu.memory_space<semaphore_mem>>)
          %dma_wait3A_93 = arith.constant 0 : i32
          %dma_wait3A_94 = arith.constant 0 : i32
          %dma_wait3A_95 = tpu.memref_slice %arg3[%dma_wait3A_93, %dma_wait3A_94] : memref<10000x128xf32, #tpu.memory_space<hbm>> -> memref<10000x128xf32, #tpu.memory_space<hbm>>
          tpu.wait_indirect_dma semaphore(%arg14 : memref<!tpu.dma_semaphore, #tpu.memory_space<semaphore_mem>>) src(%dma_wait3A_95 : memref<10000x128xf32, #tpu.memory_space<hbm>>) dst(%arg12 : memref<128x128xf32, #tpu.memory_space<vmem>>)
        } else {
        }
        "tpu.region"() ({
          %run_scoped3A = tpu.sem_alloc : memref<!tpu.dma_semaphore, #tpu.memory_space<semaphore_mem>>
          %dma_start3A_90 = arith.constant 0 : i32
          %dma_start3A_91 = arith.constant 0 : i32
          %dma_start3A_92 = tpu.memref_slice %arg13[%dma_start3A_90, %dma_start3A_91] : memref<10000x128xf32, #tpu.memory_space<vmem_shared>> -> memref<10000x128xf32, #tpu.memory_space<vmem_shared>>
          tpu.enqueue_indirect_dma source(%arg12 : memref<128x128xf32, #tpu.memory_space<vmem>>) target(%dma_start3A_92 : memref<10000x128xf32, #tpu.memory_space<vmem_shared>>) offsets(%arg10 : memref<128xi32, #tpu.memory_space<vmem>>) semaphore(%run_scoped3A : memref<!tpu.dma_semaphore, #tpu.memory_space<semaphore_mem>>) {add = true}
          %dma_wait3A_93 = arith.constant 0 : i32
          %dma_wait3A_94 = arith.constant 0 : i32
          %dma_wait3A_95 = tpu.memref_slice %arg13[%dma_wait3A_93, %dma_wait3A_94] : memref<10000x128xf32, #tpu.memory_space<vmem_shared>> -> memref<10000x128xf32, #tpu.memory_space<vmem_shared>>
          tpu.wait_indirect_dma semaphore(%run_scoped3A : memref<!tpu.dma_semaphore, #tpu.memory_space<semaphore_mem>>) src(%arg12 : memref<128x128xf32, #tpu.memory_space<vmem>>) dst(%dma_wait3A_95 : memref<10000x128xf32, #tpu.memory_space<vmem_shared>>)
          tpu.yield
        }) : () -> ()
      } else {
      }
      %mul3A_54 = arith.constant 2 : i32
      %mul3A_55 = arith.muli %mul3A_54, %scan3A_42 : i32
      %add3A_56 = arith.constant 1 : i32
      %add3A_57 = arith.addi %mul3A_55, %add3A_56 : i32
      %mul3A_58 = arith.constant 16 : i32
      %mul3A_59 = arith.muli %add3A_57, %mul3A_58 : i32
      %add3A_60 = arith.addi %mul3A_59, %arg1 : i32
      %lt3A_61 = arith.constant 1250 : i32
      %lt3A_62 = arith.cmpi slt, %add3A_60, %lt3A_61 : i32
      %convert_element_type3A_63 = arith.extui %lt3A_62 : i1 to i32
      %cond3A_64 = arith.constant 0 : i32
      %cond3A_65 = arith.cmpi ne, %convert_element_type3A_63, %cond3A_64 : i32
      scf.if %cond3A_65 {
        %add3A_66 = arith.constant 16 : i32
        %add3A_67 = arith.addi %add3A_60, %add3A_66 : i32
        %lt3A_68 = arith.constant 1250 : i32
        %lt3A_69 = arith.cmpi slt, %add3A_67, %lt3A_68 : i32
        %convert_element_type3A_70 = arith.extui %lt3A_69 : i1 to i32
        %cond3A_71 = arith.constant 0 : i32
        %cond3A_72 = arith.cmpi ne, %convert_element_type3A_70, %cond3A_71 : i32
        scf.if %cond3A_72 {
          %mul3A_90 = arith.constant 128 : i32
          %mul3A_91 = arith.muli %add3A_67, %mul3A_90 : i32
          %dma_start3A_92 = tpu.memref_slice %arg4[%mul3A_91] : memref<160000xi32, #tpu.memory_space<hbm>> -> memref<128xi32, #tpu.memory_space<hbm>>
          %dma_start3A_93 = tpu.memref_slice %arg4[%mul3A_91] : memref<160000xi32, #tpu.memory_space<hbm>> -> memref<128xi32, #tpu.memory_space<hbm>>
          tpu.enqueue_dma source(%dma_start3A_93 : memref<128xi32, #tpu.memory_space<hbm>>) target(%arg8 : memref<128xi32, #tpu.memory_space<vmem>>) target_semaphore(%arg15 : memref<!tpu.dma_semaphore, #tpu.memory_space<semaphore_mem>>)
          %mul3A_94 = arith.constant 128 : i32
          %mul3A_95 = arith.muli %add3A_67, %mul3A_94 : i32
          %dma_start3A_96 = tpu.memref_slice %arg5[%mul3A_95] : memref<160000xi32, #tpu.memory_space<hbm>> -> memref<128xi32, #tpu.memory_space<hbm>>
          %dma_start3A_97 = tpu.memref_slice %arg5[%mul3A_95] : memref<160000xi32, #tpu.memory_space<hbm>> -> memref<128xi32, #tpu.memory_space<hbm>>
          tpu.enqueue_dma source(%dma_start3A_97 : memref<128xi32, #tpu.memory_space<hbm>>) target(%arg10 : memref<128xi32, #tpu.memory_space<vmem>>) target_semaphore(%arg16 : memref<!tpu.dma_semaphore, #tpu.memory_space<semaphore_mem>>)
        } else {
        }
        %dma_wait3A = arith.constant 0 : i32
        %dma_wait3A_73 = tpu.memref_slice %arg4[%dma_wait3A] : memref<160000xi32, #tpu.memory_space<hbm>> -> memref<128xi32, #tpu.memory_space<hbm>>
        %dma_wait3A_74 = arith.constant 0 : i32
        %dma_wait3A_75 = tpu.memref_slice %arg4[%dma_wait3A_74] : memref<160000xi32, #tpu.memory_space<hbm>> -> memref<128xi32, #tpu.memory_space<hbm>>
        tpu.wait_dma2 semaphore(%arg17 : memref<!tpu.dma_semaphore, #tpu.memory_space<semaphore_mem>>) src(%dma_wait3A_75 : memref<128xi32, #tpu.memory_space<hbm>>) dst(%arg9 : memref<128xi32, #tpu.memory_space<vmem>>)
        %dma_wait3A_76 = arith.constant 0 : i32
        %dma_wait3A_77 = tpu.memref_slice %arg5[%dma_wait3A_76] : memref<160000xi32, #tpu.memory_space<hbm>> -> memref<128xi32, #tpu.memory_space<hbm>>
        %dma_wait3A_78 = arith.constant 0 : i32
        %dma_wait3A_79 = tpu.memref_slice %arg5[%dma_wait3A_78] : memref<160000xi32, #tpu.memory_space<hbm>> -> memref<128xi32, #tpu.memory_space<hbm>>
        tpu.wait_dma2 semaphore(%arg18 : memref<!tpu.dma_semaphore, #tpu.memory_space<semaphore_mem>>) src(%dma_wait3A_79 : memref<128xi32, #tpu.memory_space<hbm>>) dst(%arg11 : memref<128xi32, #tpu.memory_space<vmem>>)
        %eq3A_80 = arith.constant 0 : i32
        %eq3A_81 = arith.cmpi eq, %arg0, %eq3A_80 : i32
        %convert_element_type3A_82 = arith.extui %eq3A_81 : i1 to i32
        %cond3A_83 = arith.constant 0 : i32
        %cond3A_84 = arith.cmpi ne, %convert_element_type3A_82, %cond3A_83 : i32
        scf.if %cond3A_84 {
          %dma_start3A_90 = arith.constant 0 : i32
          %dma_start3A_91 = arith.constant 0 : i32
          %dma_start3A_92 = tpu.memref_slice %arg2[%dma_start3A_90, %dma_start3A_91] : memref<10000x128xf32, #tpu.memory_space<hbm>> -> memref<10000x128xf32, #tpu.memory_space<hbm>>
          tpu.enqueue_indirect_dma source(%dma_start3A_92 : memref<10000x128xf32, #tpu.memory_space<hbm>>) target(%arg12 : memref<128x128xf32, #tpu.memory_space<vmem>>) offsets(%arg9 : memref<128xi32, #tpu.memory_space<vmem>>) semaphore(%arg14 : memref<!tpu.dma_semaphore, #tpu.memory_space<semaphore_mem>>)
          %dma_wait3A_93 = arith.constant 0 : i32
          %dma_wait3A_94 = arith.constant 0 : i32
          %dma_wait3A_95 = tpu.memref_slice %arg2[%dma_wait3A_93, %dma_wait3A_94] : memref<10000x128xf32, #tpu.memory_space<hbm>> -> memref<10000x128xf32, #tpu.memory_space<hbm>>
          tpu.wait_indirect_dma semaphore(%arg14 : memref<!tpu.dma_semaphore, #tpu.memory_space<semaphore_mem>>) src(%dma_wait3A_95 : memref<10000x128xf32, #tpu.memory_space<hbm>>) dst(%arg12 : memref<128x128xf32, #tpu.memory_space<vmem>>)
        } else {
        }
        %eq3A_85 = arith.constant 1 : i32
        %eq3A_86 = arith.cmpi eq, %arg0, %eq3A_85 : i32
        %convert_element_type3A_87 = arith.extui %eq3A_86 : i1 to i32
        %cond3A_88 = arith.constant 0 : i32
        %cond3A_89 = arith.cmpi ne, %convert_element_type3A_87, %cond3A_88 : i32
        scf.if %cond3A_89 {
          %dma_start3A_90 = arith.constant 0 : i32
          %dma_start3A_91 = arith.constant 0 : i32
          %dma_start3A_92 = tpu.memref_slice %arg3[%dma_start3A_90, %dma_start3A_91] : memref<10000x128xf32, #tpu.memory_space<hbm>> -> memref<10000x128xf32, #tpu.memory_space<hbm>>
          tpu.enqueue_indirect_dma source(%dma_start3A_92 : memref<10000x128xf32, #tpu.memory_space<hbm>>) target(%arg12 : memref<128x128xf32, #tpu.memory_space<vmem>>) offsets(%arg9 : memref<128xi32, #tpu.memory_space<vmem>>) semaphore(%arg14 : memref<!tpu.dma_semaphore, #tpu.memory_space<semaphore_mem>>)
          %dma_wait3A_93 = arith.constant 0 : i32
          %dma_wait3A_94 = arith.constant 0 : i32
          %dma_wait3A_95 = tpu.memref_slice %arg3[%dma_wait3A_93, %dma_wait3A_94] : memref<10000x128xf32, #tpu.memory_space<hbm>> -> memref<10000x128xf32, #tpu.memory_space<hbm>>
          tpu.wait_indirect_dma semaphore(%arg14 : memref<!tpu.dma_semaphore, #tpu.memory_space<semaphore_mem>>) src(%dma_wait3A_95 : memref<10000x128xf32, #tpu.memory_space<hbm>>) dst(%arg12 : memref<128x128xf32, #tpu.memory_space<vmem>>)
        } else {
        }
        "tpu.region"() ({
          %run_scoped3A = tpu.sem_alloc : memref<!tpu.dma_semaphore, #tpu.memory_space<semaphore_mem>>
          %dma_start3A_90 = arith.constant 0 : i32
          %dma_start3A_91 = arith.constant 0 : i32
          %dma_start3A_92 = tpu.memref_slice %arg13[%dma_start3A_90, %dma_start3A_91] : memref<10000x128xf32, #tpu.memory_space<vmem_shared>> -> memref<10000x128xf32, #tpu.memory_space<vmem_shared>>
          tpu.enqueue_indirect_dma source(%arg12 : memref<128x128xf32, #tpu.memory_space<vmem>>) target(%dma_start3A_92 : memref<10000x128xf32, #tpu.memory_space<vmem_shared>>) offsets(%arg11 : memref<128xi32, #tpu.memory_space<vmem>>) semaphore(%run_scoped3A : memref<!tpu.dma_semaphore, #tpu.memory_space<semaphore_mem>>) {add = true}
          %dma_wait3A_93 = arith.constant 0 : i32
          %dma_wait3A_94 = arith.constant 0 : i32
          %dma_wait3A_95 = tpu.memref_slice %arg13[%dma_wait3A_93, %dma_wait3A_94] : memref<10000x128xf32, #tpu.memory_space<vmem_shared>> -> memref<10000x128xf32, #tpu.memory_space<vmem_shared>>
          tpu.wait_indirect_dma semaphore(%run_scoped3A : memref<!tpu.dma_semaphore, #tpu.memory_space<semaphore_mem>>) src(%arg12 : memref<128x128xf32, #tpu.memory_space<vmem>>) dst(%dma_wait3A_95 : memref<10000x128xf32, #tpu.memory_space<vmem_shared>>)
          tpu.yield
        }) : () -> ()
      } else {
      }
    }
    %scan3A_30 = arith.constant 40 : i32
    %barrier3A_31 = arith.constant 0 : index
    tpu.barrier barrier_id(%barrier3A_31)
    %eq3A_32 = arith.constant 0 : i32
    %eq3A_33 = arith.cmpi eq, %arg0, %eq3A_32 : i32
    %convert_element_type3A_34 = arith.extui %eq3A_33 : i1 to i32
    %cond3A_35 = arith.constant 0 : i32
    %cond3A_36 = arith.cmpi ne, %convert_element_type3A_34, %cond3A_35 : i32
    scf.if %cond3A_36 {
      "tpu.region"() ({
        %run_scoped3A = tpu.sem_alloc : memref<!tpu.dma_semaphore, #tpu.memory_space<semaphore_mem>>
        %dma_start3A_47 = arith.constant 0 : i32
        %dma_start3A_48 = tpu.memref_slice %arg6[%mul3A_0, %dma_start3A_47] : memref<10000x128xf32, #tpu.memory_space<hbm>> -> memref<624x128xf32, #tpu.memory_space<hbm>>
        %dma_start3A_49 = arith.constant 0 : i32
        %dma_start3A_50 = tpu.memref_slice %arg13[%mul3A_0, %dma_start3A_49] : memref<10000x128xf32, #tpu.memory_space<vmem_shared>> -> memref<624x128xf32, #tpu.memory_space<vmem_shared>>
        tpu.enqueue_dma source(%dma_start3A_50 : memref<624x128xf32, #tpu.memory_space<vmem_shared>>) target(%dma_start3A_48 : memref<624x128xf32, #tpu.memory_space<hbm>>) target_semaphore(%run_scoped3A : memref<!tpu.dma_semaphore, #tpu.memory_space<semaphore_mem>>)
        %dma_wait3A = arith.constant 0 : i32
        %dma_wait3A_51 = tpu.memref_slice %arg6[%mul3A_0, %dma_wait3A] : memref<10000x128xf32, #tpu.memory_space<hbm>> -> memref<624x128xf32, #tpu.memory_space<hbm>>
        %dma_wait3A_52 = arith.constant 0 : i32
        %dma_wait3A_53 = tpu.memref_slice %arg13[%mul3A_0, %dma_wait3A_52] : memref<10000x128xf32, #tpu.memory_space<vmem_shared>> -> memref<624x128xf32, #tpu.memory_space<vmem_shared>>
        tpu.wait_dma2 semaphore(%run_scoped3A : memref<!tpu.dma_semaphore, #tpu.memory_space<semaphore_mem>>) src(%dma_wait3A_53 : memref<624x128xf32, #tpu.memory_space<vmem_shared>>) dst(%dma_wait3A_51 : memref<624x128xf32, #tpu.memory_space<hbm>>)
        tpu.yield
      }) : () -> ()
      %eq3A_42 = arith.constant 0 : i32
      %eq3A_43 = arith.cmpi eq, %arg1, %eq3A_42 : i32
      %convert_element_type3A_44 = arith.extui %eq3A_43 : i1 to i32
      %cond3A_45 = arith.constant 0 : i32
      %cond3A_46 = arith.cmpi ne, %convert_element_type3A_44, %cond3A_45 : i32
      scf.if %cond3A_46 {
        "tpu.region"() ({
          %run_scoped3A = tpu.sem_alloc : memref<!tpu.dma_semaphore, #tpu.memory_space<semaphore_mem>>
          %dma_start3A_47 = arith.constant 9984 : i32
          %dma_start3A_48 = arith.constant 0 : i32
          %dma_start3A_49 = tpu.memref_slice %arg6[%dma_start3A_47, %dma_start3A_48] : memref<10000x128xf32, #tpu.memory_space<hbm>> -> memref<16x128xf32, #tpu.memory_space<hbm>>
          %dma_start3A_50 = arith.constant 9984 : i32
          %dma_start3A_51 = arith.constant 0 : i32
          %dma_start3A_52 = tpu.memref_slice %arg13[%dma_start3A_50, %dma_start3A_51] : memref<10000x128xf32, #tpu.memory_space<vmem_shared>> -> memref<16x128xf32, #tpu.memory_space<vmem_shared>>
          tpu.enqueue_dma source(%dma_start3A_52 : memref<16x128xf32, #tpu.memory_space<vmem_shared>>) target(%dma_start3A_49 : memref<16x128xf32, #tpu.memory_space<hbm>>) target_semaphore(%run_scoped3A : memref<!tpu.dma_semaphore, #tpu.memory_space<semaphore_mem>>)
          %dma_wait3A = arith.constant 9984 : i32
          %dma_wait3A_53 = arith.constant 0 : i32
          %dma_wait3A_54 = tpu.memref_slice %arg6[%dma_wait3A, %dma_wait3A_53] : memref<10000x128xf32, #tpu.memory_space<hbm>> -> memref<16x128xf32, #tpu.memory_space<hbm>>
          %dma_wait3A_55 = arith.constant 9984 : i32
          %dma_wait3A_56 = arith.constant 0 : i32
          %dma_wait3A_57 = tpu.memref_slice %arg13[%dma_wait3A_55, %dma_wait3A_56] : memref<10000x128xf32, #tpu.memory_space<vmem_shared>> -> memref<16x128xf32, #tpu.memory_space<vmem_shared>>
          tpu.wait_dma2 semaphore(%run_scoped3A : memref<!tpu.dma_semaphore, #tpu.memory_space<semaphore_mem>>) src(%dma_wait3A_57 : memref<16x128xf32, #tpu.memory_space<vmem_shared>>) dst(%dma_wait3A_54 : memref<16x128xf32, #tpu.memory_space<hbm>>)
          tpu.yield
        }) : () -> ()
      } else {
      }
    } else {
    }
    %eq3A_37 = arith.constant 1 : i32
    %eq3A_38 = arith.cmpi eq, %arg0, %eq3A_37 : i32
    %convert_element_type3A_39 = arith.extui %eq3A_38 : i1 to i32
    %cond3A_40 = arith.constant 0 : i32
    %cond3A_41 = arith.cmpi ne, %convert_element_type3A_39, %cond3A_40 : i32
    scf.if %cond3A_41 {
      "tpu.region"() ({
        %run_scoped3A = tpu.sem_alloc : memref<!tpu.dma_semaphore, #tpu.memory_space<semaphore_mem>>
        %dma_start3A_47 = arith.constant 0 : i32
        %dma_start3A_48 = tpu.memref_slice %arg7[%mul3A_0, %dma_start3A_47] : memref<10000x128xf32, #tpu.memory_space<hbm>> -> memref<624x128xf32, #tpu.memory_space<hbm>>
        %dma_start3A_49 = arith.constant 0 : i32
        %dma_start3A_50 = tpu.memref_slice %arg13[%mul3A_0, %dma_start3A_49] : memref<10000x128xf32, #tpu.memory_space<vmem_shared>> -> memref<624x128xf32, #tpu.memory_space<vmem_shared>>
        tpu.enqueue_dma source(%dma_start3A_50 : memref<624x128xf32, #tpu.memory_space<vmem_shared>>) target(%dma_start3A_48 : memref<624x128xf32, #tpu.memory_space<hbm>>) target_semaphore(%run_scoped3A : memref<!tpu.dma_semaphore, #tpu.memory_space<semaphore_mem>>)
        %dma_wait3A = arith.constant 0 : i32
        %dma_wait3A_51 = tpu.memref_slice %arg7[%mul3A_0, %dma_wait3A] : memref<10000x128xf32, #tpu.memory_space<hbm>> -> memref<624x128xf32, #tpu.memory_space<hbm>>
        %dma_wait3A_52 = arith.constant 0 : i32
        %dma_wait3A_53 = tpu.memref_slice %arg13[%mul3A_0, %dma_wait3A_52] : memref<10000x128xf32, #tpu.memory_space<vmem_shared>> -> memref<624x128xf32, #tpu.memory_space<vmem_shared>>
        tpu.wait_dma2 semaphore(%run_scoped3A : memref<!tpu.dma_semaphore, #tpu.memory_space<semaphore_mem>>) src(%dma_wait3A_53 : memref<624x128xf32, #tpu.memory_space<vmem_shared>>) dst(%dma_wait3A_51 : memref<624x128xf32, #tpu.memory_space<hbm>>)
        tpu.yield
      }) : () -> ()
      %eq3A_42 = arith.constant 0 : i32
      %eq3A_43 = arith.cmpi eq, %arg1, %eq3A_42 : i32
      %convert_element_type3A_44 = arith.extui %eq3A_43 : i1 to i32
      %cond3A_45 = arith.constant 0 : i32
      %cond3A_46 = arith.cmpi ne, %convert_element_type3A_44, %cond3A_45 : i32
      scf.if %cond3A_46 {
        "tpu.region"() ({
          %run_scoped3A = tpu.sem_alloc : memref<!tpu.dma_semaphore, #tpu.memory_space<semaphore_mem>>
          %dma_start3A_47 = arith.constant 9984 : i32
          %dma_start3A_48 = arith.constant 0 : i32
          %dma_start3A_49 = tpu.memref_slice %arg7[%dma_start3A_47, %dma_start3A_48] : memref<10000x128xf32, #tpu.memory_space<hbm>> -> memref<16x128xf32, #tpu.memory_space<hbm>>
          %dma_start3A_50 = arith.constant 9984 : i32
          %dma_start3A_51 = arith.constant 0 : i32
          %dma_start3A_52 = tpu.memref_slice %arg13[%dma_start3A_50, %dma_start3A_51] : memref<10000x128xf32, #tpu.memory_space<vmem_shared>> -> memref<16x128xf32, #tpu.memory_space<vmem_shared>>
          tpu.enqueue_dma source(%dma_start3A_52 : memref<16x128xf32, #tpu.memory_space<vmem_shared>>) target(%dma_start3A_49 : memref<16x128xf32, #tpu.memory_space<hbm>>) target_semaphore(%run_scoped3A : memref<!tpu.dma_semaphore, #tpu.memory_space<semaphore_mem>>)
          %dma_wait3A = arith.constant 9984 : i32
          %dma_wait3A_53 = arith.constant 0 : i32
          %dma_wait3A_54 = tpu.memref_slice %arg7[%dma_wait3A, %dma_wait3A_53] : memref<10000x128xf32, #tpu.memory_space<hbm>> -> memref<16x128xf32, #tpu.memory_space<hbm>>
          %dma_wait3A_55 = arith.constant 9984 : i32
          %dma_wait3A_56 = arith.constant 0 : i32
          %dma_wait3A_57 = tpu.memref_slice %arg13[%dma_wait3A_55, %dma_wait3A_56] : memref<10000x128xf32, #tpu.memory_space<vmem_shared>> -> memref<16x128xf32, #tpu.memory_space<vmem_shared>>
          tpu.wait_dma2 semaphore(%run_scoped3A : memref<!tpu.dma_semaphore, #tpu.memory_space<semaphore_mem>>) src(%dma_wait3A_57 : memref<16x128xf32, #tpu.memory_space<vmem_shared>>) dst(%dma_wait3A_54 : memref<16x128xf32, #tpu.memory_space<hbm>>)
          tpu.yield
        }) : () -> ()
      } else {
      }
    } else {
    }
    return
  }
}

#map = affine_map<(d0, d1) -> (0, 0)>
#map1 = affine_map<(d0, d1) -> (0)>
module attributes {stable_mosaic.version = 14 : i64} {
  func.func @_agg_body(%arg0: i32, %arg1: i32, %arg2: memref<10000x128xf32, #tpu.memory_space<hbm>>, %arg3: memref<10000x128xf32, #tpu.memory_space<hbm>>, %arg4: memref<160000xi32, #tpu.memory_space<hbm>>, %arg5: memref<160000xi32, #tpu.memory_space<hbm>>, %arg6: memref<10000x128xf32, #tpu.memory_space<hbm>>, %arg7: memref<10000x128xf32, #tpu.memory_space<hbm>>, %arg8: memref<10000xf32, #tpu.memory_space<hbm>>, %arg9: memref<128xi32, #tpu.memory_space<vmem>>, %arg10: memref<128xi32, #tpu.memory_space<vmem>>, %arg11: memref<128xi32, #tpu.memory_space<vmem>>, %arg12: memref<128xi32, #tpu.memory_space<vmem>>, %arg13: memref<128x128xf32, #tpu.memory_space<vmem>>, %arg14: memref<128xf32, #tpu.memory_space<vmem>>, %arg15: memref<1000xf32, #tpu.memory_space<vmem>>, %arg16: memref<10000x128xf32, #tpu.memory_space<vmem_shared>>, %arg17: memref<10000xf32, #tpu.memory_space<vmem_shared>>, %arg18: memref<!tpu.dma_semaphore, #tpu.memory_space<semaphore_mem>>, %arg19: memref<!tpu.dma_semaphore, #tpu.memory_space<semaphore_mem>>, %arg20: memref<!tpu.dma_semaphore, #tpu.memory_space<semaphore_mem>>, %arg21: memref<!tpu.dma_semaphore, #tpu.memory_space<semaphore_mem>>, %arg22: memref<!tpu.dma_semaphore, #tpu.memory_space<semaphore_mem>>) attributes {dimension_semantics = [#tpu.dimension_semantics<core_parallel>, #tpu.dimension_semantics<subcore_parallel>], iteration_bounds = array<i64: 2, 16>, scalar_prefetch = 0 : i64, scratch_operands = 14 : i64, tpu.core_type = #tpu.core_type<sc_vector_subcore>, window_params = [{transform_indices = #map}, {transform_indices = #map}, {transform_indices = #map1}, {transform_indices = #map1}, {transform_indices = #map}, {transform_indices = #map}, {transform_indices = #map1}]} {
    %mul3A = arith.constant 624 : i32
    %mul3A_0 = arith.muli %arg1, %mul3A : i32
    %broadcast_in_dim3A = arith.constant 0.000000e+00 : f32
    %broadcast_in_dim3A_1 = vector.broadcast %broadcast_in_dim3A : f32 to vector<16xf32>
    %scan3A = arith.constant 0 : i32
    %scan3A_2 = arith.constant 0 : i32
    %scan3A_3 = arith.constant 128 : i32
    %scan3A_4 = arith.addi %scan3A_2, %scan3A_3 : i32
    %scan3A_5 = arith.constant 1 : i32
    scf.for %scan3A_103 = %scan3A_2 to %scan3A_4 step %scan3A_5  : i32 {
      %swap3A_104 = arith.index_cast %scan3A_103 : i32 to index
      %swap3A_105 = arith.constant 0 : index
      %swap3A_106 = tpu.vector_load %arg13[%swap3A_104, %swap3A_105] {strides = array<i32>} : memref<128x128xf32, #tpu.memory_space<vmem>>, vector<1x16xf32>,
      %swap3A_107 = vector.shape_cast %swap3A_106 : vector<1x16xf32> to vector<16xf32>
      %swap3A_108 = vector.shape_cast %broadcast_in_dim3A_1 : vector<16xf32> to vector<1x16xf32>
      tpu.vector_store %arg13[%swap3A_104, %swap3A_105], %swap3A_108 {strides = array<i32>} : memref<128x128xf32, #tpu.memory_space<vmem>>, vector<1x16xf32>,
      %swap3A_109 = arith.index_cast %scan3A_103 : i32 to index
      %swap3A_110 = arith.constant 16 : index
      %swap3A_111 = tpu.vector_load %arg13[%swap3A_109, %swap3A_110] {strides = array<i32>} : memref<128x128xf32, #tpu.memory_space<vmem>>, vector<1x16xf32>,
      %swap3A_112 = vector.shape_cast %swap3A_111 : vector<1x16xf32> to vector<16xf32>
      %swap3A_113 = vector.shape_cast %broadcast_in_dim3A_1 : vector<16xf32> to vector<1x16xf32>
      tpu.vector_store %arg13[%swap3A_109, %swap3A_110], %swap3A_113 {strides = array<i32>} : memref<128x128xf32, #tpu.memory_space<vmem>>, vector<1x16xf32>,
      %swap3A_114 = arith.index_cast %scan3A_103 : i32 to index
      %swap3A_115 = arith.constant 32 : index
      %swap3A_116 = tpu.vector_load %arg13[%swap3A_114, %swap3A_115] {strides = array<i32>} : memref<128x128xf32, #tpu.memory_space<vmem>>, vector<1x16xf32>,
      %swap3A_117 = vector.shape_cast %swap3A_116 : vector<1x16xf32> to vector<16xf32>
      %swap3A_118 = vector.shape_cast %broadcast_in_dim3A_1 : vector<16xf32> to vector<1x16xf32>
      tpu.vector_store %arg13[%swap3A_114, %swap3A_115], %swap3A_118 {strides = array<i32>} : memref<128x128xf32, #tpu.memory_space<vmem>>, vector<1x16xf32>,
      %swap3A_119 = arith.index_cast %scan3A_103 : i32 to index
      %swap3A_120 = arith.constant 48 : index
      %swap3A_121 = tpu.vector_load %arg13[%swap3A_119, %swap3A_120] {strides = array<i32>} : memref<128x128xf32, #tpu.memory_space<vmem>>, vector<1x16xf32>,
      %swap3A_122 = vector.shape_cast %swap3A_121 : vector<1x16xf32> to vector<16xf32>
      %swap3A_123 = vector.shape_cast %broadcast_in_dim3A_1 : vector<16xf32> to vector<1x16xf32>
      tpu.vector_store %arg13[%swap3A_119, %swap3A_120], %swap3A_123 {strides = array<i32>} : memref<128x128xf32, #tpu.memory_space<vmem>>, vector<1x16xf32>,
      %swap3A_124 = arith.index_cast %scan3A_103 : i32 to index
      %swap3A_125 = arith.constant 64 : index
      %swap3A_126 = tpu.vector_load %arg13[%swap3A_124, %swap3A_125] {strides = array<i32>} : memref<128x128xf32, #tpu.memory_space<vmem>>, vector<1x16xf32>,
      %swap3A_127 = vector.shape_cast %swap3A_126 : vector<1x16xf32> to vector<16xf32>
      %swap3A_128 = vector.shape_cast %broadcast_in_dim3A_1 : vector<16xf32> to vector<1x16xf32>
      tpu.vector_store %arg13[%swap3A_124, %swap3A_125], %swap3A_128 {strides = array<i32>} : memref<128x128xf32, #tpu.memory_space<vmem>>, vector<1x16xf32>,
      %swap3A_129 = arith.index_cast %scan3A_103 : i32 to index
      %swap3A_130 = arith.constant 80 : index
      %swap3A_131 = tpu.vector_load %arg13[%swap3A_129, %swap3A_130] {strides = array<i32>} : memref<128x128xf32, #tpu.memory_space<vmem>>, vector<1x16xf32>,
      %swap3A_132 = vector.shape_cast %swap3A_131 : vector<1x16xf32> to vector<16xf32>
      %swap3A_133 = vector.shape_cast %broadcast_in_dim3A_1 : vector<16xf32> to vector<1x16xf32>
      tpu.vector_store %arg13[%swap3A_129, %swap3A_130], %swap3A_133 {strides = array<i32>} : memref<128x128xf32, #tpu.memory_space<vmem>>, vector<1x16xf32>,
      %swap3A_134 = arith.index_cast %scan3A_103 : i32 to index
      %swap3A_135 = arith.constant 96 : index
      %swap3A_136 = tpu.vector_load %arg13[%swap3A_134, %swap3A_135] {strides = array<i32>} : memref<128x128xf32, #tpu.memory_space<vmem>>, vector<1x16xf32>,
      %swap3A_137 = vector.shape_cast %swap3A_136 : vector<1x16xf32> to vector<16xf32>
      %swap3A_138 = vector.shape_cast %broadcast_in_dim3A_1 : vector<16xf32> to vector<1x16xf32>
      tpu.vector_store %arg13[%swap3A_134, %swap3A_135], %swap3A_138 {strides = array<i32>} : memref<128x128xf32, #tpu.memory_space<vmem>>, vector<1x16xf32>,
      %swap3A_139 = arith.index_cast %scan3A_103 : i32 to index
      %swap3A_140 = arith.constant 112 : index
      %swap3A_141 = tpu.vector_load %arg13[%swap3A_139, %swap3A_140] {strides = array<i32>} : memref<128x128xf32, #tpu.memory_space<vmem>>, vector<1x16xf32>,
      %swap3A_142 = vector.shape_cast %swap3A_141 : vector<1x16xf32> to vector<16xf32>
      %swap3A_143 = vector.shape_cast %broadcast_in_dim3A_1 : vector<16xf32> to vector<1x16xf32>
      tpu.vector_store %arg13[%swap3A_139, %swap3A_140], %swap3A_143 {strides = array<i32>} : memref<128x128xf32, #tpu.memory_space<vmem>>, vector<1x16xf32>,
    }
    %scan3A_6 = arith.constant 128 : i32
    %add3A = arith.constant 0 : i32
    %add3A_7 = arith.addi %mul3A_0, %add3A : i32
    "tpu.region"() ({
      %run_scoped3A = tpu.sem_alloc : memref<!tpu.dma_semaphore, #tpu.memory_space<semaphore_mem>>
      %dma_start3A_103 = arith.constant 0 : i32
      %dma_start3A_104 = tpu.memref_slice %arg16[%add3A_7, %dma_start3A_103] : memref<10000x128xf32, #tpu.memory_space<vmem_shared>> -> memref<128x128xf32, #tpu.memory_space<vmem_shared>>
      %dma_start3A_105 = arith.constant 0 : i32
      %dma_start3A_106 = tpu.memref_slice %arg16[%add3A_7, %dma_start3A_105] : memref<10000x128xf32, #tpu.memory_space<vmem_shared>> -> memref<128x128xf32, #tpu.memory_space<vmem_shared>>
      tpu.enqueue_dma source(%arg13 : memref<128x128xf32, #tpu.memory_space<vmem>>) target(%dma_start3A_106 : memref<128x128xf32, #tpu.memory_space<vmem_shared>>) target_semaphore(%run_scoped3A : memref<!tpu.dma_semaphore, #tpu.memory_space<semaphore_mem>>)
      %dma_wait3A = arith.constant 0 : i32
      %dma_wait3A_107 = tpu.memref_slice %arg16[%add3A_7, %dma_wait3A] : memref<10000x128xf32, #tpu.memory_space<vmem_shared>> -> memref<128x128xf32, #tpu.memory_space<vmem_shared>>
      %dma_wait3A_108 = arith.constant 0 : i32
      %dma_wait3A_109 = tpu.memref_slice %arg16[%add3A_7, %dma_wait3A_108] : memref<10000x128xf32, #tpu.memory_space<vmem_shared>> -> memref<128x128xf32, #tpu.memory_space<vmem_shared>>
      tpu.wait_dma2 semaphore(%run_scoped3A : memref<!tpu.dma_semaphore, #tpu.memory_space<semaphore_mem>>) src(%arg13 : memref<128x128xf32, #tpu.memory_space<vmem>>) dst(%dma_wait3A_109 : memref<128x128xf32, #tpu.memory_space<vmem_shared>>)
      tpu.yield
    }) : () -> ()
    %add3A_8 = arith.constant 128 : i32
    %add3A_9 = arith.addi %mul3A_0, %add3A_8 : i32
    "tpu.region"() ({
      %run_scoped3A = tpu.sem_alloc : memref<!tpu.dma_semaphore, #tpu.memory_space<semaphore_mem>>
      %dma_start3A_103 = arith.constant 0 : i32
      %dma_start3A_104 = tpu.memref_slice %arg16[%add3A_9, %dma_start3A_103] : memref<10000x128xf32, #tpu.memory_space<vmem_shared>> -> memref<128x128xf32, #tpu.memory_space<vmem_shared>>
      %dma_start3A_105 = arith.constant 0 : i32
      %dma_start3A_106 = tpu.memref_slice %arg16[%add3A_9, %dma_start3A_105] : memref<10000x128xf32, #tpu.memory_space<vmem_shared>> -> memref<128x128xf32, #tpu.memory_space<vmem_shared>>
      tpu.enqueue_dma source(%arg13 : memref<128x128xf32, #tpu.memory_space<vmem>>) target(%dma_start3A_106 : memref<128x128xf32, #tpu.memory_space<vmem_shared>>) target_semaphore(%run_scoped3A : memref<!tpu.dma_semaphore, #tpu.memory_space<semaphore_mem>>)
      %dma_wait3A = arith.constant 0 : i32
      %dma_wait3A_107 = tpu.memref_slice %arg16[%add3A_9, %dma_wait3A] : memref<10000x128xf32, #tpu.memory_space<vmem_shared>> -> memref<128x128xf32, #tpu.memory_space<vmem_shared>>
      %dma_wait3A_108 = arith.constant 0 : i32
      %dma_wait3A_109 = tpu.memref_slice %arg16[%add3A_9, %dma_wait3A_108] : memref<10000x128xf32, #tpu.memory_space<vmem_shared>> -> memref<128x128xf32, #tpu.memory_space<vmem_shared>>
      tpu.wait_dma2 semaphore(%run_scoped3A : memref<!tpu.dma_semaphore, #tpu.memory_space<semaphore_mem>>) src(%arg13 : memref<128x128xf32, #tpu.memory_space<vmem>>) dst(%dma_wait3A_109 : memref<128x128xf32, #tpu.memory_space<vmem_shared>>)
      tpu.yield
    }) : () -> ()
    %add3A_10 = arith.constant 256 : i32
    %add3A_11 = arith.addi %mul3A_0, %add3A_10 : i32
    "tpu.region"() ({
      %run_scoped3A = tpu.sem_alloc : memref<!tpu.dma_semaphore, #tpu.memory_space<semaphore_mem>>
      %dma_start3A_103 = arith.constant 0 : i32
      %dma_start3A_104 = tpu.memref_slice %arg16[%add3A_11, %dma_start3A_103] : memref<10000x128xf32, #tpu.memory_space<vmem_shared>> -> memref<128x128xf32, #tpu.memory_space<vmem_shared>>
      %dma_start3A_105 = arith.constant 0 : i32
      %dma_start3A_106 = tpu.memref_slice %arg16[%add3A_11, %dma_start3A_105] : memref<10000x128xf32, #tpu.memory_space<vmem_shared>> -> memref<128x128xf32, #tpu.memory_space<vmem_shared>>
      tpu.enqueue_dma source(%arg13 : memref<128x128xf32, #tpu.memory_space<vmem>>) target(%dma_start3A_106 : memref<128x128xf32, #tpu.memory_space<vmem_shared>>) target_semaphore(%run_scoped3A : memref<!tpu.dma_semaphore, #tpu.memory_space<semaphore_mem>>)
      %dma_wait3A = arith.constant 0 : i32
      %dma_wait3A_107 = tpu.memref_slice %arg16[%add3A_11, %dma_wait3A] : memref<10000x128xf32, #tpu.memory_space<vmem_shared>> -> memref<128x128xf32, #tpu.memory_space<vmem_shared>>
      %dma_wait3A_108 = arith.constant 0 : i32
      %dma_wait3A_109 = tpu.memref_slice %arg16[%add3A_11, %dma_wait3A_108] : memref<10000x128xf32, #tpu.memory_space<vmem_shared>> -> memref<128x128xf32, #tpu.memory_space<vmem_shared>>
      tpu.wait_dma2 semaphore(%run_scoped3A : memref<!tpu.dma_semaphore, #tpu.memory_space<semaphore_mem>>) src(%arg13 : memref<128x128xf32, #tpu.memory_space<vmem>>) dst(%dma_wait3A_109 : memref<128x128xf32, #tpu.memory_space<vmem_shared>>)
      tpu.yield
    }) : () -> ()
    %add3A_12 = arith.constant 384 : i32
    %add3A_13 = arith.addi %mul3A_0, %add3A_12 : i32
    "tpu.region"() ({
      %run_scoped3A = tpu.sem_alloc : memref<!tpu.dma_semaphore, #tpu.memory_space<semaphore_mem>>
      %dma_start3A_103 = arith.constant 0 : i32
      %dma_start3A_104 = tpu.memref_slice %arg16[%add3A_13, %dma_start3A_103] : memref<10000x128xf32, #tpu.memory_space<vmem_shared>> -> memref<128x128xf32, #tpu.memory_space<vmem_shared>>
      %dma_start3A_105 = arith.constant 0 : i32
      %dma_start3A_106 = tpu.memref_slice %arg16[%add3A_13, %dma_start3A_105] : memref<10000x128xf32, #tpu.memory_space<vmem_shared>> -> memref<128x128xf32, #tpu.memory_space<vmem_shared>>
      tpu.enqueue_dma source(%arg13 : memref<128x128xf32, #tpu.memory_space<vmem>>) target(%dma_start3A_106 : memref<128x128xf32, #tpu.memory_space<vmem_shared>>) target_semaphore(%run_scoped3A : memref<!tpu.dma_semaphore, #tpu.memory_space<semaphore_mem>>)
      %dma_wait3A = arith.constant 0 : i32
      %dma_wait3A_107 = tpu.memref_slice %arg16[%add3A_13, %dma_wait3A] : memref<10000x128xf32, #tpu.memory_space<vmem_shared>> -> memref<128x128xf32, #tpu.memory_space<vmem_shared>>
      %dma_wait3A_108 = arith.constant 0 : i32
      %dma_wait3A_109 = tpu.memref_slice %arg16[%add3A_13, %dma_wait3A_108] : memref<10000x128xf32, #tpu.memory_space<vmem_shared>> -> memref<128x128xf32, #tpu.memory_space<vmem_shared>>
      tpu.wait_dma2 semaphore(%run_scoped3A : memref<!tpu.dma_semaphore, #tpu.memory_space<semaphore_mem>>) src(%arg13 : memref<128x128xf32, #tpu.memory_space<vmem>>) dst(%dma_wait3A_109 : memref<128x128xf32, #tpu.memory_space<vmem_shared>>)
      tpu.yield
    }) : () -> ()
    %add3A_14 = arith.constant 512 : i32
    %add3A_15 = arith.addi %mul3A_0, %add3A_14 : i32
    "tpu.region"() ({
      %run_scoped3A = tpu.sem_alloc : memref<!tpu.dma_semaphore, #tpu.memory_space<semaphore_mem>>
      %dma_start3A_103 = arith.constant 0 : i32
      %dma_start3A_104 = arith.constant 0 : i32
      %dma_start3A_105 = tpu.memref_slice %arg13[%dma_start3A_103, %dma_start3A_104] : memref<128x128xf32, #tpu.memory_space<vmem>> -> memref<112x128xf32, #tpu.memory_space<vmem>>
      %dma_start3A_106 = arith.constant 0 : i32
      %dma_start3A_107 = tpu.memref_slice %arg16[%add3A_15, %dma_start3A_106] : memref<10000x128xf32, #tpu.memory_space<vmem_shared>> -> memref<112x128xf32, #tpu.memory_space<vmem_shared>>
      %dma_start3A_108 = arith.constant 0 : i32
      %dma_start3A_109 = tpu.memref_slice %arg16[%add3A_15, %dma_start3A_108] : memref<10000x128xf32, #tpu.memory_space<vmem_shared>> -> memref<112x128xf32, #tpu.memory_space<vmem_shared>>
      %dma_start3A_110 = arith.constant 0 : i32
      %dma_start3A_111 = arith.constant 0 : i32
      %dma_start3A_112 = tpu.memref_slice %arg13[%dma_start3A_110, %dma_start3A_111] : memref<128x128xf32, #tpu.memory_space<vmem>> -> memref<112x128xf32, #tpu.memory_space<vmem>>
      tpu.enqueue_dma source(%dma_start3A_112 : memref<112x128xf32, #tpu.memory_space<vmem>>) target(%dma_start3A_109 : memref<112x128xf32, #tpu.memory_space<vmem_shared>>) target_semaphore(%run_scoped3A : memref<!tpu.dma_semaphore, #tpu.memory_space<semaphore_mem>>)
      %dma_wait3A = arith.constant 0 : i32
      %dma_wait3A_113 = arith.constant 0 : i32
      %dma_wait3A_114 = tpu.memref_slice %arg13[%dma_wait3A, %dma_wait3A_113] : memref<128x128xf32, #tpu.memory_space<vmem>> -> memref<112x128xf32, #tpu.memory_space<vmem>>
      %dma_wait3A_115 = arith.constant 0 : i32
      %dma_wait3A_116 = tpu.memref_slice %arg16[%add3A_15, %dma_wait3A_115] : memref<10000x128xf32, #tpu.memory_space<vmem_shared>> -> memref<112x128xf32, #tpu.memory_space<vmem_shared>>
      %dma_wait3A_117 = arith.constant 0 : i32
      %dma_wait3A_118 = tpu.memref_slice %arg16[%add3A_15, %dma_wait3A_117] : memref<10000x128xf32, #tpu.memory_space<vmem_shared>> -> memref<112x128xf32, #tpu.memory_space<vmem_shared>>
      %dma_wait3A_119 = arith.constant 0 : i32
      %dma_wait3A_120 = arith.constant 0 : i32
      %dma_wait3A_121 = tpu.memref_slice %arg13[%dma_wait3A_119, %dma_wait3A_120] : memref<128x128xf32, #tpu.memory_space<vmem>> -> memref<112x128xf32, #tpu.memory_space<vmem>>
      tpu.wait_dma2 semaphore(%run_scoped3A : memref<!tpu.dma_semaphore, #tpu.memory_space<semaphore_mem>>) src(%dma_wait3A_121 : memref<112x128xf32, #tpu.memory_space<vmem>>) dst(%dma_wait3A_118 : memref<112x128xf32, #tpu.memory_space<vmem_shared>>)
      tpu.yield
    }) : () -> ()
    %eq3A = arith.constant 0 : i32
    %eq3A_16 = arith.cmpi eq, %arg1, %eq3A : i32
    %convert_element_type3A = arith.extui %eq3A_16 : i1 to i32
    %cond3A = arith.constant 0 : i32
    %cond3A_17 = arith.cmpi ne, %convert_element_type3A, %cond3A : i32
    scf.if %cond3A_17 {
      "tpu.region"() ({
        %run_scoped3A = tpu.sem_alloc : memref<!tpu.dma_semaphore, #tpu.memory_space<semaphore_mem>>
        %dma_start3A_103 = arith.constant 0 : i32
        %dma_start3A_104 = arith.constant 0 : i32
        %dma_start3A_105 = tpu.memref_slice %arg13[%dma_start3A_103, %dma_start3A_104] : memref<128x128xf32, #tpu.memory_space<vmem>> -> memref<16x128xf32, #tpu.memory_space<vmem>>
        %dma_start3A_106 = arith.constant 9984 : i32
        %dma_start3A_107 = arith.constant 0 : i32
        %dma_start3A_108 = tpu.memref_slice %arg16[%dma_start3A_106, %dma_start3A_107] : memref<10000x128xf32, #tpu.memory_space<vmem_shared>> -> memref<16x128xf32, #tpu.memory_space<vmem_shared>>
        %dma_start3A_109 = arith.constant 9984 : i32
        %dma_start3A_110 = arith.constant 0 : i32
        %dma_start3A_111 = tpu.memref_slice %arg16[%dma_start3A_109, %dma_start3A_110] : memref<10000x128xf32, #tpu.memory_space<vmem_shared>> -> memref<16x128xf32, #tpu.memory_space<vmem_shared>>
        %dma_start3A_112 = arith.constant 0 : i32
        %dma_start3A_113 = arith.constant 0 : i32
        %dma_start3A_114 = tpu.memref_slice %arg13[%dma_start3A_112, %dma_start3A_113] : memref<128x128xf32, #tpu.memory_space<vmem>> -> memref<16x128xf32, #tpu.memory_space<vmem>>
        tpu.enqueue_dma source(%dma_start3A_114 : memref<16x128xf32, #tpu.memory_space<vmem>>) target(%dma_start3A_111 : memref<16x128xf32, #tpu.memory_space<vmem_shared>>) target_semaphore(%run_scoped3A : memref<!tpu.dma_semaphore, #tpu.memory_space<semaphore_mem>>)
        %dma_wait3A = arith.constant 0 : i32
        %dma_wait3A_115 = arith.constant 0 : i32
        %dma_wait3A_116 = tpu.memref_slice %arg13[%dma_wait3A, %dma_wait3A_115] : memref<128x128xf32, #tpu.memory_space<vmem>> -> memref<16x128xf32, #tpu.memory_space<vmem>>
        %dma_wait3A_117 = arith.constant 9984 : i32
        %dma_wait3A_118 = arith.constant 0 : i32
        %dma_wait3A_119 = tpu.memref_slice %arg16[%dma_wait3A_117, %dma_wait3A_118] : memref<10000x128xf32, #tpu.memory_space<vmem_shared>> -> memref<16x128xf32, #tpu.memory_space<vmem_shared>>
        %dma_wait3A_120 = arith.constant 9984 : i32
        %dma_wait3A_121 = arith.constant 0 : i32
        %dma_wait3A_122 = tpu.memref_slice %arg16[%dma_wait3A_120, %dma_wait3A_121] : memref<10000x128xf32, #tpu.memory_space<vmem_shared>> -> memref<16x128xf32, #tpu.memory_space<vmem_shared>>
        %dma_wait3A_123 = arith.constant 0 : i32
        %dma_wait3A_124 = arith.constant 0 : i32
        %dma_wait3A_125 = tpu.memref_slice %arg13[%dma_wait3A_123, %dma_wait3A_124] : memref<128x128xf32, #tpu.memory_space<vmem>> -> memref<16x128xf32, #tpu.memory_space<vmem>>
        tpu.wait_dma2 semaphore(%run_scoped3A : memref<!tpu.dma_semaphore, #tpu.memory_space<semaphore_mem>>) src(%dma_wait3A_125 : memref<16x128xf32, #tpu.memory_space<vmem>>) dst(%dma_wait3A_122 : memref<16x128xf32, #tpu.memory_space<vmem_shared>>)
        tpu.yield
      }) : () -> ()
    } else {
    }
    %eq3A_18 = arith.constant 0 : i32
    %eq3A_19 = arith.cmpi eq, %arg0, %eq3A_18 : i32
    %lt3A = arith.constant 10 : i32
    %lt3A_20 = arith.cmpi slt, %arg1, %lt3A : i32
    %and3A = arith.andi %eq3A_19, %lt3A_20 : i1
    %convert_element_type3A_21 = arith.extui %and3A : i1 to i32
    %cond3A_22 = arith.constant 0 : i32
    %cond3A_23 = arith.cmpi ne, %convert_element_type3A_21, %cond3A_22 : i32
    scf.if %cond3A_23 {
      %mul3A_103 = arith.constant 1000 : i32
      %mul3A_104 = arith.muli %arg1, %mul3A_103 : i32
      %swap3A_105 = arith.constant 0 : index
      %swap3A_106 = tpu.vector_load %arg15[%swap3A_105] {strides = array<i32>} : memref<1000xf32, #tpu.memory_space<vmem>>, vector<16xf32>,
      %swap3A_107 = vector.shape_cast %swap3A_106 : vector<16xf32> to vector<16xf32>
      %swap3A_108 = vector.shape_cast %broadcast_in_dim3A_1 : vector<16xf32> to vector<16xf32>
      tpu.vector_store %arg15[%swap3A_105], %swap3A_108 {strides = array<i32>} : memref<1000xf32, #tpu.memory_space<vmem>>, vector<16xf32>,
      %swap3A_109 = arith.constant 16 : index
      %swap3A_110 = tpu.vector_load %arg15[%swap3A_109] {strides = array<i32>} : memref<1000xf32, #tpu.memory_space<vmem>>, vector<16xf32>,
      %swap3A_111 = vector.shape_cast %swap3A_110 : vector<16xf32> to vector<16xf32>
      %swap3A_112 = vector.shape_cast %broadcast_in_dim3A_1 : vector<16xf32> to vector<16xf32>
      tpu.vector_store %arg15[%swap3A_109], %swap3A_112 {strides = array<i32>} : memref<1000xf32, #tpu.memory_space<vmem>>, vector<16xf32>,
      %swap3A_113 = arith.constant 32 : index
      %swap3A_114 = tpu.vector_load %arg15[%swap3A_113] {strides = array<i32>} : memref<1000xf32, #tpu.memory_space<vmem>>, vector<16xf32>,
      %swap3A_115 = vector.shape_cast %swap3A_114 : vector<16xf32> to vector<16xf32>
      %swap3A_116 = vector.shape_cast %broadcast_in_dim3A_1 : vector<16xf32> to vector<16xf32>
      tpu.vector_store %arg15[%swap3A_113], %swap3A_116 {strides = array<i32>} : memref<1000xf32, #tpu.memory_space<vmem>>, vector<16xf32>,
      %swap3A_117 = arith.constant 48 : index
      %swap3A_118 = tpu.vector_load %arg15[%swap3A_117] {strides = array<i32>} : memref<1000xf32, #tpu.memory_space<vmem>>, vector<16xf32>,
      %swap3A_119 = vector.shape_cast %swap3A_118 : vector<16xf32> to vector<16xf32>
      %swap3A_120 = vector.shape_cast %broadcast_in_dim3A_1 : vector<16xf32> to vector<16xf32>
      tpu.vector_store %arg15[%swap3A_117], %swap3A_120 {strides = array<i32>} : memref<1000xf32, #tpu.memory_space<vmem>>, vector<16xf32>,
      %swap3A_121 = arith.constant 64 : index
      %swap3A_122 = tpu.vector_load %arg15[%swap3A_121] {strides = array<i32>} : memref<1000xf32, #tpu.memory_space<vmem>>, vector<16xf32>,
      %swap3A_123 = vector.shape_cast %swap3A_122 : vector<16xf32> to vector<16xf32>
      %swap3A_124 = vector.shape_cast %broadcast_in_dim3A_1 : vector<16xf32> to vector<16xf32>
      tpu.vector_store %arg15[%swap3A_121], %swap3A_124 {strides = array<i32>} : memref<1000xf32, #tpu.memory_space<vmem>>, vector<16xf32>,
      %swap3A_125 = arith.constant 80 : index
      %swap3A_126 = tpu.vector_load %arg15[%swap3A_125] {strides = array<i32>} : memref<1000xf32, #tpu.memory_space<vmem>>, vector<16xf32>,
      %swap3A_127 = vector.shape_cast %swap3A_126 : vector<16xf32> to vector<16xf32>
      %swap3A_128 = vector.shape_cast %broadcast_in_dim3A_1 : vector<16xf32> to vector<16xf32>
      tpu.vector_store %arg15[%swap3A_125], %swap3A_128 {strides = array<i32>} : memref<1000xf32, #tpu.memory_space<vmem>>, vector<16xf32>,
      %swap3A_129 = arith.constant 96 : index
      %swap3A_130 = tpu.vector_load %arg15[%swap3A_129] {strides = array<i32>} : memref<1000xf32, #tpu.memory_space<vmem>>, vector<16xf32>,
      %swap3A_131 = vector.shape_cast %swap3A_130 : vector<16xf32> to vector<16xf32>
      %swap3A_132 = vector.shape_cast %broadcast_in_dim3A_1 : vector<16xf32> to vector<16xf32>
      tpu.vector_store %arg15[%swap3A_129], %swap3A_132 {strides = array<i32>} : memref<1000xf32, #tpu.memory_space<vmem>>, vector<16xf32>,
      %swap3A_133 = arith.constant 112 : index
      %swap3A_134 = tpu.vector_load %arg15[%swap3A_133] {strides = array<i32>} : memref<1000xf32, #tpu.memory_space<vmem>>, vector<16xf32>,
      %swap3A_135 = vector.shape_cast %swap3A_134 : vector<16xf32> to vector<16xf32>
      %swap3A_136 = vector.shape_cast %broadcast_in_dim3A_1 : vector<16xf32> to vector<16xf32>
      tpu.vector_store %arg15[%swap3A_133], %swap3A_136 {strides = array<i32>} : memref<1000xf32, #tpu.memory_space<vmem>>, vector<16xf32>,
      %swap3A_137 = arith.constant 128 : index
      %swap3A_138 = tpu.vector_load %arg15[%swap3A_137] {strides = array<i32>} : memref<1000xf32, #tpu.memory_space<vmem>>, vector<16xf32>,
      %swap3A_139 = vector.shape_cast %swap3A_138 : vector<16xf32> to vector<16xf32>
      %swap3A_140 = vector.shape_cast %broadcast_in_dim3A_1 : vector<16xf32> to vector<16xf32>
      tpu.vector_store %arg15[%swap3A_137], %swap3A_140 {strides = array<i32>} : memref<1000xf32, #tpu.memory_space<vmem>>, vector<16xf32>,
      %swap3A_141 = arith.constant 144 : index
      %swap3A_142 = tpu.vector_load %arg15[%swap3A_141] {strides = array<i32>} : memref<1000xf32, #tpu.memory_space<vmem>>, vector<16xf32>,
      %swap3A_143 = vector.shape_cast %swap3A_142 : vector<16xf32> to vector<16xf32>
      %swap3A_144 = vector.shape_cast %broadcast_in_dim3A_1 : vector<16xf32> to vector<16xf32>
      tpu.vector_store %arg15[%swap3A_141], %swap3A_144 {strides = array<i32>} : memref<1000xf32, #tpu.memory_space<vmem>>, vector<16xf32>,
      %swap3A_145 = arith.constant 160 : index
      %swap3A_146 = tpu.vector_load %arg15[%swap3A_145] {strides = array<i32>} : memref<1000xf32, #tpu.memory_space<vmem>>, vector<16xf32>,
      %swap3A_147 = vector.shape_cast %swap3A_146 : vector<16xf32> to vector<16xf32>
      %swap3A_148 = vector.shape_cast %broadcast_in_dim3A_1 : vector<16xf32> to vector<16xf32>
      tpu.vector_store %arg15[%swap3A_145], %swap3A_148 {strides = array<i32>} : memref<1000xf32, #tpu.memory_space<vmem>>, vector<16xf32>,
      %swap3A_149 = arith.constant 176 : index
      %swap3A_150 = tpu.vector_load %arg15[%swap3A_149] {strides = array<i32>} : memref<1000xf32, #tpu.memory_space<vmem>>, vector<16xf32>,
      %swap3A_151 = vector.shape_cast %swap3A_150 : vector<16xf32> to vector<16xf32>
      %swap3A_152 = vector.shape_cast %broadcast_in_dim3A_1 : vector<16xf32> to vector<16xf32>
      tpu.vector_store %arg15[%swap3A_149], %swap3A_152 {strides = array<i32>} : memref<1000xf32, #tpu.memory_space<vmem>>, vector<16xf32>,
      %swap3A_153 = arith.constant 192 : index
      %swap3A_154 = tpu.vector_load %arg15[%swap3A_153] {strides = array<i32>} : memref<1000xf32, #tpu.memory_space<vmem>>, vector<16xf32>,
      %swap3A_155 = vector.shape_cast %swap3A_154 : vector<16xf32> to vector<16xf32>
      %swap3A_156 = vector.shape_cast %broadcast_in_dim3A_1 : vector<16xf32> to vector<16xf32>
      tpu.vector_store %arg15[%swap3A_153], %swap3A_156 {strides = array<i32>} : memref<1000xf32, #tpu.memory_space<vmem>>, vector<16xf32>,
      %swap3A_157 = arith.constant 208 : index
      %swap3A_158 = tpu.vector_load %arg15[%swap3A_157] {strides = array<i32>} : memref<1000xf32, #tpu.memory_space<vmem>>, vector<16xf32>,
      %swap3A_159 = vector.shape_cast %swap3A_158 : vector<16xf32> to vector<16xf32>
      %swap3A_160 = vector.shape_cast %broadcast_in_dim3A_1 : vector<16xf32> to vector<16xf32>
      tpu.vector_store %arg15[%swap3A_157], %swap3A_160 {strides = array<i32>} : memref<1000xf32, #tpu.memory_space<vmem>>, vector<16xf32>,
      %swap3A_161 = arith.constant 224 : index
      %swap3A_162 = tpu.vector_load %arg15[%swap3A_161] {strides = array<i32>} : memref<1000xf32, #tpu.memory_space<vmem>>, vector<16xf32>,
      %swap3A_163 = vector.shape_cast %swap3A_162 : vector<16xf32> to vector<16xf32>
      %swap3A_164 = vector.shape_cast %broadcast_in_dim3A_1 : vector<16xf32> to vector<16xf32>
      tpu.vector_store %arg15[%swap3A_161], %swap3A_164 {strides = array<i32>} : memref<1000xf32, #tpu.memory_space<vmem>>, vector<16xf32>,
      %swap3A_165 = arith.constant 240 : index
      %swap3A_166 = tpu.vector_load %arg15[%swap3A_165] {strides = array<i32>} : memref<1000xf32, #tpu.memory_space<vmem>>, vector<16xf32>,
      %swap3A_167 = vector.shape_cast %swap3A_166 : vector<16xf32> to vector<16xf32>
      %swap3A_168 = vector.shape_cast %broadcast_in_dim3A_1 : vector<16xf32> to vector<16xf32>
      tpu.vector_store %arg15[%swap3A_165], %swap3A_168 {strides = array<i32>} : memref<1000xf32, #tpu.memory_space<vmem>>, vector<16xf32>,
      %swap3A_169 = arith.constant 256 : index
      %swap3A_170 = tpu.vector_load %arg15[%swap3A_169] {strides = array<i32>} : memref<1000xf32, #tpu.memory_space<vmem>>, vector<16xf32>,
      %swap3A_171 = vector.shape_cast %swap3A_170 : vector<16xf32> to vector<16xf32>
      %swap3A_172 = vector.shape_cast %broadcast_in_dim3A_1 : vector<16xf32> to vector<16xf32>
      tpu.vector_store %arg15[%swap3A_169], %swap3A_172 {strides = array<i32>} : memref<1000xf32, #tpu.memory_space<vmem>>, vector<16xf32>,
      %swap3A_173 = arith.constant 272 : index
      %swap3A_174 = tpu.vector_load %arg15[%swap3A_173] {strides = array<i32>} : memref<1000xf32, #tpu.memory_space<vmem>>, vector<16xf32>,
      %swap3A_175 = vector.shape_cast %swap3A_174 : vector<16xf32> to vector<16xf32>
      %swap3A_176 = vector.shape_cast %broadcast_in_dim3A_1 : vector<16xf32> to vector<16xf32>
      tpu.vector_store %arg15[%swap3A_173], %swap3A_176 {strides = array<i32>} : memref<1000xf32, #tpu.memory_space<vmem>>, vector<16xf32>,
      %swap3A_177 = arith.constant 288 : index
      %swap3A_178 = tpu.vector_load %arg15[%swap3A_177] {strides = array<i32>} : memref<1000xf32, #tpu.memory_space<vmem>>, vector<16xf32>,
      %swap3A_179 = vector.shape_cast %swap3A_178 : vector<16xf32> to vector<16xf32>
      %swap3A_180 = vector.shape_cast %broadcast_in_dim3A_1 : vector<16xf32> to vector<16xf32>
      tpu.vector_store %arg15[%swap3A_177], %swap3A_180 {strides = array<i32>} : memref<1000xf32, #tpu.memory_space<vmem>>, vector<16xf32>,
      %swap3A_181 = arith.constant 304 : index
      %swap3A_182 = tpu.vector_load %arg15[%swap3A_181] {strides = array<i32>} : memref<1000xf32, #tpu.memory_space<vmem>>, vector<16xf32>,
      %swap3A_183 = vector.shape_cast %swap3A_182 : vector<16xf32> to vector<16xf32>
      %swap3A_184 = vector.shape_cast %broadcast_in_dim3A_1 : vector<16xf32> to vector<16xf32>
      tpu.vector_store %arg15[%swap3A_181], %swap3A_184 {strides = array<i32>} : memref<1000xf32, #tpu.memory_space<vmem>>, vector<16xf32>,
      %swap3A_185 = arith.constant 320 : index
      %swap3A_186 = tpu.vector_load %arg15[%swap3A_185] {strides = array<i32>} : memref<1000xf32, #tpu.memory_space<vmem>>, vector<16xf32>,
      %swap3A_187 = vector.shape_cast %swap3A_186 : vector<16xf32> to vector<16xf32>
      %swap3A_188 = vector.shape_cast %broadcast_in_dim3A_1 : vector<16xf32> to vector<16xf32>
      tpu.vector_store %arg15[%swap3A_185], %swap3A_188 {strides = array<i32>} : memref<1000xf32, #tpu.memory_space<vmem>>, vector<16xf32>,
      %swap3A_189 = arith.constant 336 : index
      %swap3A_190 = tpu.vector_load %arg15[%swap3A_189] {strides = array<i32>} : memref<1000xf32, #tpu.memory_space<vmem>>, vector<16xf32>,
      %swap3A_191 = vector.shape_cast %swap3A_190 : vector<16xf32> to vector<16xf32>
      %swap3A_192 = vector.shape_cast %broadcast_in_dim3A_1 : vector<16xf32> to vector<16xf32>
      tpu.vector_store %arg15[%swap3A_189], %swap3A_192 {strides = array<i32>} : memref<1000xf32, #tpu.memory_space<vmem>>, vector<16xf32>,
      %swap3A_193 = arith.constant 352 : index
      %swap3A_194 = tpu.vector_load %arg15[%swap3A_193] {strides = array<i32>} : memref<1000xf32, #tpu.memory_space<vmem>>, vector<16xf32>,
      %swap3A_195 = vector.shape_cast %swap3A_194 : vector<16xf32> to vector<16xf32>
      %swap3A_196 = vector.shape_cast %broadcast_in_dim3A_1 : vector<16xf32> to vector<16xf32>
      tpu.vector_store %arg15[%swap3A_193], %swap3A_196 {strides = array<i32>} : memref<1000xf32, #tpu.memory_space<vmem>>, vector<16xf32>,
      %swap3A_197 = arith.constant 368 : index
      %swap3A_198 = tpu.vector_load %arg15[%swap3A_197] {strides = array<i32>} : memref<1000xf32, #tpu.memory_space<vmem>>, vector<16xf32>,
      %swap3A_199 = vector.shape_cast %swap3A_198 : vector<16xf32> to vector<16xf32>
      %swap3A_200 = vector.shape_cast %broadcast_in_dim3A_1 : vector<16xf32> to vector<16xf32>
      tpu.vector_store %arg15[%swap3A_197], %swap3A_200 {strides = array<i32>} : memref<1000xf32, #tpu.memory_space<vmem>>, vector<16xf32>,
      %swap3A_201 = arith.constant 384 : index
      %swap3A_202 = tpu.vector_load %arg15[%swap3A_201] {strides = array<i32>} : memref<1000xf32, #tpu.memory_space<vmem>>, vector<16xf32>,
      %swap3A_203 = vector.shape_cast %swap3A_202 : vector<16xf32> to vector<16xf32>
      %swap3A_204 = vector.shape_cast %broadcast_in_dim3A_1 : vector<16xf32> to vector<16xf32>
      tpu.vector_store %arg15[%swap3A_201], %swap3A_204 {strides = array<i32>} : memref<1000xf32, #tpu.memory_space<vmem>>, vector<16xf32>,
      %swap3A_205 = arith.constant 400 : index
      %swap3A_206 = tpu.vector_load %arg15[%swap3A_205] {strides = array<i32>} : memref<1000xf32, #tpu.memory_space<vmem>>, vector<16xf32>,
      %swap3A_207 = vector.shape_cast %swap3A_206 : vector<16xf32> to vector<16xf32>
      %swap3A_208 = vector.shape_cast %broadcast_in_dim3A_1 : vector<16xf32> to vector<16xf32>
      tpu.vector_store %arg15[%swap3A_205], %swap3A_208 {strides = array<i32>} : memref<1000xf32, #tpu.memory_space<vmem>>, vector<16xf32>,
      %swap3A_209 = arith.constant 416 : index
      %swap3A_210 = tpu.vector_load %arg15[%swap3A_209] {strides = array<i32>} : memref<1000xf32, #tpu.memory_space<vmem>>, vector<16xf32>,
      %swap3A_211 = vector.shape_cast %swap3A_210 : vector<16xf32> to vector<16xf32>
      %swap3A_212 = vector.shape_cast %broadcast_in_dim3A_1 : vector<16xf32> to vector<16xf32>
      tpu.vector_store %arg15[%swap3A_209], %swap3A_212 {strides = array<i32>} : memref<1000xf32, #tpu.memory_space<vmem>>, vector<16xf32>,
      %swap3A_213 = arith.constant 432 : index
      %swap3A_214 = tpu.vector_load %arg15[%swap3A_213] {strides = array<i32>} : memref<1000xf32, #tpu.memory_space<vmem>>, vector<16xf32>,
      %swap3A_215 = vector.shape_cast %swap3A_214 : vector<16xf32> to vector<16xf32>
      %swap3A_216 = vector.shape_cast %broadcast_in_dim3A_1 : vector<16xf32> to vector<16xf32>
      tpu.vector_store %arg15[%swap3A_213], %swap3A_216 {strides = array<i32>} : memref<1000xf32, #tpu.memory_space<vmem>>, vector<16xf32>,
      %swap3A_217 = arith.constant 448 : index
      %swap3A_218 = tpu.vector_load %arg15[%swap3A_217] {strides = array<i32>} : memref<1000xf32, #tpu.memory_space<vmem>>, vector<16xf32>,
      %swap3A_219 = vector.shape_cast %swap3A_218 : vector<16xf32> to vector<16xf32>
      %swap3A_220 = vector.shape_cast %broadcast_in_dim3A_1 : vector<16xf32> to vector<16xf32>
      tpu.vector_store %arg15[%swap3A_217], %swap3A_220 {strides = array<i32>} : memref<1000xf32, #tpu.memory_space<vmem>>, vector<16xf32>,
      %swap3A_221 = arith.constant 464 : index
      %swap3A_222 = tpu.vector_load %arg15[%swap3A_221] {strides = array<i32>} : memref<1000xf32, #tpu.memory_space<vmem>>, vector<16xf32>,
      %swap3A_223 = vector.shape_cast %swap3A_222 : vector<16xf32> to vector<16xf32>
      %swap3A_224 = vector.shape_cast %broadcast_in_dim3A_1 : vector<16xf32> to vector<16xf32>
      tpu.vector_store %arg15[%swap3A_221], %swap3A_224 {strides = array<i32>} : memref<1000xf32, #tpu.memory_space<vmem>>, vector<16xf32>,
      %swap3A_225 = arith.constant 480 : index
      %swap3A_226 = tpu.vector_load %arg15[%swap3A_225] {strides = array<i32>} : memref<1000xf32, #tpu.memory_space<vmem>>, vector<16xf32>,
      %swap3A_227 = vector.shape_cast %swap3A_226 : vector<16xf32> to vector<16xf32>
      %swap3A_228 = vector.shape_cast %broadcast_in_dim3A_1 : vector<16xf32> to vector<16xf32>
      tpu.vector_store %arg15[%swap3A_225], %swap3A_228 {strides = array<i32>} : memref<1000xf32, #tpu.memory_space<vmem>>, vector<16xf32>,
      %swap3A_229 = arith.constant 496 : index
      %swap3A_230 = tpu.vector_load %arg15[%swap3A_229] {strides = array<i32>} : memref<1000xf32, #tpu.memory_space<vmem>>, vector<16xf32>,
      %swap3A_231 = vector.shape_cast %swap3A_230 : vector<16xf32> to vector<16xf32>
      %swap3A_232 = vector.shape_cast %broadcast_in_dim3A_1 : vector<16xf32> to vector<16xf32>
      tpu.vector_store %arg15[%swap3A_229], %swap3A_232 {strides = array<i32>} : memref<1000xf32, #tpu.memory_space<vmem>>, vector<16xf32>,
      %swap3A_233 = arith.constant 512 : index
      %swap3A_234 = tpu.vector_load %arg15[%swap3A_233] {strides = array<i32>} : memref<1000xf32, #tpu.memory_space<vmem>>, vector<16xf32>,
      %swap3A_235 = vector.shape_cast %swap3A_234 : vector<16xf32> to vector<16xf32>
      %swap3A_236 = vector.shape_cast %broadcast_in_dim3A_1 : vector<16xf32> to vector<16xf32>
      tpu.vector_store %arg15[%swap3A_233], %swap3A_236 {strides = array<i32>} : memref<1000xf32, #tpu.memory_space<vmem>>, vector<16xf32>,
      %swap3A_237 = arith.constant 528 : index
      %swap3A_238 = tpu.vector_load %arg15[%swap3A_237] {strides = array<i32>} : memref<1000xf32, #tpu.memory_space<vmem>>, vector<16xf32>,
      %swap3A_239 = vector.shape_cast %swap3A_238 : vector<16xf32> to vector<16xf32>
      %swap3A_240 = vector.shape_cast %broadcast_in_dim3A_1 : vector<16xf32> to vector<16xf32>
      tpu.vector_store %arg15[%swap3A_237], %swap3A_240 {strides = array<i32>} : memref<1000xf32, #tpu.memory_space<vmem>>, vector<16xf32>,
      %swap3A_241 = arith.constant 544 : index
      %swap3A_242 = tpu.vector_load %arg15[%swap3A_241] {strides = array<i32>} : memref<1000xf32, #tpu.memory_space<vmem>>, vector<16xf32>,
      %swap3A_243 = vector.shape_cast %swap3A_242 : vector<16xf32> to vector<16xf32>
      %swap3A_244 = vector.shape_cast %broadcast_in_dim3A_1 : vector<16xf32> to vector<16xf32>
      tpu.vector_store %arg15[%swap3A_241], %swap3A_244 {strides = array<i32>} : memref<1000xf32, #tpu.memory_space<vmem>>, vector<16xf32>,
      %swap3A_245 = arith.constant 560 : index
      %swap3A_246 = tpu.vector_load %arg15[%swap3A_245] {strides = array<i32>} : memref<1000xf32, #tpu.memory_space<vmem>>, vector<16xf32>,
      %swap3A_247 = vector.shape_cast %swap3A_246 : vector<16xf32> to vector<16xf32>
      %swap3A_248 = vector.shape_cast %broadcast_in_dim3A_1 : vector<16xf32> to vector<16xf32>
      tpu.vector_store %arg15[%swap3A_245], %swap3A_248 {strides = array<i32>} : memref<1000xf32, #tpu.memory_space<vmem>>, vector<16xf32>,
      %swap3A_249 = arith.constant 576 : index
      %swap3A_250 = tpu.vector_load %arg15[%swap3A_249] {strides = array<i32>} : memref<1000xf32, #tpu.memory_space<vmem>>, vector<16xf32>,
      %swap3A_251 = vector.shape_cast %swap3A_250 : vector<16xf32> to vector<16xf32>
      %swap3A_252 = vector.shape_cast %broadcast_in_dim3A_1 : vector<16xf32> to vector<16xf32>
      tpu.vector_store %arg15[%swap3A_249], %swap3A_252 {strides = array<i32>} : memref<1000xf32, #tpu.memory_space<vmem>>, vector<16xf32>,
      %swap3A_253 = arith.constant 592 : index
      %swap3A_254 = tpu.vector_load %arg15[%swap3A_253] {strides = array<i32>} : memref<1000xf32, #tpu.memory_space<vmem>>, vector<16xf32>,
      %swap3A_255 = vector.shape_cast %swap3A_254 : vector<16xf32> to vector<16xf32>
      %swap3A_256 = vector.shape_cast %broadcast_in_dim3A_1 : vector<16xf32> to vector<16xf32>
      tpu.vector_store %arg15[%swap3A_253], %swap3A_256 {strides = array<i32>} : memref<1000xf32, #tpu.memory_space<vmem>>, vector<16xf32>,
      %swap3A_257 = arith.constant 608 : index
      %swap3A_258 = tpu.vector_load %arg15[%swap3A_257] {strides = array<i32>} : memref<1000xf32, #tpu.memory_space<vmem>>, vector<16xf32>,
      %swap3A_259 = vector.shape_cast %swap3A_258 : vector<16xf32> to vector<16xf32>
      %swap3A_260 = vector.shape_cast %broadcast_in_dim3A_1 : vector<16xf32> to vector<16xf32>
      tpu.vector_store %arg15[%swap3A_257], %swap3A_260 {strides = array<i32>} : memref<1000xf32, #tpu.memory_space<vmem>>, vector<16xf32>,
      %swap3A_261 = arith.constant 624 : index
      %swap3A_262 = tpu.vector_load %arg15[%swap3A_261] {strides = array<i32>} : memref<1000xf32, #tpu.memory_space<vmem>>, vector<16xf32>,
      %swap3A_263 = vector.shape_cast %swap3A_262 : vector<16xf32> to vector<16xf32>
      %swap3A_264 = vector.shape_cast %broadcast_in_dim3A_1 : vector<16xf32> to vector<16xf32>
      tpu.vector_store %arg15[%swap3A_261], %swap3A_264 {strides = array<i32>} : memref<1000xf32, #tpu.memory_space<vmem>>, vector<16xf32>,
      %swap3A_265 = arith.constant 640 : index
      %swap3A_266 = tpu.vector_load %arg15[%swap3A_265] {strides = array<i32>} : memref<1000xf32, #tpu.memory_space<vmem>>, vector<16xf32>,
      %swap3A_267 = vector.shape_cast %swap3A_266 : vector<16xf32> to vector<16xf32>
      %swap3A_268 = vector.shape_cast %broadcast_in_dim3A_1 : vector<16xf32> to vector<16xf32>
      tpu.vector_store %arg15[%swap3A_265], %swap3A_268 {strides = array<i32>} : memref<1000xf32, #tpu.memory_space<vmem>>, vector<16xf32>,
      %swap3A_269 = arith.constant 656 : index
      %swap3A_270 = tpu.vector_load %arg15[%swap3A_269] {strides = array<i32>} : memref<1000xf32, #tpu.memory_space<vmem>>, vector<16xf32>,
      %swap3A_271 = vector.shape_cast %swap3A_270 : vector<16xf32> to vector<16xf32>
      %swap3A_272 = vector.shape_cast %broadcast_in_dim3A_1 : vector<16xf32> to vector<16xf32>
      tpu.vector_store %arg15[%swap3A_269], %swap3A_272 {strides = array<i32>} : memref<1000xf32, #tpu.memory_space<vmem>>, vector<16xf32>,
      %swap3A_273 = arith.constant 672 : index
      %swap3A_274 = tpu.vector_load %arg15[%swap3A_273] {strides = array<i32>} : memref<1000xf32, #tpu.memory_space<vmem>>, vector<16xf32>,
      %swap3A_275 = vector.shape_cast %swap3A_274 : vector<16xf32> to vector<16xf32>
      %swap3A_276 = vector.shape_cast %broadcast_in_dim3A_1 : vector<16xf32> to vector<16xf32>
      tpu.vector_store %arg15[%swap3A_273], %swap3A_276 {strides = array<i32>} : memref<1000xf32, #tpu.memory_space<vmem>>, vector<16xf32>,
      %swap3A_277 = arith.constant 688 : index
      %swap3A_278 = tpu.vector_load %arg15[%swap3A_277] {strides = array<i32>} : memref<1000xf32, #tpu.memory_space<vmem>>, vector<16xf32>,
      %swap3A_279 = vector.shape_cast %swap3A_278 : vector<16xf32> to vector<16xf32>
      %swap3A_280 = vector.shape_cast %broadcast_in_dim3A_1 : vector<16xf32> to vector<16xf32>
      tpu.vector_store %arg15[%swap3A_277], %swap3A_280 {strides = array<i32>} : memref<1000xf32, #tpu.memory_space<vmem>>, vector<16xf32>,
      %swap3A_281 = arith.constant 704 : index
      %swap3A_282 = tpu.vector_load %arg15[%swap3A_281] {strides = array<i32>} : memref<1000xf32, #tpu.memory_space<vmem>>, vector<16xf32>,
      %swap3A_283 = vector.shape_cast %swap3A_282 : vector<16xf32> to vector<16xf32>
      %swap3A_284 = vector.shape_cast %broadcast_in_dim3A_1 : vector<16xf32> to vector<16xf32>
      tpu.vector_store %arg15[%swap3A_281], %swap3A_284 {strides = array<i32>} : memref<1000xf32, #tpu.memory_space<vmem>>, vector<16xf32>,
      %swap3A_285 = arith.constant 720 : index
      %swap3A_286 = tpu.vector_load %arg15[%swap3A_285] {strides = array<i32>} : memref<1000xf32, #tpu.memory_space<vmem>>, vector<16xf32>,
      %swap3A_287 = vector.shape_cast %swap3A_286 : vector<16xf32> to vector<16xf32>
      %swap3A_288 = vector.shape_cast %broadcast_in_dim3A_1 : vector<16xf32> to vector<16xf32>
      tpu.vector_store %arg15[%swap3A_285], %swap3A_288 {strides = array<i32>} : memref<1000xf32, #tpu.memory_space<vmem>>, vector<16xf32>,
      %swap3A_289 = arith.constant 736 : index
      %swap3A_290 = tpu.vector_load %arg15[%swap3A_289] {strides = array<i32>} : memref<1000xf32, #tpu.memory_space<vmem>>, vector<16xf32>,
      %swap3A_291 = vector.shape_cast %swap3A_290 : vector<16xf32> to vector<16xf32>
      %swap3A_292 = vector.shape_cast %broadcast_in_dim3A_1 : vector<16xf32> to vector<16xf32>
      tpu.vector_store %arg15[%swap3A_289], %swap3A_292 {strides = array<i32>} : memref<1000xf32, #tpu.memory_space<vmem>>, vector<16xf32>,
      %swap3A_293 = arith.constant 752 : index
      %swap3A_294 = tpu.vector_load %arg15[%swap3A_293] {strides = array<i32>} : memref<1000xf32, #tpu.memory_space<vmem>>, vector<16xf32>,
      %swap3A_295 = vector.shape_cast %swap3A_294 : vector<16xf32> to vector<16xf32>
      %swap3A_296 = vector.shape_cast %broadcast_in_dim3A_1 : vector<16xf32> to vector<16xf32>
      tpu.vector_store %arg15[%swap3A_293], %swap3A_296 {strides = array<i32>} : memref<1000xf32, #tpu.memory_space<vmem>>, vector<16xf32>,
      %swap3A_297 = arith.constant 768 : index
      %swap3A_298 = tpu.vector_load %arg15[%swap3A_297] {strides = array<i32>} : memref<1000xf32, #tpu.memory_space<vmem>>, vector<16xf32>,
      %swap3A_299 = vector.shape_cast %swap3A_298 : vector<16xf32> to vector<16xf32>
      %swap3A_300 = vector.shape_cast %broadcast_in_dim3A_1 : vector<16xf32> to vector<16xf32>
      tpu.vector_store %arg15[%swap3A_297], %swap3A_300 {strides = array<i32>} : memref<1000xf32, #tpu.memory_space<vmem>>, vector<16xf32>,
      %swap3A_301 = arith.constant 784 : index
      %swap3A_302 = tpu.vector_load %arg15[%swap3A_301] {strides = array<i32>} : memref<1000xf32, #tpu.memory_space<vmem>>, vector<16xf32>,
      %swap3A_303 = vector.shape_cast %swap3A_302 : vector<16xf32> to vector<16xf32>
      %swap3A_304 = vector.shape_cast %broadcast_in_dim3A_1 : vector<16xf32> to vector<16xf32>
      tpu.vector_store %arg15[%swap3A_301], %swap3A_304 {strides = array<i32>} : memref<1000xf32, #tpu.memory_space<vmem>>, vector<16xf32>,
      %swap3A_305 = arith.constant 800 : index
      %swap3A_306 = tpu.vector_load %arg15[%swap3A_305] {strides = array<i32>} : memref<1000xf32, #tpu.memory_space<vmem>>, vector<16xf32>,
      %swap3A_307 = vector.shape_cast %swap3A_306 : vector<16xf32> to vector<16xf32>
      %swap3A_308 = vector.shape_cast %broadcast_in_dim3A_1 : vector<16xf32> to vector<16xf32>
      tpu.vector_store %arg15[%swap3A_305], %swap3A_308 {strides = array<i32>} : memref<1000xf32, #tpu.memory_space<vmem>>, vector<16xf32>,
      %swap3A_309 = arith.constant 816 : index
      %swap3A_310 = tpu.vector_load %arg15[%swap3A_309] {strides = array<i32>} : memref<1000xf32, #tpu.memory_space<vmem>>, vector<16xf32>,
      %swap3A_311 = vector.shape_cast %swap3A_310 : vector<16xf32> to vector<16xf32>
      %swap3A_312 = vector.shape_cast %broadcast_in_dim3A_1 : vector<16xf32> to vector<16xf32>
      tpu.vector_store %arg15[%swap3A_309], %swap3A_312 {strides = array<i32>} : memref<1000xf32, #tpu.memory_space<vmem>>, vector<16xf32>,
      %swap3A_313 = arith.constant 832 : index
      %swap3A_314 = tpu.vector_load %arg15[%swap3A_313] {strides = array<i32>} : memref<1000xf32, #tpu.memory_space<vmem>>, vector<16xf32>,
      %swap3A_315 = vector.shape_cast %swap3A_314 : vector<16xf32> to vector<16xf32>
      %swap3A_316 = vector.shape_cast %broadcast_in_dim3A_1 : vector<16xf32> to vector<16xf32>
      tpu.vector_store %arg15[%swap3A_313], %swap3A_316 {strides = array<i32>} : memref<1000xf32, #tpu.memory_space<vmem>>, vector<16xf32>,
      %swap3A_317 = arith.constant 848 : index
      %swap3A_318 = tpu.vector_load %arg15[%swap3A_317] {strides = array<i32>} : memref<1000xf32, #tpu.memory_space<vmem>>, vector<16xf32>,
      %swap3A_319 = vector.shape_cast %swap3A_318 : vector<16xf32> to vector<16xf32>
      %swap3A_320 = vector.shape_cast %broadcast_in_dim3A_1 : vector<16xf32> to vector<16xf32>
      tpu.vector_store %arg15[%swap3A_317], %swap3A_320 {strides = array<i32>} : memref<1000xf32, #tpu.memory_space<vmem>>, vector<16xf32>,
      %swap3A_321 = arith.constant 864 : index
      %swap3A_322 = tpu.vector_load %arg15[%swap3A_321] {strides = array<i32>} : memref<1000xf32, #tpu.memory_space<vmem>>, vector<16xf32>,
      %swap3A_323 = vector.shape_cast %swap3A_322 : vector<16xf32> to vector<16xf32>
      %swap3A_324 = vector.shape_cast %broadcast_in_dim3A_1 : vector<16xf32> to vector<16xf32>
      tpu.vector_store %arg15[%swap3A_321], %swap3A_324 {strides = array<i32>} : memref<1000xf32, #tpu.memory_space<vmem>>, vector<16xf32>,
      %swap3A_325 = arith.constant 880 : index
      %swap3A_326 = tpu.vector_load %arg15[%swap3A_325] {strides = array<i32>} : memref<1000xf32, #tpu.memory_space<vmem>>, vector<16xf32>,
      %swap3A_327 = vector.shape_cast %swap3A_326 : vector<16xf32> to vector<16xf32>
      %swap3A_328 = vector.shape_cast %broadcast_in_dim3A_1 : vector<16xf32> to vector<16xf32>
      tpu.vector_store %arg15[%swap3A_325], %swap3A_328 {strides = array<i32>} : memref<1000xf32, #tpu.memory_space<vmem>>, vector<16xf32>,
      %swap3A_329 = arith.constant 896 : index
      %swap3A_330 = tpu.vector_load %arg15[%swap3A_329] {strides = array<i32>} : memref<1000xf32, #tpu.memory_space<vmem>>, vector<16xf32>,
      %swap3A_331 = vector.shape_cast %swap3A_330 : vector<16xf32> to vector<16xf32>
      %swap3A_332 = vector.shape_cast %broadcast_in_dim3A_1 : vector<16xf32> to vector<16xf32>
      tpu.vector_store %arg15[%swap3A_329], %swap3A_332 {strides = array<i32>} : memref<1000xf32, #tpu.memory_space<vmem>>, vector<16xf32>,
      %swap3A_333 = arith.constant 912 : index
      %swap3A_334 = tpu.vector_load %arg15[%swap3A_333] {strides = array<i32>} : memref<1000xf32, #tpu.memory_space<vmem>>, vector<16xf32>,
      %swap3A_335 = vector.shape_cast %swap3A_334 : vector<16xf32> to vector<16xf32>
      %swap3A_336 = vector.shape_cast %broadcast_in_dim3A_1 : vector<16xf32> to vector<16xf32>
      tpu.vector_store %arg15[%swap3A_333], %swap3A_336 {strides = array<i32>} : memref<1000xf32, #tpu.memory_space<vmem>>, vector<16xf32>,
      %swap3A_337 = arith.constant 928 : index
      %swap3A_338 = tpu.vector_load %arg15[%swap3A_337] {strides = array<i32>} : memref<1000xf32, #tpu.memory_space<vmem>>, vector<16xf32>,
      %swap3A_339 = vector.shape_cast %swap3A_338 : vector<16xf32> to vector<16xf32>
      %swap3A_340 = vector.shape_cast %broadcast_in_dim3A_1 : vector<16xf32> to vector<16xf32>
      tpu.vector_store %arg15[%swap3A_337], %swap3A_340 {strides = array<i32>} : memref<1000xf32, #tpu.memory_space<vmem>>, vector<16xf32>,
      %swap3A_341 = arith.constant 944 : index
      %swap3A_342 = tpu.vector_load %arg15[%swap3A_341] {strides = array<i32>} : memref<1000xf32, #tpu.memory_space<vmem>>, vector<16xf32>,
      %swap3A_343 = vector.shape_cast %swap3A_342 : vector<16xf32> to vector<16xf32>
      %swap3A_344 = vector.shape_cast %broadcast_in_dim3A_1 : vector<16xf32> to vector<16xf32>
      tpu.vector_store %arg15[%swap3A_341], %swap3A_344 {strides = array<i32>} : memref<1000xf32, #tpu.memory_space<vmem>>, vector<16xf32>,
      %swap3A_345 = arith.constant 960 : index
      %swap3A_346 = tpu.vector_load %arg15[%swap3A_345] {strides = array<i32>} : memref<1000xf32, #tpu.memory_space<vmem>>, vector<16xf32>,
      %swap3A_347 = vector.shape_cast %swap3A_346 : vector<16xf32> to vector<16xf32>
      %swap3A_348 = vector.shape_cast %broadcast_in_dim3A_1 : vector<16xf32> to vector<16xf32>
      tpu.vector_store %arg15[%swap3A_345], %swap3A_348 {strides = array<i32>} : memref<1000xf32, #tpu.memory_space<vmem>>, vector<16xf32>,
      %swap3A_349 = arith.constant 976 : index
      %swap3A_350 = tpu.vector_load %arg15[%swap3A_349] {strides = array<i32>} : memref<1000xf32, #tpu.memory_space<vmem>>, vector<16xf32>,
      %swap3A_351 = vector.shape_cast %swap3A_350 : vector<16xf32> to vector<16xf32>
      %swap3A_352 = vector.shape_cast %broadcast_in_dim3A_1 : vector<16xf32> to vector<16xf32>
      tpu.vector_store %arg15[%swap3A_349], %swap3A_352 {strides = array<i32>} : memref<1000xf32, #tpu.memory_space<vmem>>, vector<16xf32>,
      %swap3A_353 = arith.constant 984 : index
      %swap3A_354 = tpu.vector_load %arg15[%swap3A_353] {strides = array<i32>} : memref<1000xf32, #tpu.memory_space<vmem>>, vector<16xf32>,
      %swap3A_355 = vector.shape_cast %swap3A_354 : vector<16xf32> to vector<16xf32>
      %swap3A_356 = vector.shape_cast %broadcast_in_dim3A_1 : vector<16xf32> to vector<16xf32>
      tpu.vector_store %arg15[%swap3A_353], %swap3A_356 {strides = array<i32>} : memref<1000xf32, #tpu.memory_space<vmem>>, vector<16xf32>,
      "tpu.region"() ({
        %run_scoped3A = tpu.sem_alloc : memref<!tpu.dma_semaphore, #tpu.memory_space<semaphore_mem>>
        %dma_start3A_357 = tpu.memref_slice %arg17[%mul3A_104] : memref<10000xf32, #tpu.memory_space<vmem_shared>> -> memref<1000xf32, #tpu.memory_space<vmem_shared>>
        %dma_start3A_358 = tpu.memref_slice %arg17[%mul3A_104] : memref<10000xf32, #tpu.memory_space<vmem_shared>> -> memref<1000xf32, #tpu.memory_space<vmem_shared>>
        tpu.enqueue_dma source(%arg15 : memref<1000xf32, #tpu.memory_space<vmem>>) target(%dma_start3A_358 : memref<1000xf32, #tpu.memory_space<vmem_shared>>) target_semaphore(%run_scoped3A : memref<!tpu.dma_semaphore, #tpu.memory_space<semaphore_mem>>)
        %dma_wait3A = tpu.memref_slice %arg17[%mul3A_104] : memref<10000xf32, #tpu.memory_space<vmem_shared>> -> memref<1000xf32, #tpu.memory_space<vmem_shared>>
        %dma_wait3A_359 = tpu.memref_slice %arg17[%mul3A_104] : memref<10000xf32, #tpu.memory_space<vmem_shared>> -> memref<1000xf32, #tpu.memory_space<vmem_shared>>
        tpu.wait_dma2 semaphore(%run_scoped3A : memref<!tpu.dma_semaphore, #tpu.memory_space<semaphore_mem>>) src(%arg15 : memref<1000xf32, #tpu.memory_space<vmem>>) dst(%dma_wait3A_359 : memref<1000xf32, #tpu.memory_space<vmem_shared>>)
        tpu.yield
      }) : () -> ()
    } else {
    }
    %broadcast_in_dim3A_24 = arith.constant 1.000000e+00 : f32
    %broadcast_in_dim3A_25 = vector.broadcast %broadcast_in_dim3A_24 : f32 to vector<16xf32>
    %swap3A = arith.constant 0 : index
    %swap3A_26 = tpu.vector_load %arg14[%swap3A] {strides = array<i32>} : memref<128xf32, #tpu.memory_space<vmem>>, vector<16xf32>,
    %swap3A_27 = vector.shape_cast %swap3A_26 : vector<16xf32> to vector<16xf32>
    %swap3A_28 = vector.shape_cast %broadcast_in_dim3A_25 : vector<16xf32> to vector<16xf32>
    tpu.vector_store %arg14[%swap3A], %swap3A_28 {strides = array<i32>} : memref<128xf32, #tpu.memory_space<vmem>>, vector<16xf32>,
    %broadcast_in_dim3A_29 = arith.constant 1.000000e+00 : f32
    %broadcast_in_dim3A_30 = vector.broadcast %broadcast_in_dim3A_29 : f32 to vector<16xf32>
    %swap3A_31 = arith.constant 16 : index
    %swap3A_32 = tpu.vector_load %arg14[%swap3A_31] {strides = array<i32>} : memref<128xf32, #tpu.memory_space<vmem>>, vector<16xf32>,
    %swap3A_33 = vector.shape_cast %swap3A_32 : vector<16xf32> to vector<16xf32>
    %swap3A_34 = vector.shape_cast %broadcast_in_dim3A_30 : vector<16xf32> to vector<16xf32>
    tpu.vector_store %arg14[%swap3A_31], %swap3A_34 {strides = array<i32>} : memref<128xf32, #tpu.memory_space<vmem>>, vector<16xf32>,
    %broadcast_in_dim3A_35 = arith.constant 1.000000e+00 : f32
    %broadcast_in_dim3A_36 = vector.broadcast %broadcast_in_dim3A_35 : f32 to vector<16xf32>
    %swap3A_37 = arith.constant 32 : index
    %swap3A_38 = tpu.vector_load %arg14[%swap3A_37] {strides = array<i32>} : memref<128xf32, #tpu.memory_space<vmem>>, vector<16xf32>,
    %swap3A_39 = vector.shape_cast %swap3A_38 : vector<16xf32> to vector<16xf32>
    %swap3A_40 = vector.shape_cast %broadcast_in_dim3A_36 : vector<16xf32> to vector<16xf32>
    tpu.vector_store %arg14[%swap3A_37], %swap3A_40 {strides = array<i32>} : memref<128xf32, #tpu.memory_space<vmem>>, vector<16xf32>,
    %broadcast_in_dim3A_41 = arith.constant 1.000000e+00 : f32
    %broadcast_in_dim3A_42 = vector.broadcast %broadcast_in_dim3A_41 : f32 to vector<16xf32>
    %swap3A_43 = arith.constant 48 : index
    %swap3A_44 = tpu.vector_load %arg14[%swap3A_43] {strides = array<i32>} : memref<128xf32, #tpu.memory_space<vmem>>, vector<16xf32>,
    %swap3A_45 = vector.shape_cast %swap3A_44 : vector<16xf32> to vector<16xf32>
    %swap3A_46 = vector.shape_cast %broadcast_in_dim3A_42 : vector<16xf32> to vector<16xf32>
    tpu.vector_store %arg14[%swap3A_43], %swap3A_46 {strides = array<i32>} : memref<128xf32, #tpu.memory_space<vmem>>, vector<16xf32>,
    %broadcast_in_dim3A_47 = arith.constant 1.000000e+00 : f32
    %broadcast_in_dim3A_48 = vector.broadcast %broadcast_in_dim3A_47 : f32 to vector<16xf32>
    %swap3A_49 = arith.constant 64 : index
    %swap3A_50 = tpu.vector_load %arg14[%swap3A_49] {strides = array<i32>} : memref<128xf32, #tpu.memory_space<vmem>>, vector<16xf32>,
    %swap3A_51 = vector.shape_cast %swap3A_50 : vector<16xf32> to vector<16xf32>
    %swap3A_52 = vector.shape_cast %broadcast_in_dim3A_48 : vector<16xf32> to vector<16xf32>
    tpu.vector_store %arg14[%swap3A_49], %swap3A_52 {strides = array<i32>} : memref<128xf32, #tpu.memory_space<vmem>>, vector<16xf32>,
    %broadcast_in_dim3A_53 = arith.constant 1.000000e+00 : f32
    %broadcast_in_dim3A_54 = vector.broadcast %broadcast_in_dim3A_53 : f32 to vector<16xf32>
    %swap3A_55 = arith.constant 80 : index
    %swap3A_56 = tpu.vector_load %arg14[%swap3A_55] {strides = array<i32>} : memref<128xf32, #tpu.memory_space<vmem>>, vector<16xf32>,
    %swap3A_57 = vector.shape_cast %swap3A_56 : vector<16xf32> to vector<16xf32>
    %swap3A_58 = vector.shape_cast %broadcast_in_dim3A_54 : vector<16xf32> to vector<16xf32>
    tpu.vector_store %arg14[%swap3A_55], %swap3A_58 {strides = array<i32>} : memref<128xf32, #tpu.memory_space<vmem>>, vector<16xf32>,
    %broadcast_in_dim3A_59 = arith.constant 1.000000e+00 : f32
    %broadcast_in_dim3A_60 = vector.broadcast %broadcast_in_dim3A_59 : f32 to vector<16xf32>
    %swap3A_61 = arith.constant 96 : index
    %swap3A_62 = tpu.vector_load %arg14[%swap3A_61] {strides = array<i32>} : memref<128xf32, #tpu.memory_space<vmem>>, vector<16xf32>,
    %swap3A_63 = vector.shape_cast %swap3A_62 : vector<16xf32> to vector<16xf32>
    %swap3A_64 = vector.shape_cast %broadcast_in_dim3A_60 : vector<16xf32> to vector<16xf32>
    tpu.vector_store %arg14[%swap3A_61], %swap3A_64 {strides = array<i32>} : memref<128xf32, #tpu.memory_space<vmem>>, vector<16xf32>,
    %broadcast_in_dim3A_65 = arith.constant 1.000000e+00 : f32
    %broadcast_in_dim3A_66 = vector.broadcast %broadcast_in_dim3A_65 : f32 to vector<16xf32>
    %swap3A_67 = arith.constant 112 : index
    %swap3A_68 = tpu.vector_load %arg14[%swap3A_67] {strides = array<i32>} : memref<128xf32, #tpu.memory_space<vmem>>, vector<16xf32>,
    %swap3A_69 = vector.shape_cast %swap3A_68 : vector<16xf32> to vector<16xf32>
    %swap3A_70 = vector.shape_cast %broadcast_in_dim3A_66 : vector<16xf32> to vector<16xf32>
    tpu.vector_store %arg14[%swap3A_67], %swap3A_70 {strides = array<i32>} : memref<128xf32, #tpu.memory_space<vmem>>, vector<16xf32>,
    %barrier3A = arith.constant 0 : index
    tpu.barrier barrier_id(%barrier3A)
    %mul3A_71 = arith.constant 128 : i32
    %mul3A_72 = arith.muli %arg1, %mul3A_71 : i32
    %dma_start3A = tpu.memref_slice %arg4[%mul3A_72] : memref<160000xi32, #tpu.memory_space<hbm>> -> memref<128xi32, #tpu.memory_space<hbm>>
    %dma_start3A_73 = tpu.memref_slice %arg4[%mul3A_72] : memref<160000xi32, #tpu.memory_space<hbm>> -> memref<128xi32, #tpu.memory_space<hbm>>
    tpu.enqueue_dma source(%dma_start3A_73 : memref<128xi32, #tpu.memory_space<hbm>>) target(%arg9 : memref<128xi32, #tpu.memory_space<vmem>>) target_semaphore(%arg19 : memref<!tpu.dma_semaphore, #tpu.memory_space<semaphore_mem>>)
    %mul3A_74 = arith.constant 128 : i32
    %mul3A_75 = arith.muli %arg1, %mul3A_74 : i32
    %dma_start3A_76 = tpu.memref_slice %arg5[%mul3A_75] : memref<160000xi32, #tpu.memory_space<hbm>> -> memref<128xi32, #tpu.memory_space<hbm>>
    %dma_start3A_77 = tpu.memref_slice %arg5[%mul3A_75] : memref<160000xi32, #tpu.memory_space<hbm>> -> memref<128xi32, #tpu.memory_space<hbm>>
    tpu.enqueue_dma source(%dma_start3A_77 : memref<128xi32, #tpu.memory_space<hbm>>) target(%arg11 : memref<128xi32, #tpu.memory_space<vmem>>) target_semaphore(%arg20 : memref<!tpu.dma_semaphore, #tpu.memory_space<semaphore_mem>>)
    %scan3A_78 = arith.constant 0 : i32
    %scan3A_79 = arith.constant 0 : i32
    %scan3A_80 = arith.constant 40 : i32
    %scan3A_81 = arith.addi %scan3A_79, %scan3A_80 : i32
    %scan3A_82 = arith.constant 1 : i32
    scf.for %scan3A_103 = %scan3A_79 to %scan3A_81 step %scan3A_82  : i32 {
      %mul3A_104 = arith.constant 2 : i32
      %mul3A_105 = arith.muli %mul3A_104, %scan3A_103 : i32
      %add3A_106 = arith.constant 0 : i32
      %add3A_107 = arith.addi %mul3A_105, %add3A_106 : i32
      %mul3A_108 = arith.constant 16 : i32
      %mul3A_109 = arith.muli %add3A_107, %mul3A_108 : i32
      %add3A_110 = arith.addi %mul3A_109, %arg1 : i32
      %lt3A_111 = arith.constant 1250 : i32
      %lt3A_112 = arith.cmpi slt, %add3A_110, %lt3A_111 : i32
      %convert_element_type3A_113 = arith.extui %lt3A_112 : i1 to i32
      %cond3A_114 = arith.constant 0 : i32
      %cond3A_115 = arith.cmpi ne, %convert_element_type3A_113, %cond3A_114 : i32
      scf.if %cond3A_115 {
        %add3A_128 = arith.constant 16 : i32
        %add3A_129 = arith.addi %add3A_110, %add3A_128 : i32
        %lt3A_130 = arith.constant 1250 : i32
        %lt3A_131 = arith.cmpi slt, %add3A_129, %lt3A_130 : i32
        %convert_element_type3A_132 = arith.extui %lt3A_131 : i1 to i32
        %cond3A_133 = arith.constant 0 : i32
        %cond3A_134 = arith.cmpi ne, %convert_element_type3A_132, %cond3A_133 : i32
        scf.if %cond3A_134 {
          %mul3A_157 = arith.constant 128 : i32
          %mul3A_158 = arith.muli %add3A_129, %mul3A_157 : i32
          %dma_start3A_159 = tpu.memref_slice %arg4[%mul3A_158] : memref<160000xi32, #tpu.memory_space<hbm>> -> memref<128xi32, #tpu.memory_space<hbm>>
          %dma_start3A_160 = tpu.memref_slice %arg4[%mul3A_158] : memref<160000xi32, #tpu.memory_space<hbm>> -> memref<128xi32, #tpu.memory_space<hbm>>
          tpu.enqueue_dma source(%dma_start3A_160 : memref<128xi32, #tpu.memory_space<hbm>>) target(%arg10 : memref<128xi32, #tpu.memory_space<vmem>>) target_semaphore(%arg21 : memref<!tpu.dma_semaphore, #tpu.memory_space<semaphore_mem>>)
          %mul3A_161 = arith.constant 128 : i32
          %mul3A_162 = arith.muli %add3A_129, %mul3A_161 : i32
          %dma_start3A_163 = tpu.memref_slice %arg5[%mul3A_162] : memref<160000xi32, #tpu.memory_space<hbm>> -> memref<128xi32, #tpu.memory_space<hbm>>
          %dma_start3A_164 = tpu.memref_slice %arg5[%mul3A_162] : memref<160000xi32, #tpu.memory_space<hbm>> -> memref<128xi32, #tpu.memory_space<hbm>>
          tpu.enqueue_dma source(%dma_start3A_164 : memref<128xi32, #tpu.memory_space<hbm>>) target(%arg12 : memref<128xi32, #tpu.memory_space<vmem>>) target_semaphore(%arg22 : memref<!tpu.dma_semaphore, #tpu.memory_space<semaphore_mem>>)
        } else {
        }
        %dma_wait3A = arith.constant 0 : i32
        %dma_wait3A_135 = tpu.memref_slice %arg4[%dma_wait3A] : memref<160000xi32, #tpu.memory_space<hbm>> -> memref<128xi32, #tpu.memory_space<hbm>>
        %dma_wait3A_136 = arith.constant 0 : i32
        %dma_wait3A_137 = tpu.memref_slice %arg4[%dma_wait3A_136] : memref<160000xi32, #tpu.memory_space<hbm>> -> memref<128xi32, #tpu.memory_space<hbm>>
        tpu.wait_dma2 semaphore(%arg19 : memref<!tpu.dma_semaphore, #tpu.memory_space<semaphore_mem>>) src(%dma_wait3A_137 : memref<128xi32, #tpu.memory_space<hbm>>) dst(%arg9 : memref<128xi32, #tpu.memory_space<vmem>>)
        %dma_wait3A_138 = arith.constant 0 : i32
        %dma_wait3A_139 = tpu.memref_slice %arg5[%dma_wait3A_138] : memref<160000xi32, #tpu.memory_space<hbm>> -> memref<128xi32, #tpu.memory_space<hbm>>
        %dma_wait3A_140 = arith.constant 0 : i32
        %dma_wait3A_141 = tpu.memref_slice %arg5[%dma_wait3A_140] : memref<160000xi32, #tpu.memory_space<hbm>> -> memref<128xi32, #tpu.memory_space<hbm>>
        tpu.wait_dma2 semaphore(%arg20 : memref<!tpu.dma_semaphore, #tpu.memory_space<semaphore_mem>>) src(%dma_wait3A_141 : memref<128xi32, #tpu.memory_space<hbm>>) dst(%arg11 : memref<128xi32, #tpu.memory_space<vmem>>)
        %eq3A_142 = arith.constant 0 : i32
        %eq3A_143 = arith.cmpi eq, %arg0, %eq3A_142 : i32
        %convert_element_type3A_144 = arith.extui %eq3A_143 : i1 to i32
        %cond3A_145 = arith.constant 0 : i32
        %cond3A_146 = arith.cmpi ne, %convert_element_type3A_144, %cond3A_145 : i32
        scf.if %cond3A_146 {
          %dma_start3A_157 = arith.constant 0 : i32
          %dma_start3A_158 = arith.constant 0 : i32
          %dma_start3A_159 = tpu.memref_slice %arg2[%dma_start3A_157, %dma_start3A_158] : memref<10000x128xf32, #tpu.memory_space<hbm>> -> memref<10000x128xf32, #tpu.memory_space<hbm>>
          tpu.enqueue_indirect_dma source(%dma_start3A_159 : memref<10000x128xf32, #tpu.memory_space<hbm>>) target(%arg13 : memref<128x128xf32, #tpu.memory_space<vmem>>) offsets(%arg9 : memref<128xi32, #tpu.memory_space<vmem>>) semaphore(%arg18 : memref<!tpu.dma_semaphore, #tpu.memory_space<semaphore_mem>>)
          %dma_wait3A_160 = arith.constant 0 : i32
          %dma_wait3A_161 = arith.constant 0 : i32
          %dma_wait3A_162 = tpu.memref_slice %arg2[%dma_wait3A_160, %dma_wait3A_161] : memref<10000x128xf32, #tpu.memory_space<hbm>> -> memref<10000x128xf32, #tpu.memory_space<hbm>>
          tpu.wait_indirect_dma semaphore(%arg18 : memref<!tpu.dma_semaphore, #tpu.memory_space<semaphore_mem>>) src(%dma_wait3A_162 : memref<10000x128xf32, #tpu.memory_space<hbm>>) dst(%arg13 : memref<128x128xf32, #tpu.memory_space<vmem>>)
        } else {
        }
        %eq3A_147 = arith.constant 1 : i32
        %eq3A_148 = arith.cmpi eq, %arg0, %eq3A_147 : i32
        %convert_element_type3A_149 = arith.extui %eq3A_148 : i1 to i32
        %cond3A_150 = arith.constant 0 : i32
        %cond3A_151 = arith.cmpi ne, %convert_element_type3A_149, %cond3A_150 : i32
        scf.if %cond3A_151 {
          %dma_start3A_157 = arith.constant 0 : i32
          %dma_start3A_158 = arith.constant 0 : i32
          %dma_start3A_159 = tpu.memref_slice %arg3[%dma_start3A_157, %dma_start3A_158] : memref<10000x128xf32, #tpu.memory_space<hbm>> -> memref<10000x128xf32, #tpu.memory_space<hbm>>
          tpu.enqueue_indirect_dma source(%dma_start3A_159 : memref<10000x128xf32, #tpu.memory_space<hbm>>) target(%arg13 : memref<128x128xf32, #tpu.memory_space<vmem>>) offsets(%arg9 : memref<128xi32, #tpu.memory_space<vmem>>) semaphore(%arg18 : memref<!tpu.dma_semaphore, #tpu.memory_space<semaphore_mem>>)
          %dma_wait3A_160 = arith.constant 0 : i32
          %dma_wait3A_161 = arith.constant 0 : i32
          %dma_wait3A_162 = tpu.memref_slice %arg3[%dma_wait3A_160, %dma_wait3A_161] : memref<10000x128xf32, #tpu.memory_space<hbm>> -> memref<10000x128xf32, #tpu.memory_space<hbm>>
          tpu.wait_indirect_dma semaphore(%arg18 : memref<!tpu.dma_semaphore, #tpu.memory_space<semaphore_mem>>) src(%dma_wait3A_162 : memref<10000x128xf32, #tpu.memory_space<hbm>>) dst(%arg13 : memref<128x128xf32, #tpu.memory_space<vmem>>)
        } else {
        }
        "tpu.region"() ({
          %run_scoped3A = tpu.sem_alloc : memref<!tpu.dma_semaphore, #tpu.memory_space<semaphore_mem>>
          %dma_start3A_157 = arith.constant 0 : i32
          %dma_start3A_158 = arith.constant 0 : i32
          %dma_start3A_159 = tpu.memref_slice %arg16[%dma_start3A_157, %dma_start3A_158] : memref<10000x128xf32, #tpu.memory_space<vmem_shared>> -> memref<10000x128xf32, #tpu.memory_space<vmem_shared>>
          tpu.enqueue_indirect_dma source(%arg13 : memref<128x128xf32, #tpu.memory_space<vmem>>) target(%dma_start3A_159 : memref<10000x128xf32, #tpu.memory_space<vmem_shared>>) offsets(%arg11 : memref<128xi32, #tpu.memory_space<vmem>>) semaphore(%run_scoped3A : memref<!tpu.dma_semaphore, #tpu.memory_space<semaphore_mem>>) {add = true}
          %dma_wait3A_160 = arith.constant 0 : i32
          %dma_wait3A_161 = arith.constant 0 : i32
          %dma_wait3A_162 = tpu.memref_slice %arg16[%dma_wait3A_160, %dma_wait3A_161] : memref<10000x128xf32, #tpu.memory_space<vmem_shared>> -> memref<10000x128xf32, #tpu.memory_space<vmem_shared>>
          tpu.wait_indirect_dma semaphore(%run_scoped3A : memref<!tpu.dma_semaphore, #tpu.memory_space<semaphore_mem>>) src(%arg13 : memref<128x128xf32, #tpu.memory_space<vmem>>) dst(%dma_wait3A_162 : memref<10000x128xf32, #tpu.memory_space<vmem_shared>>)
          tpu.yield
        }) : () -> ()
        %eq3A_152 = arith.constant 0 : i32
        %eq3A_153 = arith.cmpi eq, %arg0, %eq3A_152 : i32
        %convert_element_type3A_154 = arith.extui %eq3A_153 : i1 to i32
        %cond3A_155 = arith.constant 0 : i32
        %cond3A_156 = arith.cmpi ne, %convert_element_type3A_154, %cond3A_155 : i32
        scf.if %cond3A_156 {
          "tpu.region"() ({
            %run_scoped3A = tpu.sem_alloc : memref<!tpu.dma_semaphore, #tpu.memory_space<semaphore_mem>>
            %dma_start3A_157 = arith.constant 0 : i32
            %dma_start3A_158 = tpu.memref_slice %arg17[%dma_start3A_157] : memref<10000xf32, #tpu.memory_space<vmem_shared>> -> memref<10000xf32, #tpu.memory_space<vmem_shared>>
            tpu.enqueue_indirect_dma source(%arg14 : memref<128xf32, #tpu.memory_space<vmem>>) target(%dma_start3A_158 : memref<10000xf32, #tpu.memory_space<vmem_shared>>) offsets(%arg11 : memref<128xi32, #tpu.memory_space<vmem>>) semaphore(%run_scoped3A : memref<!tpu.dma_semaphore, #tpu.memory_space<semaphore_mem>>) {add = true}
            %dma_wait3A_159 = arith.constant 0 : i32
            %dma_wait3A_160 = tpu.memref_slice %arg17[%dma_wait3A_159] : memref<10000xf32, #tpu.memory_space<vmem_shared>> -> memref<10000xf32, #tpu.memory_space<vmem_shared>>
            tpu.wait_indirect_dma semaphore(%run_scoped3A : memref<!tpu.dma_semaphore, #tpu.memory_space<semaphore_mem>>) src(%arg14 : memref<128xf32, #tpu.memory_space<vmem>>) dst(%dma_wait3A_160 : memref<10000xf32, #tpu.memory_space<vmem_shared>>)
            tpu.yield
          }) : () -> ()
        } else {
        }
      } else {
      }
      %mul3A_116 = arith.constant 2 : i32
      %mul3A_117 = arith.muli %mul3A_116, %scan3A_103 : i32
      %add3A_118 = arith.constant 1 : i32
      %add3A_119 = arith.addi %mul3A_117, %add3A_118 : i32
      %mul3A_120 = arith.constant 16 : i32
      %mul3A_121 = arith.muli %add3A_119, %mul3A_120 : i32
      %add3A_122 = arith.addi %mul3A_121, %arg1 : i32
      %lt3A_123 = arith.constant 1250 : i32
      %lt3A_124 = arith.cmpi slt, %add3A_122, %lt3A_123 : i32
      %convert_element_type3A_125 = arith.extui %lt3A_124 : i1 to i32
      %cond3A_126 = arith.constant 0 : i32
      %cond3A_127 = arith.cmpi ne, %convert_element_type3A_125, %cond3A_126 : i32
      scf.if %cond3A_127 {
        %add3A_128 = arith.constant 16 : i32
        %add3A_129 = arith.addi %add3A_122, %add3A_128 : i32
        %lt3A_130 = arith.constant 1250 : i32
        %lt3A_131 = arith.cmpi slt, %add3A_129, %lt3A_130 : i32
        %convert_element_type3A_132 = arith.extui %lt3A_131 : i1 to i32
        %cond3A_133 = arith.constant 0 : i32
        %cond3A_134 = arith.cmpi ne, %convert_element_type3A_132, %cond3A_133 : i32
        scf.if %cond3A_134 {
          %mul3A_157 = arith.constant 128 : i32
          %mul3A_158 = arith.muli %add3A_129, %mul3A_157 : i32
          %dma_start3A_159 = tpu.memref_slice %arg4[%mul3A_158] : memref<160000xi32, #tpu.memory_space<hbm>> -> memref<128xi32, #tpu.memory_space<hbm>>
          %dma_start3A_160 = tpu.memref_slice %arg4[%mul3A_158] : memref<160000xi32, #tpu.memory_space<hbm>> -> memref<128xi32, #tpu.memory_space<hbm>>
          tpu.enqueue_dma source(%dma_start3A_160 : memref<128xi32, #tpu.memory_space<hbm>>) target(%arg9 : memref<128xi32, #tpu.memory_space<vmem>>) target_semaphore(%arg19 : memref<!tpu.dma_semaphore, #tpu.memory_space<semaphore_mem>>)
          %mul3A_161 = arith.constant 128 : i32
          %mul3A_162 = arith.muli %add3A_129, %mul3A_161 : i32
          %dma_start3A_163 = tpu.memref_slice %arg5[%mul3A_162] : memref<160000xi32, #tpu.memory_space<hbm>> -> memref<128xi32, #tpu.memory_space<hbm>>
          %dma_start3A_164 = tpu.memref_slice %arg5[%mul3A_162] : memref<160000xi32, #tpu.memory_space<hbm>> -> memref<128xi32, #tpu.memory_space<hbm>>
          tpu.enqueue_dma source(%dma_start3A_164 : memref<128xi32, #tpu.memory_space<hbm>>) target(%arg11 : memref<128xi32, #tpu.memory_space<vmem>>) target_semaphore(%arg20 : memref<!tpu.dma_semaphore, #tpu.memory_space<semaphore_mem>>)
        } else {
        }
        %dma_wait3A = arith.constant 0 : i32
        %dma_wait3A_135 = tpu.memref_slice %arg4[%dma_wait3A] : memref<160000xi32, #tpu.memory_space<hbm>> -> memref<128xi32, #tpu.memory_space<hbm>>
        %dma_wait3A_136 = arith.constant 0 : i32
        %dma_wait3A_137 = tpu.memref_slice %arg4[%dma_wait3A_136] : memref<160000xi32, #tpu.memory_space<hbm>> -> memref<128xi32, #tpu.memory_space<hbm>>
        tpu.wait_dma2 semaphore(%arg21 : memref<!tpu.dma_semaphore, #tpu.memory_space<semaphore_mem>>) src(%dma_wait3A_137 : memref<128xi32, #tpu.memory_space<hbm>>) dst(%arg10 : memref<128xi32, #tpu.memory_space<vmem>>)
        %dma_wait3A_138 = arith.constant 0 : i32
        %dma_wait3A_139 = tpu.memref_slice %arg5[%dma_wait3A_138] : memref<160000xi32, #tpu.memory_space<hbm>> -> memref<128xi32, #tpu.memory_space<hbm>>
        %dma_wait3A_140 = arith.constant 0 : i32
        %dma_wait3A_141 = tpu.memref_slice %arg5[%dma_wait3A_140] : memref<160000xi32, #tpu.memory_space<hbm>> -> memref<128xi32, #tpu.memory_space<hbm>>
        tpu.wait_dma2 semaphore(%arg22 : memref<!tpu.dma_semaphore, #tpu.memory_space<semaphore_mem>>) src(%dma_wait3A_141 : memref<128xi32, #tpu.memory_space<hbm>>) dst(%arg12 : memref<128xi32, #tpu.memory_space<vmem>>)
        %eq3A_142 = arith.constant 0 : i32
        %eq3A_143 = arith.cmpi eq, %arg0, %eq3A_142 : i32
        %convert_element_type3A_144 = arith.extui %eq3A_143 : i1 to i32
        %cond3A_145 = arith.constant 0 : i32
        %cond3A_146 = arith.cmpi ne, %convert_element_type3A_144, %cond3A_145 : i32
        scf.if %cond3A_146 {
          %dma_start3A_157 = arith.constant 0 : i32
          %dma_start3A_158 = arith.constant 0 : i32
          %dma_start3A_159 = tpu.memref_slice %arg2[%dma_start3A_157, %dma_start3A_158] : memref<10000x128xf32, #tpu.memory_space<hbm>> -> memref<10000x128xf32, #tpu.memory_space<hbm>>
          tpu.enqueue_indirect_dma source(%dma_start3A_159 : memref<10000x128xf32, #tpu.memory_space<hbm>>) target(%arg13 : memref<128x128xf32, #tpu.memory_space<vmem>>) offsets(%arg10 : memref<128xi32, #tpu.memory_space<vmem>>) semaphore(%arg18 : memref<!tpu.dma_semaphore, #tpu.memory_space<semaphore_mem>>)
          %dma_wait3A_160 = arith.constant 0 : i32
          %dma_wait3A_161 = arith.constant 0 : i32
          %dma_wait3A_162 = tpu.memref_slice %arg2[%dma_wait3A_160, %dma_wait3A_161] : memref<10000x128xf32, #tpu.memory_space<hbm>> -> memref<10000x128xf32, #tpu.memory_space<hbm>>
          tpu.wait_indirect_dma semaphore(%arg18 : memref<!tpu.dma_semaphore, #tpu.memory_space<semaphore_mem>>) src(%dma_wait3A_162 : memref<10000x128xf32, #tpu.memory_space<hbm>>) dst(%arg13 : memref<128x128xf32, #tpu.memory_space<vmem>>)
        } else {
        }
        %eq3A_147 = arith.constant 1 : i32
        %eq3A_148 = arith.cmpi eq, %arg0, %eq3A_147 : i32
        %convert_element_type3A_149 = arith.extui %eq3A_148 : i1 to i32
        %cond3A_150 = arith.constant 0 : i32
        %cond3A_151 = arith.cmpi ne, %convert_element_type3A_149, %cond3A_150 : i32
        scf.if %cond3A_151 {
          %dma_start3A_157 = arith.constant 0 : i32
          %dma_start3A_158 = arith.constant 0 : i32
          %dma_start3A_159 = tpu.memref_slice %arg3[%dma_start3A_157, %dma_start3A_158] : memref<10000x128xf32, #tpu.memory_space<hbm>> -> memref<10000x128xf32, #tpu.memory_space<hbm>>
          tpu.enqueue_indirect_dma source(%dma_start3A_159 : memref<10000x128xf32, #tpu.memory_space<hbm>>) target(%arg13 : memref<128x128xf32, #tpu.memory_space<vmem>>) offsets(%arg10 : memref<128xi32, #tpu.memory_space<vmem>>) semaphore(%arg18 : memref<!tpu.dma_semaphore, #tpu.memory_space<semaphore_mem>>)
          %dma_wait3A_160 = arith.constant 0 : i32
          %dma_wait3A_161 = arith.constant 0 : i32
          %dma_wait3A_162 = tpu.memref_slice %arg3[%dma_wait3A_160, %dma_wait3A_161] : memref<10000x128xf32, #tpu.memory_space<hbm>> -> memref<10000x128xf32, #tpu.memory_space<hbm>>
          tpu.wait_indirect_dma semaphore(%arg18 : memref<!tpu.dma_semaphore, #tpu.memory_space<semaphore_mem>>) src(%dma_wait3A_162 : memref<10000x128xf32, #tpu.memory_space<hbm>>) dst(%arg13 : memref<128x128xf32, #tpu.memory_space<vmem>>)
        } else {
        }
        "tpu.region"() ({
          %run_scoped3A = tpu.sem_alloc : memref<!tpu.dma_semaphore, #tpu.memory_space<semaphore_mem>>
          %dma_start3A_157 = arith.constant 0 : i32
          %dma_start3A_158 = arith.constant 0 : i32
          %dma_start3A_159 = tpu.memref_slice %arg16[%dma_start3A_157, %dma_start3A_158] : memref<10000x128xf32, #tpu.memory_space<vmem_shared>> -> memref<10000x128xf32, #tpu.memory_space<vmem_shared>>
          tpu.enqueue_indirect_dma source(%arg13 : memref<128x128xf32, #tpu.memory_space<vmem>>) target(%dma_start3A_159 : memref<10000x128xf32, #tpu.memory_space<vmem_shared>>) offsets(%arg12 : memref<128xi32, #tpu.memory_space<vmem>>) semaphore(%run_scoped3A : memref<!tpu.dma_semaphore, #tpu.memory_space<semaphore_mem>>) {add = true}
          %dma_wait3A_160 = arith.constant 0 : i32
          %dma_wait3A_161 = arith.constant 0 : i32
          %dma_wait3A_162 = tpu.memref_slice %arg16[%dma_wait3A_160, %dma_wait3A_161] : memref<10000x128xf32, #tpu.memory_space<vmem_shared>> -> memref<10000x128xf32, #tpu.memory_space<vmem_shared>>
          tpu.wait_indirect_dma semaphore(%run_scoped3A : memref<!tpu.dma_semaphore, #tpu.memory_space<semaphore_mem>>) src(%arg13 : memref<128x128xf32, #tpu.memory_space<vmem>>) dst(%dma_wait3A_162 : memref<10000x128xf32, #tpu.memory_space<vmem_shared>>)
          tpu.yield
        }) : () -> ()
        %eq3A_152 = arith.constant 0 : i32
        %eq3A_153 = arith.cmpi eq, %arg0, %eq3A_152 : i32
        %convert_element_type3A_154 = arith.extui %eq3A_153 : i1 to i32
        %cond3A_155 = arith.constant 0 : i32
        %cond3A_156 = arith.cmpi ne, %convert_element_type3A_154, %cond3A_155 : i32
        scf.if %cond3A_156 {
          "tpu.region"() ({
            %run_scoped3A = tpu.sem_alloc : memref<!tpu.dma_semaphore, #tpu.memory_space<semaphore_mem>>
            %dma_start3A_157 = arith.constant 0 : i32
            %dma_start3A_158 = tpu.memref_slice %arg17[%dma_start3A_157] : memref<10000xf32, #tpu.memory_space<vmem_shared>> -> memref<10000xf32, #tpu.memory_space<vmem_shared>>
            tpu.enqueue_indirect_dma source(%arg14 : memref<128xf32, #tpu.memory_space<vmem>>) target(%dma_start3A_158 : memref<10000xf32, #tpu.memory_space<vmem_shared>>) offsets(%arg12 : memref<128xi32, #tpu.memory_space<vmem>>) semaphore(%run_scoped3A : memref<!tpu.dma_semaphore, #tpu.memory_space<semaphore_mem>>) {add = true}
            %dma_wait3A_159 = arith.constant 0 : i32
            %dma_wait3A_160 = tpu.memref_slice %arg17[%dma_wait3A_159] : memref<10000xf32, #tpu.memory_space<vmem_shared>> -> memref<10000xf32, #tpu.memory_space<vmem_shared>>
            tpu.wait_indirect_dma semaphore(%run_scoped3A : memref<!tpu.dma_semaphore, #tpu.memory_space<semaphore_mem>>) src(%arg14 : memref<128xf32, #tpu.memory_space<vmem>>) dst(%dma_wait3A_160 : memref<10000xf32, #tpu.memory_space<vmem_shared>>)
            tpu.yield
          }) : () -> ()
        } else {
        }
      } else {
      }
    }
    %scan3A_83 = arith.constant 40 : i32
    %barrier3A_84 = arith.constant 0 : index
    tpu.barrier barrier_id(%barrier3A_84)
    %eq3A_85 = arith.constant 0 : i32
    %eq3A_86 = arith.cmpi eq, %arg0, %eq3A_85 : i32
    %convert_element_type3A_87 = arith.extui %eq3A_86 : i1 to i32
    %cond3A_88 = arith.constant 0 : i32
    %cond3A_89 = arith.cmpi ne, %convert_element_type3A_87, %cond3A_88 : i32
    scf.if %cond3A_89 {
      "tpu.region"() ({
        %run_scoped3A = tpu.sem_alloc : memref<!tpu.dma_semaphore, #tpu.memory_space<semaphore_mem>>
        %dma_start3A_108 = arith.constant 0 : i32
        %dma_start3A_109 = tpu.memref_slice %arg6[%mul3A_0, %dma_start3A_108] : memref<10000x128xf32, #tpu.memory_space<hbm>> -> memref<624x128xf32, #tpu.memory_space<hbm>>
        %dma_start3A_110 = arith.constant 0 : i32
        %dma_start3A_111 = tpu.memref_slice %arg16[%mul3A_0, %dma_start3A_110] : memref<10000x128xf32, #tpu.memory_space<vmem_shared>> -> memref<624x128xf32, #tpu.memory_space<vmem_shared>>
        tpu.enqueue_dma source(%dma_start3A_111 : memref<624x128xf32, #tpu.memory_space<vmem_shared>>) target(%dma_start3A_109 : memref<624x128xf32, #tpu.memory_space<hbm>>) target_semaphore(%run_scoped3A : memref<!tpu.dma_semaphore, #tpu.memory_space<semaphore_mem>>)
        %dma_wait3A = arith.constant 0 : i32
        %dma_wait3A_112 = tpu.memref_slice %arg6[%mul3A_0, %dma_wait3A] : memref<10000x128xf32, #tpu.memory_space<hbm>> -> memref<624x128xf32, #tpu.memory_space<hbm>>
        %dma_wait3A_113 = arith.constant 0 : i32
        %dma_wait3A_114 = tpu.memref_slice %arg16[%mul3A_0, %dma_wait3A_113] : memref<10000x128xf32, #tpu.memory_space<vmem_shared>> -> memref<624x128xf32, #tpu.memory_space<vmem_shared>>
        tpu.wait_dma2 semaphore(%run_scoped3A : memref<!tpu.dma_semaphore, #tpu.memory_space<semaphore_mem>>) src(%dma_wait3A_114 : memref<624x128xf32, #tpu.memory_space<vmem_shared>>) dst(%dma_wait3A_112 : memref<624x128xf32, #tpu.memory_space<hbm>>)
        tpu.yield
      }) : () -> ()
      %eq3A_103 = arith.constant 0 : i32
      %eq3A_104 = arith.cmpi eq, %arg1, %eq3A_103 : i32
      %convert_element_type3A_105 = arith.extui %eq3A_104 : i1 to i32
      %cond3A_106 = arith.constant 0 : i32
      %cond3A_107 = arith.cmpi ne, %convert_element_type3A_105, %cond3A_106 : i32
      scf.if %cond3A_107 {
        "tpu.region"() ({
          %run_scoped3A = tpu.sem_alloc : memref<!tpu.dma_semaphore, #tpu.memory_space<semaphore_mem>>
          %dma_start3A_108 = arith.constant 9984 : i32
          %dma_start3A_109 = arith.constant 0 : i32
          %dma_start3A_110 = tpu.memref_slice %arg6[%dma_start3A_108, %dma_start3A_109] : memref<10000x128xf32, #tpu.memory_space<hbm>> -> memref<16x128xf32, #tpu.memory_space<hbm>>
          %dma_start3A_111 = arith.constant 9984 : i32
          %dma_start3A_112 = arith.constant 0 : i32
          %dma_start3A_113 = tpu.memref_slice %arg16[%dma_start3A_111, %dma_start3A_112] : memref<10000x128xf32, #tpu.memory_space<vmem_shared>> -> memref<16x128xf32, #tpu.memory_space<vmem_shared>>
          tpu.enqueue_dma source(%dma_start3A_113 : memref<16x128xf32, #tpu.memory_space<vmem_shared>>) target(%dma_start3A_110 : memref<16x128xf32, #tpu.memory_space<hbm>>) target_semaphore(%run_scoped3A : memref<!tpu.dma_semaphore, #tpu.memory_space<semaphore_mem>>)
          %dma_wait3A = arith.constant 9984 : i32
          %dma_wait3A_114 = arith.constant 0 : i32
          %dma_wait3A_115 = tpu.memref_slice %arg6[%dma_wait3A, %dma_wait3A_114] : memref<10000x128xf32, #tpu.memory_space<hbm>> -> memref<16x128xf32, #tpu.memory_space<hbm>>
          %dma_wait3A_116 = arith.constant 9984 : i32
          %dma_wait3A_117 = arith.constant 0 : i32
          %dma_wait3A_118 = tpu.memref_slice %arg16[%dma_wait3A_116, %dma_wait3A_117] : memref<10000x128xf32, #tpu.memory_space<vmem_shared>> -> memref<16x128xf32, #tpu.memory_space<vmem_shared>>
          tpu.wait_dma2 semaphore(%run_scoped3A : memref<!tpu.dma_semaphore, #tpu.memory_space<semaphore_mem>>) src(%dma_wait3A_118 : memref<16x128xf32, #tpu.memory_space<vmem_shared>>) dst(%dma_wait3A_115 : memref<16x128xf32, #tpu.memory_space<hbm>>)
          tpu.yield
        }) : () -> ()
      } else {
      }
    } else {
    }
    %eq3A_90 = arith.constant 1 : i32
    %eq3A_91 = arith.cmpi eq, %arg0, %eq3A_90 : i32
    %convert_element_type3A_92 = arith.extui %eq3A_91 : i1 to i32
    %cond3A_93 = arith.constant 0 : i32
    %cond3A_94 = arith.cmpi ne, %convert_element_type3A_92, %cond3A_93 : i32
    scf.if %cond3A_94 {
      "tpu.region"() ({
        %run_scoped3A = tpu.sem_alloc : memref<!tpu.dma_semaphore, #tpu.memory_space<semaphore_mem>>
        %dma_start3A_108 = arith.constant 0 : i32
        %dma_start3A_109 = tpu.memref_slice %arg7[%mul3A_0, %dma_start3A_108] : memref<10000x128xf32, #tpu.memory_space<hbm>> -> memref<624x128xf32, #tpu.memory_space<hbm>>
        %dma_start3A_110 = arith.constant 0 : i32
        %dma_start3A_111 = tpu.memref_slice %arg16[%mul3A_0, %dma_start3A_110] : memref<10000x128xf32, #tpu.memory_space<vmem_shared>> -> memref<624x128xf32, #tpu.memory_space<vmem_shared>>
        tpu.enqueue_dma source(%dma_start3A_111 : memref<624x128xf32, #tpu.memory_space<vmem_shared>>) target(%dma_start3A_109 : memref<624x128xf32, #tpu.memory_space<hbm>>) target_semaphore(%run_scoped3A : memref<!tpu.dma_semaphore, #tpu.memory_space<semaphore_mem>>)
        %dma_wait3A = arith.constant 0 : i32
        %dma_wait3A_112 = tpu.memref_slice %arg7[%mul3A_0, %dma_wait3A] : memref<10000x128xf32, #tpu.memory_space<hbm>> -> memref<624x128xf32, #tpu.memory_space<hbm>>
        %dma_wait3A_113 = arith.constant 0 : i32
        %dma_wait3A_114 = tpu.memref_slice %arg16[%mul3A_0, %dma_wait3A_113] : memref<10000x128xf32, #tpu.memory_space<vmem_shared>> -> memref<624x128xf32, #tpu.memory_space<vmem_shared>>
        tpu.wait_dma2 semaphore(%run_scoped3A : memref<!tpu.dma_semaphore, #tpu.memory_space<semaphore_mem>>) src(%dma_wait3A_114 : memref<624x128xf32, #tpu.memory_space<vmem_shared>>) dst(%dma_wait3A_112 : memref<624x128xf32, #tpu.memory_space<hbm>>)
        tpu.yield
      }) : () -> ()
      %eq3A_103 = arith.constant 0 : i32
      %eq3A_104 = arith.cmpi eq, %arg1, %eq3A_103 : i32
      %convert_element_type3A_105 = arith.extui %eq3A_104 : i1 to i32
      %cond3A_106 = arith.constant 0 : i32
      %cond3A_107 = arith.cmpi ne, %convert_element_type3A_105, %cond3A_106 : i32
      scf.if %cond3A_107 {
        "tpu.region"() ({
          %run_scoped3A = tpu.sem_alloc : memref<!tpu.dma_semaphore, #tpu.memory_space<semaphore_mem>>
          %dma_start3A_108 = arith.constant 9984 : i32
          %dma_start3A_109 = arith.constant 0 : i32
          %dma_start3A_110 = tpu.memref_slice %arg7[%dma_start3A_108, %dma_start3A_109] : memref<10000x128xf32, #tpu.memory_space<hbm>> -> memref<16x128xf32, #tpu.memory_space<hbm>>
          %dma_start3A_111 = arith.constant 9984 : i32
          %dma_start3A_112 = arith.constant 0 : i32
          %dma_start3A_113 = tpu.memref_slice %arg16[%dma_start3A_111, %dma_start3A_112] : memref<10000x128xf32, #tpu.memory_space<vmem_shared>> -> memref<16x128xf32, #tpu.memory_space<vmem_shared>>
          tpu.enqueue_dma source(%dma_start3A_113 : memref<16x128xf32, #tpu.memory_space<vmem_shared>>) target(%dma_start3A_110 : memref<16x128xf32, #tpu.memory_space<hbm>>) target_semaphore(%run_scoped3A : memref<!tpu.dma_semaphore, #tpu.memory_space<semaphore_mem>>)
          %dma_wait3A = arith.constant 9984 : i32
          %dma_wait3A_114 = arith.constant 0 : i32
          %dma_wait3A_115 = tpu.memref_slice %arg7[%dma_wait3A, %dma_wait3A_114] : memref<10000x128xf32, #tpu.memory_space<hbm>> -> memref<16x128xf32, #tpu.memory_space<hbm>>
          %dma_wait3A_116 = arith.constant 9984 : i32
          %dma_wait3A_117 = arith.constant 0 : i32
          %dma_wait3A_118 = tpu.memref_slice %arg16[%dma_wait3A_116, %dma_wait3A_117] : memref<10000x128xf32, #tpu.memory_space<vmem_shared>> -> memref<16x128xf32, #tpu.memory_space<vmem_shared>>
          tpu.wait_dma2 semaphore(%run_scoped3A : memref<!tpu.dma_semaphore, #tpu.memory_space<semaphore_mem>>) src(%dma_wait3A_118 : memref<16x128xf32, #tpu.memory_space<vmem_shared>>) dst(%dma_wait3A_115 : memref<16x128xf32, #tpu.memory_space<hbm>>)
          tpu.yield
        }) : () -> ()
      } else {
      }
    } else {
    }
    %eq3A_95 = arith.constant 0 : i32
    %eq3A_96 = arith.cmpi eq, %arg0, %eq3A_95 : i32
    %lt3A_97 = arith.constant 10 : i32
    %lt3A_98 = arith.cmpi slt, %arg1, %lt3A_97 : i32
    %and3A_99 = arith.andi %eq3A_96, %lt3A_98 : i1
    %convert_element_type3A_100 = arith.extui %and3A_99 : i1 to i32
    %cond3A_101 = arith.constant 0 : i32
    %cond3A_102 = arith.cmpi ne, %convert_element_type3A_100, %cond3A_101 : i32
    scf.if %cond3A_102 {
      %mul3A_103 = arith.constant 1000 : i32
      %mul3A_104 = arith.muli %arg1, %mul3A_103 : i32
      "tpu.region"() ({
        %run_scoped3A = tpu.sem_alloc : memref<!tpu.dma_semaphore, #tpu.memory_space<semaphore_mem>>
        %dma_start3A_105 = tpu.memref_slice %arg17[%mul3A_104] : memref<10000xf32, #tpu.memory_space<vmem_shared>> -> memref<1000xf32, #tpu.memory_space<vmem_shared>>
        %dma_start3A_106 = tpu.memref_slice %arg17[%mul3A_104] : memref<10000xf32, #tpu.memory_space<vmem_shared>> -> memref<1000xf32, #tpu.memory_space<vmem_shared>>
        tpu.enqueue_dma source(%dma_start3A_106 : memref<1000xf32, #tpu.memory_space<vmem_shared>>) target(%arg15 : memref<1000xf32, #tpu.memory_space<vmem>>) target_semaphore(%run_scoped3A : memref<!tpu.dma_semaphore, #tpu.memory_space<semaphore_mem>>)
        %dma_wait3A = tpu.memref_slice %arg17[%mul3A_104] : memref<10000xf32, #tpu.memory_space<vmem_shared>> -> memref<1000xf32, #tpu.memory_space<vmem_shared>>
        %dma_wait3A_107 = tpu.memref_slice %arg17[%mul3A_104] : memref<10000xf32, #tpu.memory_space<vmem_shared>> -> memref<1000xf32, #tpu.memory_space<vmem_shared>>
        tpu.wait_dma2 semaphore(%run_scoped3A : memref<!tpu.dma_semaphore, #tpu.memory_space<semaphore_mem>>) src(%dma_wait3A_107 : memref<1000xf32, #tpu.memory_space<vmem_shared>>) dst(%arg15 : memref<1000xf32, #tpu.memory_space<vmem>>)
        tpu.yield
      }) : () -> ()
      "tpu.region"() ({
        %run_scoped3A = tpu.sem_alloc : memref<!tpu.dma_semaphore, #tpu.memory_space<semaphore_mem>>
        %dma_start3A_105 = tpu.memref_slice %arg8[%mul3A_104] : memref<10000xf32, #tpu.memory_space<hbm>> -> memref<1000xf32, #tpu.memory_space<hbm>>
        %dma_start3A_106 = tpu.memref_slice %arg8[%mul3A_104] : memref<10000xf32, #tpu.memory_space<hbm>> -> memref<1000xf32, #tpu.memory_space<hbm>>
        tpu.enqueue_dma source(%arg15 : memref<1000xf32, #tpu.memory_space<vmem>>) target(%dma_start3A_106 : memref<1000xf32, #tpu.memory_space<hbm>>) target_semaphore(%run_scoped3A : memref<!tpu.dma_semaphore, #tpu.memory_space<semaphore_mem>>)
        %dma_wait3A = tpu.memref_slice %arg8[%mul3A_104] : memref<10000xf32, #tpu.memory_space<hbm>> -> memref<1000xf32, #tpu.memory_space<hbm>>
        %dma_wait3A_107 = tpu.memref_slice %arg8[%mul3A_104] : memref<10000xf32, #tpu.memory_space<hbm>> -> memref<1000xf32, #tpu.memory_space<hbm>>
        tpu.wait_dma2 semaphore(%run_scoped3A : memref<!tpu.dma_semaphore, #tpu.memory_space<semaphore_mem>>) src(%arg15 : memref<1000xf32, #tpu.memory_space<vmem>>) dst(%dma_wait3A_107 : memref<1000xf32, #tpu.memory_space<hbm>>)
        tpu.yield
      }) : () -> ()
    } else {
    }
    return
  }
}

module attributes {stable_mosaic.version = 14 : i64} {
  func.func @_dense1_body(%arg0: i32, %arg1: memref<1000x128xf32, #tpu.memory_space<vmem>>, %arg2: memref<1000x128xf32, #tpu.memory_space<vmem>>, %arg3: memref<1000x1xf32, #tpu.memory_space<vmem>>, %arg4: memref<1000x256xf32, #tpu.memory_space<vmem>>, %arg5: memref<256x256xf32, #tpu.memory_space<vmem>>, %arg6: memref<256x256xf32, #tpu.memory_space<vmem>>, %arg7: memref<1x256xf32, #tpu.memory_space<vmem>>, %arg8: memref<256x256xf32, #tpu.memory_space<vmem>>, %arg9: memref<1x256xf32, #tpu.memory_space<vmem>>, %arg10: memref<1000x128xf32, #tpu.memory_space<vmem>>, %arg11: memref<1000x128xf32, #tpu.memory_space<vmem>>, %arg12: memref<1000x256xf32, #tpu.memory_space<vmem>>) attributes {dimension_semantics = [#tpu.dimension_semantics<arbitrary>], iteration_bounds = array<i64: 10>, scalar_prefetch = 0 : i64, scratch_operands = 0 : i64, tpu.core_type = #tpu.core_type<tc>, window_params = [{transform_indices = @transform_0, window_bounds = array<i64: 1000, 128>}, {transform_indices = @transform_1, window_bounds = array<i64: 1000, 128>}, {transform_indices = @transform_2, window_bounds = array<i64: 1000, 1>}, {transform_indices = @transform_3, window_bounds = array<i64: 1000, 256>}, {pipeline_mode = #tpu.pipeline_mode<synchronous>, transform_indices = @transform_4, window_bounds = array<i64: 256, 256>}, {pipeline_mode = #tpu.pipeline_mode<synchronous>, transform_indices = @transform_5, window_bounds = array<i64: 256, 256>}, {pipeline_mode = #tpu.pipeline_mode<synchronous>, transform_indices = @transform_6, window_bounds = array<i64: 1, 256>}, {pipeline_mode = #tpu.pipeline_mode<synchronous>, transform_indices = @transform_7, window_bounds = array<i64: 256, 256>}, {pipeline_mode = #tpu.pipeline_mode<synchronous>, transform_indices = @transform_8, window_bounds = array<i64: 1, 256>}, {transform_indices = @transform_9, window_bounds = array<i64: 1000, 128>}, {transform_indices = @transform_10, window_bounds = array<i64: 1000, 128>}, {transform_indices = @transform_11, window_bounds = array<i64: 1000, 256>}]} {
    %get3A = arith.constant 0 : index
    %get3A_0 = arith.constant 0 : index
    %get3A_1 = vector.load %arg3[%get3A, %get3A_0] : memref<1000x1xf32, #tpu.memory_space<vmem>>, vector<1000x1xf32>
    %max3A = arith.constant 1.000000e+00 : f32
    %max3A_2 = vector.broadcast %max3A : f32 to vector<1000x1xf32>
    %max3A_3 = arith.maximumf %get3A_1, %max3A_2 : vector<1000x1xf32>
    %div3A = arith.constant 1.000000e+00 : f32
    %div3A_4 = vector.broadcast %div3A : f32 to vector<1000x1xf32>
    %div3A_5 = arith.divf %div3A_4, %max3A_3 : vector<1000x1xf32>
    %get3A_6 = arith.constant 0 : index
    %get3A_7 = arith.constant 0 : index
    %get3A_8 = vector.load %arg5[%get3A_6, %get3A_7] : memref<256x256xf32, #tpu.memory_space<vmem>>, vector<256x256xf32>
    %get3A_9 = arith.constant 0 : index
    %get3A_10 = arith.constant 0 : index
    %get3A_11 = vector.load %arg1[%get3A_9, %get3A_10] : memref<1000x128xf32, #tpu.memory_space<vmem>>, vector<1000x128xf32>
    %mul3A = vector.broadcast %div3A_5 : vector<1000x1xf32> to vector<1000x128xf32>
    %mul3A_12 = arith.mulf %get3A_11, %mul3A : vector<1000x128xf32>
    %slice3A = vector.extract_strided_slice %get3A_8 {offsets = [0, 0], sizes = [128, 256], strides = [1, 1]} : vector<256x256xf32> to vector<128x256xf32>
    %dot_general3A = arith.constant dense<0.000000e+00> : vector<1000x256xf32>
    %dot_general3A_13 = tpu.matmul %mul3A_12, %slice3A, %dot_general3A {dimension_numbers = #tpu.dot_dimension_numbers<[1], [0], [0], [1], [0, 0, 1, 1], [], []>, transpose_lhs_hint = false} : vector<1000x128xf32>, vector<128x256xf32>, vector<1000x256xf32> -> vector<1000x256xf32>
    %get3A_14 = arith.constant 0 : index
    %get3A_15 = arith.constant 0 : index
    %get3A_16 = vector.load %arg2[%get3A_14, %get3A_15] : memref<1000x128xf32, #tpu.memory_space<vmem>>, vector<1000x128xf32>
    %mul3A_17 = vector.broadcast %div3A_5 : vector<1000x1xf32> to vector<1000x128xf32>
    %mul3A_18 = arith.mulf %get3A_16, %mul3A_17 : vector<1000x128xf32>
    %slice3A_19 = vector.extract_strided_slice %get3A_8 {offsets = [128, 0], sizes = [128, 256], strides = [1, 1]} : vector<256x256xf32> to vector<128x256xf32>
    %dot_general3A_20 = arith.constant dense<0.000000e+00> : vector<1000x256xf32>
    %dot_general3A_21 = tpu.matmul %mul3A_18, %slice3A_19, %dot_general3A_20 {dimension_numbers = #tpu.dot_dimension_numbers<[1], [0], [0], [1], [0, 0, 1, 1], [], []>, transpose_lhs_hint = false} : vector<1000x128xf32>, vector<128x256xf32>, vector<1000x256xf32> -> vector<1000x256xf32>
    %add3A = arith.addf %dot_general3A_13, %dot_general3A_21 : vector<1000x256xf32>
    %get3A_22 = arith.constant 0 : index
    %get3A_23 = arith.constant 0 : index
    %get3A_24 = vector.load %arg4[%get3A_22, %get3A_23] : memref<1000x256xf32, #tpu.memory_space<vmem>>, vector<1000x256xf32>
    %get3A_25 = arith.constant 0 : index
    %get3A_26 = arith.constant 0 : index
    %get3A_27 = vector.load %arg6[%get3A_25, %get3A_26] : memref<256x256xf32, #tpu.memory_space<vmem>>, vector<256x256xf32>
    %dot_general3A_28 = arith.constant dense<0.000000e+00> : vector<1000x256xf32>
    %dot_general3A_29 = tpu.matmul %get3A_24, %get3A_27, %dot_general3A_28 {dimension_numbers = #tpu.dot_dimension_numbers<[1], [0], [0], [1], [0, 0, 1, 1], [], []>, transpose_lhs_hint = false} : vector<1000x256xf32>, vector<256x256xf32>, vector<1000x256xf32> -> vector<1000x256xf32>
    %add3A_30 = arith.addf %add3A, %dot_general3A_29 : vector<1000x256xf32>
    %get3A_31 = arith.constant 0 : index
    %get3A_32 = arith.constant 0 : index
    %get3A_33 = vector.load %arg7[%get3A_31, %get3A_32] : memref<1x256xf32, #tpu.memory_space<vmem>>, vector<1x256xf32>
    %add3A_34 = vector.broadcast %get3A_33 : vector<1x256xf32> to vector<1000x256xf32>
    %add3A_35 = arith.addf %add3A_30, %add3A_34 : vector<1000x256xf32>
    %max3A_36 = arith.constant 0.000000e+00 : f32
    %max3A_37 = vector.broadcast %max3A_36 : f32 to vector<1000x256xf32>
    %max3A_38 = arith.maximumf %add3A_35, %max3A_37 : vector<1000x256xf32>
    %slice3A_39 = vector.extract_strided_slice %max3A_38 {offsets = [0, 0], sizes = [1000, 128], strides = [1, 1]} : vector<1000x256xf32> to vector<1000x128xf32>
    %swap3A = arith.constant 0 : index
    %swap3A_40 = arith.constant 0 : index
    %swap3A_41 = vector.load %arg10[%swap3A, %swap3A_40] : memref<1000x128xf32, #tpu.memory_space<vmem>>, vector<1000x128xf32>
    tpu.vector_store %arg10[%swap3A, %swap3A_40], %slice3A_39 {strides = array<i32>} : memref<1000x128xf32, #tpu.memory_space<vmem>>, vector<1000x128xf32>,
    %slice3A_42 = vector.extract_strided_slice %max3A_38 {offsets = [0, 128], sizes = [1000, 128], strides = [1, 1]} : vector<1000x256xf32> to vector<1000x128xf32>
    %swap3A_43 = arith.constant 0 : index
    %swap3A_44 = arith.constant 0 : index
    %swap3A_45 = vector.load %arg11[%swap3A_43, %swap3A_44] : memref<1000x128xf32, #tpu.memory_space<vmem>>, vector<1000x128xf32>
    tpu.vector_store %arg11[%swap3A_43, %swap3A_44], %slice3A_42 {strides = array<i32>} : memref<1000x128xf32, #tpu.memory_space<vmem>>, vector<1000x128xf32>,
    %get3A_46 = arith.constant 0 : index
    %get3A_47 = arith.constant 0 : index
    %get3A_48 = vector.load %arg8[%get3A_46, %get3A_47] : memref<256x256xf32, #tpu.memory_space<vmem>>, vector<256x256xf32>
    %dot_general3A_49 = arith.constant dense<0.000000e+00> : vector<1000x256xf32>
    %dot_general3A_50 = tpu.matmul %max3A_38, %get3A_48, %dot_general3A_49 {dimension_numbers = #tpu.dot_dimension_numbers<[1], [0], [0], [1], [0, 0, 1, 1], [], []>, transpose_lhs_hint = false} : vector<1000x256xf32>, vector<256x256xf32>, vector<1000x256xf32> -> vector<1000x256xf32>
    %get3A_51 = arith.constant 0 : index
    %get3A_52 = arith.constant 0 : index
    %get3A_53 = vector.load %arg9[%get3A_51, %get3A_52] : memref<1x256xf32, #tpu.memory_space<vmem>>, vector<1x256xf32>
    %add3A_54 = vector.broadcast %get3A_53 : vector<1x256xf32> to vector<1000x256xf32>
    %add3A_55 = arith.addf %dot_general3A_50, %add3A_54 : vector<1000x256xf32>
    %swap3A_56 = arith.constant 0 : index
    %swap3A_57 = arith.constant 0 : index
    %swap3A_58 = vector.load %arg12[%swap3A_56, %swap3A_57] : memref<1000x256xf32, #tpu.memory_space<vmem>>, vector<1000x256xf32>
    tpu.vector_store %arg12[%swap3A_56, %swap3A_57], %add3A_55 {strides = array<i32>} : memref<1000x256xf32, #tpu.memory_space<vmem>>, vector<1000x256xf32>,
    return
  }
  func.func @transform_0(%arg0: i32) -> (i32, i32) {
    %c0_i32 = arith.constant 0 : i32
    %c0_i32_0 = arith.constant 0 : i32
    return %arg0, %c0_i32 : i32, i32
  }
  func.func @transform_1(%arg0: i32) -> (i32, i32) {
    %c0_i32 = arith.constant 0 : i32
    %c0_i32_0 = arith.constant 0 : i32
    return %arg0, %c0_i32 : i32, i32
  }
  func.func @transform_2(%arg0: i32) -> (i32, i32) {
    %c0_i32 = arith.constant 0 : i32
    %c0_i32_0 = arith.constant 0 : i32
    return %arg0, %c0_i32 : i32, i32
  }
  func.func @transform_3(%arg0: i32) -> (i32, i32) {
    %c0_i32 = arith.constant 0 : i32
    %c0_i32_0 = arith.constant 0 : i32
    return %arg0, %c0_i32 : i32, i32
  }
  func.func @transform_4(%arg0: i32) -> (i32, i32) {
    %c0_i32 = arith.constant 0 : i32
    %c0_i32_0 = arith.constant 0 : i32
    %c0_i32_1 = arith.constant 0 : i32
    return %c0_i32, %c0_i32_0 : i32, i32
  }
  func.func @transform_5(%arg0: i32) -> (i32, i32) {
    %c0_i32 = arith.constant 0 : i32
    %c0_i32_0 = arith.constant 0 : i32
    %c0_i32_1 = arith.constant 0 : i32
    return %c0_i32, %c0_i32_0 : i32, i32
  }
  func.func @transform_6(%arg0: i32) -> (i32, i32) {
    %c0_i32 = arith.constant 0 : i32
    %c0_i32_0 = arith.constant 0 : i32
    %c0_i32_1 = arith.constant 0 : i32
    return %c0_i32, %c0_i32_0 : i32, i32
  }
  func.func @transform_7(%arg0: i32) -> (i32, i32) {
    %c0_i32 = arith.constant 0 : i32
    %c0_i32_0 = arith.constant 0 : i32
    %c0_i32_1 = arith.constant 0 : i32
    return %c0_i32, %c0_i32_0 : i32, i32
  }
  func.func @transform_8(%arg0: i32) -> (i32, i32) {
    %c0_i32 = arith.constant 0 : i32
    %c0_i32_0 = arith.constant 0 : i32
    %c0_i32_1 = arith.constant 0 : i32
    return %c0_i32, %c0_i32_0 : i32, i32
  }
  func.func @transform_9(%arg0: i32) -> (i32, i32) {
    %c0_i32 = arith.constant 0 : i32
    %c0_i32_0 = arith.constant 0 : i32
    return %arg0, %c0_i32 : i32, i32
  }
  func.func @transform_10(%arg0: i32) -> (i32, i32) {
    %c0_i32 = arith.constant 0 : i32
    %c0_i32_0 = arith.constant 0 : i32
    return %arg0, %c0_i32 : i32, i32
  }
  func.func @transform_11(%arg0: i32) -> (i32, i32) {
    %c0_i32 = arith.constant 0 : i32
    %c0_i32_0 = arith.constant 0 : i32
    return %arg0, %c0_i32 : i32, i32
  }
}

module attributes {stable_mosaic.version = 14 : i64} {
  func.func @_dense2_body(%arg0: i32, %arg1: memref<1000x128xf32, #tpu.memory_space<vmem>>, %arg2: memref<1000x128xf32, #tpu.memory_space<vmem>>, %arg3: memref<1000x1xf32, #tpu.memory_space<vmem>>, %arg4: memref<1000x256xf32, #tpu.memory_space<vmem>>, %arg5: memref<256x256xf32, #tpu.memory_space<vmem>>, %arg6: memref<1000x256xf32, #tpu.memory_space<vmem>>) attributes {dimension_semantics = [#tpu.dimension_semantics<arbitrary>], iteration_bounds = array<i64: 10>, scalar_prefetch = 0 : i64, scratch_operands = 0 : i64, tpu.core_type = #tpu.core_type<tc>, window_params = [{transform_indices = @transform_0, window_bounds = array<i64: 1000, 128>}, {transform_indices = @transform_1, window_bounds = array<i64: 1000, 128>}, {transform_indices = @transform_2, window_bounds = array<i64: 1000, 1>}, {transform_indices = @transform_3, window_bounds = array<i64: 1000, 256>}, {pipeline_mode = #tpu.pipeline_mode<synchronous>, transform_indices = @transform_4, window_bounds = array<i64: 256, 256>}, {transform_indices = @transform_5, window_bounds = array<i64: 1000, 256>}]} {
    %get3A = arith.constant 0 : index
    %get3A_0 = arith.constant 0 : index
    %get3A_1 = vector.load %arg3[%get3A, %get3A_0] : memref<1000x1xf32, #tpu.memory_space<vmem>>, vector<1000x1xf32>
    %max3A = arith.constant 1.000000e+00 : f32
    %max3A_2 = vector.broadcast %max3A : f32 to vector<1000x1xf32>
    %max3A_3 = arith.maximumf %get3A_1, %max3A_2 : vector<1000x1xf32>
    %div3A = arith.constant 1.000000e+00 : f32
    %div3A_4 = vector.broadcast %div3A : f32 to vector<1000x1xf32>
    %div3A_5 = arith.divf %div3A_4, %max3A_3 : vector<1000x1xf32>
    %get3A_6 = arith.constant 0 : index
    %get3A_7 = arith.constant 0 : index
    %get3A_8 = vector.load %arg5[%get3A_6, %get3A_7] : memref<256x256xf32, #tpu.memory_space<vmem>>, vector<256x256xf32>
    %get3A_9 = arith.constant 0 : index
    %get3A_10 = arith.constant 0 : index
    %get3A_11 = vector.load %arg1[%get3A_9, %get3A_10] : memref<1000x128xf32, #tpu.memory_space<vmem>>, vector<1000x128xf32>
    %mul3A = vector.broadcast %div3A_5 : vector<1000x1xf32> to vector<1000x128xf32>
    %mul3A_12 = arith.mulf %get3A_11, %mul3A : vector<1000x128xf32>
    %slice3A = vector.extract_strided_slice %get3A_8 {offsets = [0, 0], sizes = [128, 256], strides = [1, 1]} : vector<256x256xf32> to vector<128x256xf32>
    %dot_general3A = arith.constant dense<0.000000e+00> : vector<1000x256xf32>
    %dot_general3A_13 = tpu.matmul %mul3A_12, %slice3A, %dot_general3A {dimension_numbers = #tpu.dot_dimension_numbers<[1], [0], [0], [1], [0, 0, 1, 1], [], []>, transpose_lhs_hint = false} : vector<1000x128xf32>, vector<128x256xf32>, vector<1000x256xf32> -> vector<1000x256xf32>
    %get3A_14 = arith.constant 0 : index
    %get3A_15 = arith.constant 0 : index
    %get3A_16 = vector.load %arg2[%get3A_14, %get3A_15] : memref<1000x128xf32, #tpu.memory_space<vmem>>, vector<1000x128xf32>
    %mul3A_17 = vector.broadcast %div3A_5 : vector<1000x1xf32> to vector<1000x128xf32>
    %mul3A_18 = arith.mulf %get3A_16, %mul3A_17 : vector<1000x128xf32>
    %slice3A_19 = vector.extract_strided_slice %get3A_8 {offsets = [128, 0], sizes = [128, 256], strides = [1, 1]} : vector<256x256xf32> to vector<128x256xf32>
    %dot_general3A_20 = arith.constant dense<0.000000e+00> : vector<1000x256xf32>
    %dot_general3A_21 = tpu.matmul %mul3A_18, %slice3A_19, %dot_general3A_20 {dimension_numbers = #tpu.dot_dimension_numbers<[1], [0], [0], [1], [0, 0, 1, 1], [], []>, transpose_lhs_hint = false} : vector<1000x128xf32>, vector<128x256xf32>, vector<1000x256xf32> -> vector<1000x256xf32>
    %add3A = arith.addf %dot_general3A_13, %dot_general3A_21 : vector<1000x256xf32>
    %get3A_22 = arith.constant 0 : index
    %get3A_23 = arith.constant 0 : index
    %get3A_24 = vector.load %arg4[%get3A_22, %get3A_23] : memref<1000x256xf32, #tpu.memory_space<vmem>>, vector<1000x256xf32>
    %add3A_25 = arith.addf %add3A, %get3A_24 : vector<1000x256xf32>
    %swap3A = arith.constant 0 : index
    %swap3A_26 = arith.constant 0 : index
    %swap3A_27 = vector.load %arg6[%swap3A, %swap3A_26] : memref<1000x256xf32, #tpu.memory_space<vmem>>, vector<1000x256xf32>
    tpu.vector_store %arg6[%swap3A, %swap3A_26], %add3A_25 {strides = array<i32>} : memref<1000x256xf32, #tpu.memory_space<vmem>>, vector<1000x256xf32>,
    return
  }
  func.func @transform_0(%arg0: i32) -> (i32, i32) {
    %c0_i32 = arith.constant 0 : i32
    %c0_i32_0 = arith.constant 0 : i32
    return %arg0, %c0_i32 : i32, i32
  }
  func.func @transform_1(%arg0: i32) -> (i32, i32) {
    %c0_i32 = arith.constant 0 : i32
    %c0_i32_0 = arith.constant 0 : i32
    return %arg0, %c0_i32 : i32, i32
  }
  func.func @transform_2(%arg0: i32) -> (i32, i32) {
    %c0_i32 = arith.constant 0 : i32
    %c0_i32_0 = arith.constant 0 : i32
    return %arg0, %c0_i32 : i32, i32
  }
  func.func @transform_3(%arg0: i32) -> (i32, i32) {
    %c0_i32 = arith.constant 0 : i32
    %c0_i32_0 = arith.constant 0 : i32
    return %arg0, %c0_i32 : i32, i32
  }
  func.func @transform_4(%arg0: i32) -> (i32, i32) {
    %c0_i32 = arith.constant 0 : i32
    %c0_i32_0 = arith.constant 0 : i32
    %c0_i32_1 = arith.constant 0 : i32
    return %c0_i32, %c0_i32_0 : i32, i32
  }
  func.func @transform_5(%arg0: i32) -> (i32, i32) {
    %c0_i32 = arith.constant 0 : i32
    %c0_i32_0 = arith.constant 0 : i32
    return %arg0, %c0_i32 : i32, i32
  }
}

</mosaic_0001>

<sc_bundles>
// kernel: kernel.6.cloned.1.call-start
scs
__scs_entry_jumppad:
0x0: {  	(pc) =	sbr.rel $0x88, $3  }
0x1: {  	(tag) =	ssettag $0x0;
	lr =	simm.s32 $0x1  }
0x2: {  	[smem:$0x3F99] =	sst lr;
	_ =	strace $0xD0000000  }
0x3: {  	_ = 	snop  }
0x4: {  	_ = 	snop  }
0x5: {  	_ = 	snop  }
0x6: {  	_ = 	snop  }
0x7: {  	_ = 	snop  }
__scs_overlays_trampoline_lowered:
0x8: {  	[smem:$0x3FA8] =	sst s0  }
0x9: {  	[smem:$0x3FA9] =	sst s1  }
0xa: {  	[smem:$0x3FAA] =	sst s2  }
0xb: {  	[smem:$0x3FAB] =	sst s3  }
0xc: {  	[smem:$0x3FAC] =	sst s4  }
0xd: {  	[smem:$0x3FAD] =	sst s5  }
0xe: {  	[smem:$0x3FAE] =	sst s6  }
0xf: {  	[smem:$0x3FAF] =	sst s7  }
0x10: {  	[smem:$0x3FB0] =	sst s8  }
0x11: {  	[smem:$0x3FB1] =	sst s9;
	s0 =	simm.s32 @!p0 $0x0  }
0x12: {  	s1 =	sld [smem:$0x3F97];
	s0 =	simm.s32 @p0 $0x1  }
0x13: {  	[smem:$0x3FB2] =	sst s0;
	s0 =	simm.s32 @!p1 $0x0  }
0x14: {  	s2 =	sld [smem:$0x3F96];
	s0 =	simm.s32 @p1 $0x1  }
0x15: {  	[smem:$0x3FB3] =	sst s0;
	s0 =	simm.s32 @!p2 $0x0  }
0x16: {  	s3 =	sld [smem:$0x3FDB];
	s0 =	simm.s32 @p2 $0x1  }
0x17: {  	s4 =	simm.s32 $0x1BF5;
	[smem:$0x3FB5] =	sst s0  }
0x18: {  	s0 =	sld [smem:$0x3F98];
	_ =	swait.ge [sflag:s4], $0x0  }
0x19: {  	s7 =	sld [smem:$0x3F99]  }
0x1a: {  	s8 =	sadd.s32 $0xFFFFE003, lr  }
0x1b: {  	s9 =	sadd.s32 $0xFFFFFEF7, lr;
	s5 =	simm.s32 $0xFFFFFFFF;
	p2 =	slt.u32 s8, $0xFFFFF086  }
0x1c: {  	p1 =	slt.u32 s9, $0xF7A;
	s5 =	simm.s32 @!p2 $0x0  }
0x1d: {  	s5 =	simm.s32 @p1 $0x1;
	p0 =	seq.s32 s7, s2  }
0x1e: {  	s7 =	smul.u32 @!p0 $0xF7A, s2;
	p2 =	seq.s32 @!p0 s5, $0x0  }
0x1f: {  	s9 =	smul.u32 $0xF7A, s1;
	s8 =	simm.s32 @!p0 $0x1BF5;
	p2 =	por !p2, p0  }
0x20: {  	[sflag:s8] =	ssyncset.s32 @!p0 $0xFFFFF086;
	s6 =	sadd.s32 @!p0 s3, s7;
	s7 =	simm.s32 @!p0 $0x108  }
0x21: {  	s3 =	sadd.s32 s3, s9;
	s6 =	sadd.s32 @!p0 $0x88, s6;
	s7 =	simm.s32 @p2 $0x1082  }
0x22: {  	[simem:s7], [sflag:s8] =	dma.local @!p0 [hbm:s6], $0xF7A  }
0x23: {  	s9 =	sor.u32 $0xD0000000, s2;
	s6 =	simm.s32 $0x108;
	_ =	swait.ge @!p0 [sflag:s8], $0x0  }
0x24: {  	s3 =	sadd.s32 $0x88, s3;
	s6 =	simm.s32 @!p1 $0x1082;
	[sflag:s4] =	ssyncset.s32 $0xFFFFF086  }
0x25: {  	[simem:s6], [sflag:s4] =	dma.local [hbm:s3], $0xF7A  }
0x26: {  	[smem:$0x3F99] =	sst s1;
	(tag) =	ssettag s2;
	_ =	strace s9  }
0x27: {  	s1 =	sld [smem:$0x3FA9]  }
0x28: {  	s2 =	sld [smem:$0x3FAA]  }
0x29: {  	s4 =	sld [smem:$0x3FAC]  }
0x2a: {  	p0 =	seq.s32 s5, $0x0;
	s5 =	sld [smem:$0x3FAD]  }
0x2b: {  	s6 =	sld [smem:$0x3FAE]  }
0x2c: {  	s7 =	sld [smem:$0x3FAF]  }
0x2d: {  	s3 =	simm.s32 $0x108;
	s8 =	sld [smem:$0x3FB0]  }
0x2e: {  	s3 =	simm.s32 @!p0 $0x1082;
	s9 =	sld [smem:$0x3FB1]  }
0x2f: {  	lr =	sadd.s32 s0, s3;
	s0 =	sld [smem:$0x3FA8]  }
0x30: {  	s3 =	sld [smem:$0x3FAB]  }
0x31: {  	[smem:$0x3FB4] =	sst s10  }
0x32: {  	s10 =	sld [smem:$0x3FB2];
	_ =	sdelay $0x3  }
0x33: {  	p0 =	seq.s32 s10, $0x1;
	s10 =	sld [smem:$0x3FB4];
	_ =	sdelay $0x3  }
0x34: {  	[smem:$0x3FB4] =	sst s10  }
0x35: {  	s10 =	sld [smem:$0x3FB3];
	_ =	sdelay $0x3  }
0x36: {  	p1 =	seq.s32 s10, $0x1;
	s10 =	sld [smem:$0x3FB4];
	_ =	sdelay $0x3  }
0x37: {  	[smem:$0x3FB4] =	sst s10  }
0x38: {  	s10 =	sld [smem:$0x3FB5]  }
0x39: {  	_ = 	snop;
	(pc) =	sbr.ind lr, $3  }
0x3a: {  	_ = 	snop  }
0x3b: {  	_ = 	snop  }
0x3c: {  	p2 =	seq.s32 s10, $0x1;
	s10 =	sld [smem:$0x3FB4]  }
0x3d: {  	_ =	shalt  }
0x3e: {  	_ =	shalt  }
0x3f: {  	_ =	shalt  }
0x40: {  	_ =	shalt  }
0x41: {  	_ =	shalt  }
0x42: {  	_ =	shalt  }
0x43: {  	_ =	shalt  }
0x44: {  	_ =	shalt  }
0x45: {  	_ =	shalt  }
0x46: {  	_ =	shalt  }
0x47: {  	_ =	shalt  }
0x48: {  	_ =	shalt  }
0x49: {  	_ =	shalt  }
0x4a: {  	_ =	shalt  }
0x4b: {  	_ =	shalt  }
0x4c: {  	_ =	shalt  }
0x4d: {  	_ =	shalt  }
0x4e: {  	_ =	shalt  }
0x4f: {  	_ =	shalt  }
0x50: {  	_ =	shalt  }
0x51: {  	_ =	shalt  }
0x52: {  	_ =	shalt  }
0x53: {  	_ =	shalt  }
0x54: {  	_ =	shalt  }
0x55: {  	_ =	shalt  }
0x56: {  	_ =	shalt  }
0x57: {  	_ =	shalt  }
0x58: {  	_ =	shalt  }
0x59: {  	_ =	shalt  }
0x5a: {  	_ =	shalt  }
0x5b: {  	_ =	shalt  }
0x5c: {  	_ =	shalt  }
0x5d: {  	_ =	shalt  }
0x5e: {  	_ =	shalt  }
0x5f: {  	_ =	shalt  }
0x60: {  	_ =	shalt  }
0x61: {  	_ =	shalt  }
0x62: {  	_ =	shalt  }
0x63: {  	_ =	shalt  }
0x64: {  	_ =	shalt  }
0x65: {  	_ =	shalt  }
0x66: {  	_ =	shalt  }
0x67: {  	_ =	shalt  }
0x68: {  	_ =	shalt  }
0x69: {  	_ =	shalt  }
0x6a: {  	_ =	shalt  }
0x6b: {  	_ =	shalt  }
0x6c: {  	_ =	shalt  }
0x6d: {  	_ =	shalt  }
0x6e: {  	_ =	shalt  }
0x6f: {  	_ =	shalt  }
0x70: {  	_ =	shalt  }
0x71: {  	_ =	shalt  }
0x72: {  	_ =	shalt  }
0x73: {  	_ =	shalt  }
0x74: {  	_ =	shalt  }
0x75: {  	_ =	shalt  }
0x76: {  	_ =	shalt  }
0x77: {  	_ =	shalt  }
0x78: {  	_ =	shalt  }
0x79: {  	_ =	shalt  }
0x7a: {  	_ =	shalt  }
0x7b: {  	_ =	shalt  }
0x7c: {  	_ =	shalt  }
0x7d: {  	_ =	shalt  }
0x7e: {  	_ =	shalt  }
0x7f: {  	_ =	shalt  }
0x80: {  	_ =	shalt  }
0x81: {  	_ =	shalt  }
0x82: {  	_ =	shalt  }
0x83: {  	_ =	shalt  }
0x84: {  	_ =	shalt  }
0x85: {  	_ =	shalt  }
0x86: {  	_ =	shalt  }
0x87: {  	_ =	shalt  }
.Lfunc_end0:
.L_simem_size_0:
called_computation_lowered:
.L_overlay_start_0:
0x88: {  	s2 =	sld [smem:$0x3FD9]  }
0x89: {  	s3 =	sld [smem:$0x3FFE];
	_ =	sdelay $0x1  }
0x8a: {  	s1 =	srdreg.scid  }
0x8b: {  	s0 =	sand.u32 $0x1, s1  }
0x8c: {  	s17 =	sshll.u32 s0, $0xA;
	s2 =	sadd.s32 s3, s2  }
0x8d: {  	s2 =	sadd.s32 s2, s17  }
0x8e: {  	[smem:$0x3FC0] =	sst s2  }
0x8f: {  	_ = 	snop  }
0x90: {  	s2 =	sld [smem:$0x3FD0];
	(tm) =	ssettm $0x1  }
0x91: {  	s18 =	sld [smem:$0x3FFB];
	_ =	sdelay $0x3  }
0x92: {  	_ =	strace s18  }
0x93: {  	s3 =	sld [smem:$0x3FFC];
	_ =	sdelay $0x3  }
0x94: {  	_ =	strace s3  }
0x95: {  	s3 =	sld [smem:$0x3FFD];
	_ =	sdelay $0x3  }
0x96: {  	_ =	strace s3  }
0x97: {  	_ =	strace $0x8FFFFFFF  }
0x98: {  	s19 =	sld [smem:$0x3FDB];
	_ =	sdelay $0x1  }
0x99: {  	s4 =	simm.s32 $_scs_section_size  }
0x9a: {  	s5 =	simm.s32 $_size__tile_overlayer_lowered;
	s6 =	simm.s32 $_tile_overlayer_lowered  }
0x9b: {  	s22 =	simm.s32 $0x1BFF;
	s21 =	sshll.u32 s6, $0x1;
	s3 =	sadd.s32 s4, s19  }
0x9c: {  	s7 =	simm.s32 $0x0;
	s20 =	sshll.u32 s5, $0x1;
	s5 =	sadd.s32 s21, s3  }
0x9d: {  	[timem:s7], [sflag:s22] =	dma.local [hbm:s5], s20  }
0x9e: {  	_ =	swait.ge [sflag:s22], s20  }
0x9f: {  	s4 =	ssub.s32 $0x0, s20;
	[sflag:s22] =	ssyncset.done $0x0  }
0xa0: {  	[sflag:s22] =	ssyncadd.s32 s4;
	_ =	sdelay $0x1  }
0xa1: {  	s23 =	simm.s32 $0x1B8B  }
0xa2: {  	_ =	swait.ge [sflag:s23], $0x1  }
0xa3: {  	[sflag:s23] =	ssyncset.done $0x0  }
0xa4: {  	s25 =	simm.s32 $0x1B8E;
	s24 =	sld [smem:$0x3FFE];
	[sflag:s23] =	ssyncadd.s32 $0xFFFFFFFF  }
0xa5: {  	s26 =	simm.s32 $execute0_lowered;
	[smem:$0x3FD2] =	sst s25  }
0xa6: {  	s5 =	sshll.u32 s26, $0x1;
	_ =	strace $0x80000046;
	[dreg:$0x1] =	wrdreg $0xFFFFFFFF  }
0xa7: {  	s28 =	simm.s32 $_size_execute0_lowered;
	s3 =	sadd.s32 s3, s5;
	[dreg:$0x0] =	wrdreg $0x0  }
0xa8: {  	s5 =	sshll.u32 s28, $0x1;
	[dreg:$0x2] =	wrdreg s3  }
0xa9: {  	[dreg:$0x3] =	wrdreg s5  }
0xaa: {  	[dreg:$0x4] =	wrdreg $0xC0  }
0xab: {  	_ =	task [dreg:s7], $0x5FFFF  }
0xac: {  	[dreg:$0x1] =	wrdreg $0xFFFFFFFF  }
0xad: {  	[dreg:$0x0] =	wrdreg $0x60  }
0xae: {  	[dreg:$0x2] =	wrdreg s24  }
0xaf: {  	[dreg:$0x3] =	wrdreg s2  }
0xb0: {  	[dreg:$0x4] =	wrdreg $0x46800  }
0xb1: {  	[dreg:$0x5] =	wrdreg $0x17F000  }
0xb2: {  	[dreg:$0x6] =	wrdreg $0x9  }
0xb3: {  	_ =	task.clear_ibuf [dreg:s7], $0x7FFFF;
	_ =	strace $0x90000046  }
0xb4: {  	s29 =	simm.s32 $0x9;
	_ =	strace $0x80000048  }
0xb5: {  	_ =	swait.ge [sflag:s29], $0x1  }
0xb6: {  	[sflag:s29] =	ssyncadd.s32 $0xFFFFFFFF  }
0xb7: {  	_ =	strace $0x90000048  }
0xb8: {  	_ =	sfence  }
0xb9: {  	s30 =	sld [smem:$0x0];
	_ =	sdelay $0x2  }
0xba: {  	s31 =	sshll.u32 s1, $0xD;
	s1 =	sshrl.u32 s1, $0x2  }
0xbb: {  	s3 =	sand.u32 $0x4000, s31;
	s1 =	sadd.s32 s1, s30  }
0xbc: {  	s0 =	sor.u32 s3, s0;
	s1 =	sshll.u32 s1, $0x11  }
0xbd: {  	s0 =	sor.u32 s1, s0  }
0xbe: {  	s0 =	sadd.s32 $0x8F2B, s0  }
0xbf: {  	[sflag:s0] =	ssyncadd.remote.s32 $0x1  }
0xc0: {  	_ =	sfence.sel $0xFFFF  }
0xc1: {  	[dreg:$0x0] =	wrdreg $0xFFFFFFFF;
	(pc) =	sbr.abs _section_cstart, $3  }
0xc2: {  	[dreg:$0x1] =	wrdreg $0xFFFFFFFF  }
0xc3: {  	_ =	task.clear_ibuf [dreg:s7], $0x2FFFF;
	_ =	strace $0x9FFFFFFF  }
0xc4: {  	(tm) =	ssettm $0x7FFFFFFF  }
0xc5: {  	_ =	shalt  }
tec
execute0_lowered:
.L_overlay_start_1:
0x0: {  	(tag) =	ssettag $0x1  }
0x1: {  	s0 =	rddreg [dreg:$0x0]  }
0x2: {  	s1 =	rddreg [dreg:$0x1]  }
0x3: {  	s2 =	rddreg [dreg:$0x2]  }
0x4: {  	s3 =	rddreg [dreg:$0x3];
	s4 =	simm.s32 $0x0;
	s21 =	stileid.u32  }
0x5: {  	s5 =	srdreg.scid;
	s28 =	simm.s32 $0x6;
	s31 =	simm.s32 $0x4  }
0x6: {  	s29 =	simm.s32 $0x80;
	s30 =	simm.s32 $0x4200;
	s6 =	smul.u32 $0x2700, s21  }
0x7: {  	[smem:$0x7FF] =	sst s4;
	s8 =	sadd.s32 $0xCC00, s0;
	s16 =	smul.u32 $0x3E8, s21  }
0x8: {  	s24 =	sadd.s32 $0x7C00, s0;
	s7 =	sand.u32 $0x1, s5;
	s9 =	smul.u32 $0x4E000, s21  }
0x9: {  	s5 =	sadd.s32 $0x2C00, s0;
	p1 =	slt.u32 s21, $0xA;
	s23 =	sadd.s32 $0x82600, s0  }
0xa: {  	p2 =	sne.s32 s21, $0x0;
	_ =	strace $0x80000047;
	s10 =	ssub.s32 $0x2, s7  }
0xb: {  	p0 =	seq.s32 s7, $0x0;
	[dreg:$0xa] =	wrdreg s23;
	p3 =	sne.s32 s7, $0x0  }
0xc: {  	s6 =	sadd.s32 s6, s0;
	s11 =	sshrl.u32 s16, $0x3;
	s12 =	sshrl.u32 s10, $0x1  }
0xd: {  	s9 =	sshrl.u32 s9, $0x2;
	p1 =	por !p0, !p1;
	s1 =	smov.u32 @p0 s8  }
0xe: {  	s25 =	sadd.s32 s16, s3;
	s16 =	simm.s32 $0x1;
	s19 =	sadd.s32 s11, s0  }
0xf: {  	s20 =	ssub.s32 s10, s12;
	s9 =	sadd.s32 s9, s2;
	p1 =	por !p1, !p1  }
0x10: {  	s22 =	sadd.s32 $0x5B600, s6;
	s6 =	sadd.s32 $0x34400, s6;
	[dreg:$0xd] =	wrdreg s25  }
0x11: {  	s0 =	sadd.s32 $0x5B400, s0;
	s14 =	sadd.s32 $0x4000, s9;
	[dreg:$0x9] =	wrdreg s22  }
0x12: {  	s15 =	sadd.s32 $0x8000, s9;
	s17 =	sadd.s32 $0xC000, s9;
	[dreg:$0xb] =	wrdreg s6  }
0x13: {  	s13 =	sadd.s32 $0x10000, s9;
	[dreg:$0xc] =	wrdreg s0;
	s26 =	sadd.s32 $0x33E00, s19  }
0x14: {  	s25 =	smax.u32 s20, $0x1;
	[dreg:$0x6] =	wrdreg s15;
	s15 =	smul.u32 $0xFA0, s21  }
.Ltmp0:
0x15: {  	s0 =	simm.s32 $0x5;
	[dreg:$0x5] =	wrdreg s14;
	(pc) =	sbr.rel .LBB2_1-.Ltmp0, $4  }
0x16: {  	s19 =	simm.s32 $0x180;
	s20 =	simm.s32 $0x7;
	[dreg:$0x7] =	wrdreg s17  }
0x17: {  	s14 =	sadd.s32 $0x138000, s2;
	[dreg:$0xe] =	wrdreg s26;
	s17 =	sshrl.u32 s15, $0x2  }
0x18: {  	s26 =	simm.s32 $0x200;
	s15 =	sshll.u32 s21, $0x4;
	s18 =	sadd.s32 s17, s3  }
0x19: {  	v0 =	vimm.f32 $0.0e+00;
	v1 =	vimm.f32 $1.000000000e+00;
	s17 =	sadd.s32 s24, s15;
	[dreg:$0x8] =	wrdreg s18;
	s18 =	sadd.s32 s5, s15  }
.LBB2_18:
0x1a: {  	[bflag:$0x0] =	sbarrier.arrive $0xFFFF  }
.LBB2_19:
0x1b: {  	s6 =	stileid.u32  }
0x1c: {  	s6 =	sshll.u32 s6, $0x6  }
0x1d: {  	s8 =	sshrl.u32 s9, $0x3;
	s10 =	rddreg [dreg:$0x9];
	s6 =	sor.u32 $0x1C06, s6  }
0x1e: {  	[hbm:s10], [sflag:s6] =	dma.local [spmem:s8], $0x2700  }
0x1f: {  	_ =	swait.ge [sflag:s28], $0x2700  }
0x20: {  	[sflag:s28] =	ssyncset.done $0x0  }
0x21: {  	s8 =	sshrl.u32 @!p2 s14, $0x3;
	s10 =	rddreg [dreg:$0xa];
	[sflag:s28] =	ssyncadd.s32 $0xFFFFD900  }
0x22: {  	[hbm:s10], [sflag:s6] =	dma.local @!p2 [spmem:s8], $0x100  }
0x23: {  	s6 =	simm.s32 @!p2 $0x6  }
0x24: {  	_ =	swait.ge @!p2 [sflag:s6], $0x100  }
0x25: {  	[sflag:s6] =	ssyncset.done @!p2 $0x0  }
0x26: {  	[sflag:s6] =	ssyncadd.s32 @!p2 $0xFFFFFF00  }
.LBB2_20:
0x27: {  	s4 =	sadd.s32 $0x1, s4  }
0x28: {  	p4 =	sne.s32 s4, s25  }
.Ltmp1:
0x29: {  	_ = 	snop;
	(pc) =	sbr.rel @!p4 .LBB2_21-.Ltmp1, $1  }
0x2a: {  	_ =	sdelay $0x3  }
.LBB2_1:
0x2b: {  	s6 =	simm.s32 $0x0;
	s8 =	simm.s32 $0x200  }
.LBB2_2:
0x2c: {  	p4 =	sne.s32 s8, $0xFE00;
	[tilespmem:s6+$0x270] =	vst v0  }
0x2d: {  	[tilespmem:s6+$0x200] =	vst v0  }
0x2e: {  	[tilespmem:s6+$0x210] =	vst v0  }
.Ltmp2:
0x2f: {  	[tilespmem:s6+$0x220] =	vst v0;
	(pc) =	sbr.rel @p4 .LBB2_2-.Ltmp2, $4  }
0x30: {  	[tilespmem:s6+$0x230] =	vst v0  }
0x31: {  	[tilespmem:s6+$0x240] =	vst v0  }
0x32: {  	[tilespmem:s6+$0x250] =	vst v0  }
0x33: {  	[tilespmem:s6+$0x260] =	vst v0;
	s6 =	sshra.s32 s8, $0x2;
	s8 =	sadd.s32 $0x200, s8  }
0x34: {  	[tilespmem:s6+$0x270] =	vst v0  }
0x35: {  	[tilespmem:s6+$0x200] =	vst v0  }
0x36: {  	[tilespmem:s6+$0x210] =	vst v0  }
0x37: {  	[tilespmem:s6+$0x220] =	vst v0  }
0x38: {  	[tilespmem:s6+$0x230] =	vst v0  }
0x39: {  	[tilespmem:s6+$0x240] =	vst v0  }
0x3a: {  	[tilespmem:s6+$0x250] =	vst v0  }
0x3b: {  	[tilespmem:s6+$0x260] =	vst v0  }
0x3c: {  	[spmem:s9] =	stream.linear.scatter [tilespmem:s26], [sflag:$0x6], $0x4000, $0x38;
	[tilespmem:$0x18178] =	vst v63  }
0x3d: {  	_ =	swait.ge [sflag:s28], $0x4000  }
0x3e: {  	[sflag:s28] =	ssyncset.done $0x0  }
0x3f: {  	s21 =	rddreg [dreg:$0x5];
	[sflag:s28] =	ssyncadd.s32 $0xFFFFC000  }
0x40: {  	[spmem:s21] =	stream.linear.scatter [tilespmem:s26], [sflag:$0x6], $0x4000, $0x38;
	[tilespmem:$0x18178] =	vst v63  }
0x41: {  	_ =	swait.ge [sflag:s28], $0x4000  }
0x42: {  	[sflag:s28] =	ssyncset.done $0x0  }
0x43: {  	s22 =	rddreg [dreg:$0x6];
	[sflag:s28] =	ssyncadd.s32 $0xFFFFC000  }
0x44: {  	[spmem:s22] =	stream.linear.scatter [tilespmem:s26], [sflag:$0x6], $0x4000, $0x38;
	[tilespmem:$0x18178] =	vst v63  }
0x45: {  	_ =	swait.ge [sflag:s28], $0x4000  }
0x46: {  	[sflag:s28] =	ssyncset.done $0x0  }
0x47: {  	s23 =	rddreg [dreg:$0x7];
	[sflag:s28] =	ssyncadd.s32 $0xFFFFC000  }
0x48: {  	[spmem:s23] =	stream.linear.scatter [tilespmem:s26], [sflag:$0x6], $0x4000, $0x38;
	[tilespmem:$0x18178] =	vst v63  }
0x49: {  	_ =	swait.ge [sflag:s28], $0x4000  }
0x4a: {  	[sflag:s28] =	ssyncset.done $0x0  }
0x4b: {  	[sflag:s28] =	ssyncadd.s32 $0xFFFFC000  }
0x4c: {  	[spmem:s13] =	stream.linear.scatter [tilespmem:s26], [sflag:$0x6], $0x3800, $0x38;
	[tilespmem:$0x18178] =	vst v63  }
0x4d: {  	_ =	swait.ge [sflag:s28], $0x3800  }
0x4e: {  	[sflag:s28] =	ssyncset.done $0x0  }
0x4f: {  	s6 =	simm.s32 @!p2 $0x200;
	[sflag:s28] =	ssyncadd.s32 $0xFFFFC800  }
0x50: {  	[spmem:s14] =	stream.linear.scatter @!p2 [tilespmem:s6], [sflag:$0x6], $0x800, $0x38;
	[tilespmem:$0x18178] =	vst v63  }
.Ltmp3:
0x51: {  	_ = 	snop;
	(pc) =	sbr.rel @!p1 .LBB2_5-.Ltmp3, $4  }
0x52: {  	s6 =	simm.s32 @!p2 $0x6  }
0x53: {  	_ =	swait.ge @!p2 [sflag:s6], $0x800  }
0x54: {  	[sflag:s6] =	ssyncset.done @!p2 $0x0  }
0x55: {  	[sflag:s6] =	ssyncadd.s32 @!p2 $0xFFFFF800  }
0x56: {  	[tilespmem:$0x4280] =	vst v0  }
0x57: {  	[tilespmem:$0x4290] =	vst v0  }
0x58: {  	[tilespmem:$0x42A0] =	vst v0  }
0x59: {  	[tilespmem:$0x42B0] =	vst v0  }
0x5a: {  	[tilespmem:$0x42C0] =	vst v0  }
0x5b: {  	[tilespmem:$0x42D0] =	vst v0  }
0x5c: {  	[tilespmem:$0x42E0] =	vst v0  }
0x5d: {  	[tilespmem:$0x42F0] =	vst v0  }
0x5e: {  	[tilespmem:$0x4300] =	vst v0  }
0x5f: {  	[tilespmem:$0x4310] =	vst v0  }
0x60: {  	[tilespmem:$0x4320] =	vst v0  }
0x61: {  	[tilespmem:$0x4330] =	vst v0  }
0x62: {  	[tilespmem:$0x4340] =	vst v0  }
0x63: {  	[tilespmem:$0x4350] =	vst v0  }
0x64: {  	[tilespmem:$0x4360] =	vst v0  }
0x65: {  	[tilespmem:$0x4370] =	vst v0  }
0x66: {  	[tilespmem:$0x4380] =	vst v0  }
0x67: {  	[tilespmem:$0x4390] =	vst v0  }
0x68: {  	[tilespmem:$0x43A0] =	vst v0  }
0x69: {  	[tilespmem:$0x43B0] =	vst v0  }
0x6a: {  	[tilespmem:$0x43C0] =	vst v0  }
0x6b: {  	[tilespmem:$0x43D0] =	vst v0  }
0x6c: {  	[tilespmem:$0x43E0] =	vst v0  }
0x6d: {  	[tilespmem:$0x43F0] =	vst v0  }
0x6e: {  	[tilespmem:$0x4400] =	vst v0  }
0x6f: {  	[tilespmem:$0x4410] =	vst v0  }
0x70: {  	[tilespmem:$0x4420] =	vst v0  }
0x71: {  	[tilespmem:$0x4430] =	vst v0  }
0x72: {  	[tilespmem:$0x4440] =	vst v0  }
0x73: {  	[tilespmem:$0x4450] =	vst v0  }
0x74: {  	[tilespmem:$0x4460] =	vst v0  }
0x75: {  	[tilespmem:$0x4470] =	vst v0  }
0x76: {  	[tilespmem:$0x4480] =	vst v0  }
0x77: {  	[tilespmem:$0x4490] =	vst v0  }
0x78: {  	[tilespmem:$0x44A0] =	vst v0  }
0x79: {  	[tilespmem:$0x44B0] =	vst v0  }
0x7a: {  	[tilespmem:$0x44C0] =	vst v0  }
0x7b: {  	[tilespmem:$0x44D0] =	vst v0  }
0x7c: {  	[tilespmem:$0x44E0] =	vst v0  }
0x7d: {  	[tilespmem:$0x44F0] =	vst v0  }
0x7e: {  	[tilespmem:$0x4500] =	vst v0  }
0x7f: {  	[tilespmem:$0x4510] =	vst v0  }
0x80: {  	[tilespmem:$0x4520] =	vst v0  }
0x81: {  	[tilespmem:$0x4530] =	vst v0  }
0x82: {  	[tilespmem:$0x4540] =	vst v0  }
0x83: {  	[tilespmem:$0x4550] =	vst v0  }
0x84: {  	[tilespmem:$0x4560] =	vst v0  }
0x85: {  	[tilespmem:$0x4570] =	vst v0  }
0x86: {  	[tilespmem:$0x4580] =	vst v0  }
0x87: {  	[tilespmem:$0x4590] =	vst v0  }
0x88: {  	[tilespmem:$0x45A0] =	vst v0  }
0x89: {  	[tilespmem:$0x45B0] =	vst v0  }
0x8a: {  	[tilespmem:$0x45C0] =	vst v0  }
0x8b: {  	[tilespmem:$0x45D0] =	vst v0  }
0x8c: {  	[tilespmem:$0x45E0] =	vst v0  }
0x8d: {  	[tilespmem:$0x45F0] =	vst v0  }
0x8e: {  	[tilespmem:$0x4600] =	vst v0  }
0x8f: {  	[tilespmem:$0x4610] =	vst v0  }
0x90: {  	[tilespmem:$0x4620] =	vst v0  }
0x91: {  	[tilespmem:$0x4630] =	vst v0  }
0x92: {  	[tilespmem:$0x4640] =	vst v0  }
0x93: {  	[tilespmem:$0x4650] =	vst v0  }
0x94: {  	s6 =	rddreg [dreg:$0x8];
	s8 =	simm.s32 $0x4280;
	[tilespmem:$0x4658] =	vst v0  }
0x95: {  	[spmem:s6] =	stream.linear.scatter [tilespmem:s8], [sflag:$0x6], $0x3E8, $0x38;
	[tilespmem:$0x18178] =	vst v63  }
0x96: {  	_ =	swait.ge [sflag:s28], $0x3E8  }
0x97: {  	[sflag:s28] =	ssyncset.done $0x0  }
0x98: {  	[sflag:s28] =	ssyncadd.s32 $0xFFFFFC18  }
.LBB2_5:
0x99: {  	[tilespmem:$0x4200] =	vst v1  }
0x9a: {  	[tilespmem:$0x4210] =	vst v1  }
0x9b: {  	[tilespmem:$0x4220] =	vst v1  }
0x9c: {  	[tilespmem:$0x4230] =	vst v1  }
0x9d: {  	[tilespmem:$0x4240] =	vst v1  }
0x9e: {  	[tilespmem:$0x4250] =	vst v1  }
0x9f: {  	[tilespmem:$0x4260] =	vst v1  }
0xa0: {  	[tilespmem:$0x4270] =	vst v1  }
.Ltmp4:
0xa1: {  	s21 =	simm.s32 $0x0;
	[bflag:$0x0] =	sbarrier.arrive $0xFFFF;
	(pc) =	sbr.rel .LBB2_6-.Ltmp4, $4  }
0xa2: {  	[tilespmem:s21], [sflag:$0x2] =	stream.linear.gather [hbm4b:s17+s21], $0x80, $0x38;
	[tilespmem:$0x18178] =	vst v63  }
0xa3: {  	s6 =	simm.s32 $0x100;
	s22 =	simm.s32 $0x27  }
0xa4: {  	[tilespmem:s6], [sflag:$0x3] =	stream.linear.gather [hbm4b:s18+s21], $0x80, $0x38;
	[tilespmem:$0x18178] =	vst v63  }
0xa5: {  	s23 =	stileid.u32;
	s8 =	smov.u32 s5;
	s6 =	smov.u32 s24  }
.LBB2_12:
0xa6: {  	s22 =	sadd.s32 $0xFFFFFFFF, s22  }
0xa7: {  	s8 =	sadd.s32 $0x200, s8;
	s6 =	sadd.s32 $0x200, s6;
	s23 =	sadd.s32 $0x20, s23  }
.LBB2_6:
0xa8: {  	p4 =	sgt.u32 s23, $0x4E1  }
0xa9: {  	s10 =	sadd.s32 @!p4 $0x10, s23  }
0xaa: {  	p5 =	sgt.u32 @!p4 s10, $0x4E1  }
0xab: {  	p5 =	por p5, p4  }
0xac: {  	s10 =	sadd.s32 @!p5 s6, s15  }
0xad: {  	s11 =	simm.s32 @!p5 $0x0;
	s12 =	simm.s32 @!p5 $0x80;
	s10 =	sadd.s32 @!p5 $0x100, s10  }
0xae: {  	[tilespmem:s12], [sflag:$0x4] =	stream.linear.gather @!p5 [hbm4b:s10+s11], $0x80, $0x38;
	[tilespmem:$0x18178] =	vst v63  }
0xaf: {  	s10 =	sadd.s32 @!p5 s8, s15  }
0xb0: {  	s12 =	simm.s32 @!p5 $0x180;
	s10 =	sadd.s32 @!p5 $0x100, s10  }
0xb1: {  	[tilespmem:s12], [sflag:$0x5] =	stream.linear.gather @!p5 [hbm4b:s10+s11], $0x80, $0x38;
	[tilespmem:$0x18178] =	vst v63  }
0xb2: {  	s10 =	simm.s32 @!p4 $0x2  }
0xb3: {  	_ =	swait.ge @!p4 [sflag:s10], $0x80  }
0xb4: {  	[sflag:s10] =	ssyncset.done @!p4 $0x0  }
0xb5: {  	[sflag:s10] =	ssyncadd.s32 @!p4 $0xFFFFFF80;
	s10 =	simm.s32 @!p4 $0x3  }
0xb6: {  	_ =	swait.ge @!p4 [sflag:s10], $0x80  }
0xb7: {  	s11 =	simm.s32 @!p4 $0x0;
	[sflag:s10] =	ssyncset.done @!p4 $0x0  }
0xb8: {  	s12 =	simm.s32 @!p4 $0x200;
	[sflag:s10] =	ssyncadd.s32 @!p4 $0xFFFFFF80;
	s10 =	simm.s32 @!p4 $0x80  }
0xb9: {  	[tilespmem:s12], [sflag:$0x1] =	stream.indirect.gather @!p4 [hbm4b:s1+s10], $0x80, s11, s10, $0xb8;
	[tilespmem:$0x18178] =	vst v63  }
0xba: {  	s11 =	simm.s32 @!p4 $0x1  }
0xbb: {  	_ =	swait.ge @!p4 [sflag:s11], $0x4000  }
0xbc: {  	[sflag:s11] =	ssyncset.done @!p4 $0x0  }
0xbd: {  	[sflag:s11] =	ssyncadd.s32 @!p4 $0xFFFFC000;
	s11 =	simm.s32 @!p4 $0x100  }
0xbe: {  	[spmem:s2] =	stream.indirect.scatter.add.f32 @!p4 [tilespmem:s12], [sflag:$0x7], $0x80, s11, s10, $0xb8;
	[tilespmem:$0x18178] =	vst v63  }
0xbf: {  	p5 =	sne.s32 @!p4 s7, $0x0;
	s10 =	simm.s32 @!p4 $0x7  }
0xc0: {  	p6 =	sgt.u32 @!p4 s23, $0x4D1;
	p5 =	por p5, p4;
	_ =	swait.ge @!p4 [sflag:s10], $0x4000  }
0xc1: {  	s11 =	simm.s32 @!p5 $0x100;
	s12 =	simm.s32 @!p5 $0x4200;
	[sflag:s10] =	ssyncset.done @!p4 $0x0  }
0xc2: {  	[sflag:s10] =	ssyncadd.s32 @!p4 $0xFFFFC000;
	s10 =	simm.s32 @!p5 $0x80;
	p4 =	por p4, p6  }
0xc3: {  	[spmem:s3] =	stream.indirect.scatter.add.f32 @!p5 [tilespmem:s12], [sflag:$0x7], $0x1, s11, s10, $0xb8;
	[tilespmem:$0x18178] =	vst v63  }
.Ltmp5:
0xc4: {  	_ = 	snop;
	(pc) =	sbr.rel @p4 .LBB2_10-.Ltmp5, $4  }
0xc5: {  	s10 =	simm.s32 @!p5 $0x7  }
0xc6: {  	_ =	swait.ge @!p5 [sflag:s10], $0x80  }
0xc7: {  	[sflag:s10] =	ssyncset.done @!p5 $0x0  }
0xc8: {  	[sflag:s10] =	ssyncadd.s32 @!p5 $0xFFFFFF80  }
0xc9: {  	p4 =	sgt.u32 s23, $0x4C1  }
0xca: {  	s10 =	sadd.s32 @!p4 s6, s15  }
0xcb: {  	s11 =	simm.s32 @!p4 $0x0;
	s10 =	sadd.s32 @!p4 $0x200, s10  }
0xcc: {  	[tilespmem:s11], [sflag:$0x2] =	stream.linear.gather @!p4 [hbm4b:s10+s11], $0x80, $0x38;
	[tilespmem:$0x18178] =	vst v63  }
0xcd: {  	s10 =	sadd.s32 @!p4 s8, s15  }
0xce: {  	s12 =	simm.s32 @!p4 $0x100;
	s10 =	sadd.s32 @!p4 $0x200, s10  }
0xcf: {  	[tilespmem:s12], [sflag:$0x3] =	stream.linear.gather @!p4 [hbm4b:s10+s11], $0x80, $0x38;
	[tilespmem:$0x18178] =	vst v63  }
0xd0: {  	_ =	swait.ge [sflag:s31], $0x80  }
0xd1: {  	[sflag:s31] =	ssyncset.done $0x0  }
0xd2: {  	[sflag:s31] =	ssyncadd.s32 $0xFFFFFF80  }
0xd3: {  	_ =	swait.ge [sflag:s0], $0x80  }
0xd4: {  	[sflag:s0] =	ssyncset.done $0x0  }
0xd5: {  	[sflag:s0] =	ssyncadd.s32 $0xFFFFFF80  }
0xd6: {  	[tilespmem:s26], [sflag:$0x1] =	stream.indirect.gather [hbm4b:s1+s29], $0x80, s29, s29, $0xb8;
	[tilespmem:$0x18178] =	vst v63  }
0xd7: {  	_ =	swait.ge [sflag:s16], $0x4000  }
0xd8: {  	[sflag:s16] =	ssyncset.done $0x0  }
.Ltmp6:
0xd9: {  	[sflag:s16] =	ssyncadd.s32 $0xFFFFC000;
	(pc) =	sbr.rel @!p0 .LBB2_14-.Ltmp6, $4  }
0xda: {  	[spmem:s2] =	stream.indirect.scatter.add.f32 [tilespmem:s26], [sflag:$0x7], $0x80, s19, s29, $0xb8;
	[tilespmem:$0x18178] =	vst v63  }
0xdb: {  	_ =	swait.ge [sflag:s20], $0x4000  }
0xdc: {  	[sflag:s20] =	ssyncset.done $0x0  }
0xdd: {  	[sflag:s20] =	ssyncadd.s32 $0xFFFFC000  }
0xde: {  	p4 =	sne.s32 s22, $0x0  }
.Ltmp7:
0xdf: {  	_ = 	snop;
	(pc) =	sbr.rel @!p4 .LBB2_13-.Ltmp7, $4  }
0xe0: {  	[spmem:s3] =	stream.indirect.scatter.add.f32 [tilespmem:s30], [sflag:$0x6], $0x1, s19, s29, $0xb8;
	[tilespmem:$0x18178] =	vst v63  }
0xe1: {  	_ =	swait.ge [sflag:s28], $0x80  }
0xe2: {  	[sflag:s28] =	ssyncset.done $0x0  }
0xe3: {  	[sflag:s28] =	ssyncadd.s32 $0xFFFFFF80  }
.Ltmp8:
0xe4: {  	(pc) =	sbr.rel .LBB2_12-.Ltmp8, $2  }
0xe5: {  	_ =	sdelay $0x2  }
0xe6: {  	s21 =	sadd.s32 $0x1, s21  }
.LBB2_10:
0xe7: {  	p4 =	seq.s32 s22, $0x0  }
.Ltmp9:
0xe8: {  	_ = 	snop;
	(pc) =	sbr.rel @p4 .LBB2_16-.Ltmp9, $1  }
0xe9: {  	_ =	sdelay $0x3  }
.Ltmp10:
0xea: {  	(pc) =	sbr.rel .LBB2_12-.Ltmp10, $2  }
0xeb: {  	_ =	sdelay $0x2  }
0xec: {  	s21 =	sadd.s32 $0x1, s21  }
.LBB2_14:
0xed: {  	p4 =	sne.s32 s22, $0x0  }
.Ltmp11:
0xee: {  	_ = 	snop;
	(pc) =	sbr.rel @!p4 .LBB2_18-.Ltmp11, $1  }
0xef: {  	_ =	sdelay $0x3  }
.Ltmp12:
0xf0: {  	(pc) =	sbr.rel .LBB2_12-.Ltmp12, $2  }
0xf1: {  	_ =	sdelay $0x2  }
0xf2: {  	s21 =	sadd.s32 $0x1, s21  }
.LBB2_16:
.Ltmp13:
0xf3: {  	(pc) =	sbr.rel @p3 .LBB2_19-.Ltmp13, $4  }
.Ltmp14:
0xf4: {  	(pc) =	sbr.rel @!p3 .LBB2_17-.Ltmp14, $4  }
0xf5: {  	_ = 	snop  }
0xf6: {  	[bflag:$0x0] =	sbarrier.arrive $0xFFFF  }
0xf7: {  	_ = 	snop  }
0xf8: {  	_ = 	snop  }
.LBB2_13:
0xf9: {  	[bflag:$0x0] =	sbarrier.arrive $0xFFFF  }
.LBB2_17:
0xfa: {  	s6 =	stileid.u32  }
0xfb: {  	s6 =	sshll.u32 s6, $0x6  }
0xfc: {  	s8 =	sshrl.u32 s9, $0x3;
	s10 =	rddreg [dreg:$0xb];
	s6 =	sor.u32 $0x1C06, s6  }
0xfd: {  	[hbm:s10], [sflag:s6] =	dma.local [spmem:s8], $0x2700  }
0xfe: {  	_ =	swait.ge [sflag:s28], $0x2700  }
0xff: {  	[sflag:s28] =	ssyncset.done $0x0  }
0x100: {  	s8 =	sshrl.u32 @!p2 s14, $0x3;
	s10 =	rddreg [dreg:$0xc];
	[sflag:s28] =	ssyncadd.s32 $0xFFFFD900  }
0x101: {  	[hbm:s10], [sflag:s6] =	dma.local @!p2 [spmem:s8], $0x100  }
0x102: {  	s6 =	simm.s32 @!p2 $0x6  }
0x103: {  	_ =	swait.ge @!p2 [sflag:s6], $0x100  }
0x104: {  	[sflag:s6] =	ssyncset.done @!p2 $0x0  }
0x105: {  	s8 =	rddreg [dreg:$0xd];
	[sflag:s6] =	ssyncadd.s32 @!p2 $0xFFFFFF00;
	s6 =	simm.s32 @p1 $0x4280  }
0x106: {  	[tilespmem:s6], [sflag:$0x6] =	stream.linear.gather @p1 [spmem:s8], $0x3E8, $0x38;
	[tilespmem:$0x18178] =	vst v63  }
0x107: {  	s8 =	simm.s32 @p1 $0x6  }
0x108: {  	_ =	swait.ge @p1 [sflag:s8], $0x3E8  }
0x109: {  	s10 =	simm.s32 @p1 $0x0;
	[sflag:s8] =	ssyncset.done @p1 $0x0  }
.Ltmp15:
0x10a: {  	s11 =	rddreg [dreg:$0xe];
	[sflag:s8] =	ssyncadd.s32 @p1 $0xFFFFFC18;
	(pc) =	sbr.rel .LBB2_20-.Ltmp15, $4  }
0x10b: {  	[hbm4b:s11+s10] =	stream.linear.scatter @p1 [tilespmem:s6], [sflag:$0x6], $0x3E8, $0x38;
	[tilespmem:$0x18178] =	vst v63  }
0x10c: {  	_ =	swait.ge @p1 [sflag:s8], $0x3E8  }
0x10d: {  	[sflag:s8] =	ssyncset.done @p1 $0x0  }
0x10e: {  	[sflag:s8] =	ssyncadd.s32 @p1 $0xFFFFFC18  }
.LBB2_21:
0x10f: {  	_ =	sfence.sel $0x180000  }
0x110: {  	[bflag:$0x0] =	sbarrier.arrive $0xFFFF  }
0x111: {  	_ =	strace $0x90000047  }
0x112: {  	[bflag:$0x2] =	sbarrier.arrive $0xFFFF  }
0x113: {  	s0 =	rddreg [dreg:$0x4]  }
0x114: {  	s0 =	sadd.s32 @!p2 $0x100000, s0  }
0x115: {  	[sflag:s0] =	ssyncadd.tile.s32 @!p2 $0x1;
	_ =	shalt  }
.Lfunc_end2:
_tile_overlayer_lowered:
.L_overlay_start_2:
0x116: {  	(tag) =	ssettag $0x2  }
0x117: {  	s0 =	rddreg [dreg:$0x0];
	s2 =	stileid.u32  }
0x118: {  	s1 =	rddreg [dreg:$0x1];
	p0 =	sne.s32 s2, $0x0  }
0x119: {  	s3 =	rddreg [dreg:$0x2];
	[bflag:$0x3] =	sbarrier.arrive $0xFFFF;
	s2 =	simm.s32 @!p0 $0x1C06  }
0x11a: {  	[timem:s3], [sflag:s2] =	dma.local @!p0 [hbm:s0], s1  }
0x11b: {  	s0 =	simm.s32 @!p0 $0x6  }
0x11c: {  	_ =	swait.ge @!p0 [sflag:s0], s1  }
0x11d: {  	s1 =	ssub.s32 @!p0 $0x0, s1;
	[sflag:s0] =	ssyncset.done @!p0 $0x0  }
0x11e: {  	[sflag:s0] =	ssyncadd.s32 @!p0 s1  }
0x11f: {  	[bflag:$0x3] =	sbarrier.arrive $0xFFFF  }
0x120: {  	_ =	shalt  }

// kernel: kernel.9.cloned.1.call-start
scs
__scs_entry_jumppad:
0x0: {  	(pc) =	sbr.rel $0x88, $3  }
0x1: {  	(tag) =	ssettag $0x0;
	lr =	simm.s32 $0x1  }
0x2: {  	[smem:$0x3F99] =	sst lr;
	_ =	strace $0xD0000000  }
0x3: {  	_ = 	snop  }
0x4: {  	_ = 	snop  }
0x5: {  	_ = 	snop  }
0x6: {  	_ = 	snop  }
0x7: {  	_ = 	snop  }
__scs_overlays_trampoline_lowered:
0x8: {  	[smem:$0x3FA8] =	sst s0  }
0x9: {  	[smem:$0x3FA9] =	sst s1  }
0xa: {  	[smem:$0x3FAA] =	sst s2  }
0xb: {  	[smem:$0x3FAB] =	sst s3  }
0xc: {  	[smem:$0x3FAC] =	sst s4  }
0xd: {  	[smem:$0x3FAD] =	sst s5  }
0xe: {  	[smem:$0x3FAE] =	sst s6  }
0xf: {  	[smem:$0x3FAF] =	sst s7  }
0x10: {  	[smem:$0x3FB0] =	sst s8  }
0x11: {  	[smem:$0x3FB1] =	sst s9;
	s0 =	simm.s32 @!p0 $0x0  }
0x12: {  	s1 =	sld [smem:$0x3F97];
	s0 =	simm.s32 @p0 $0x1  }
0x13: {  	[smem:$0x3FB2] =	sst s0;
	s0 =	simm.s32 @!p1 $0x0  }
0x14: {  	s2 =	sld [smem:$0x3F96];
	s0 =	simm.s32 @p1 $0x1  }
0x15: {  	[smem:$0x3FB3] =	sst s0;
	s0 =	simm.s32 @!p2 $0x0  }
0x16: {  	s3 =	sld [smem:$0x3FDB];
	s0 =	simm.s32 @p2 $0x1  }
0x17: {  	s4 =	simm.s32 $0x1BF5;
	[smem:$0x3FB5] =	sst s0  }
0x18: {  	s0 =	sld [smem:$0x3F98];
	_ =	swait.ge [sflag:s4], $0x0  }
0x19: {  	s7 =	sld [smem:$0x3F99]  }
0x1a: {  	s8 =	sadd.s32 $0xFFFFE003, lr  }
0x1b: {  	s9 =	sadd.s32 $0xFFFFFEF7, lr;
	s5 =	simm.s32 $0xFFFFFFFF;
	p2 =	slt.u32 s8, $0xFFFFF086  }
0x1c: {  	p1 =	slt.u32 s9, $0xF7A;
	s5 =	simm.s32 @!p2 $0x0  }
0x1d: {  	s5 =	simm.s32 @p1 $0x1;
	p0 =	seq.s32 s7, s2  }
0x1e: {  	s7 =	smul.u32 @!p0 $0xF7A, s2;
	p2 =	seq.s32 @!p0 s5, $0x0  }
0x1f: {  	s9 =	smul.u32 $0xF7A, s1;
	s8 =	simm.s32 @!p0 $0x1BF5;
	p2 =	por !p2, p0  }
0x20: {  	[sflag:s8] =	ssyncset.s32 @!p0 $0xFFFFF086;
	s6 =	sadd.s32 @!p0 s3, s7;
	s7 =	simm.s32 @!p0 $0x108  }
0x21: {  	s3 =	sadd.s32 s3, s9;
	s6 =	sadd.s32 @!p0 $0x88, s6;
	s7 =	simm.s32 @p2 $0x1082  }
0x22: {  	[simem:s7], [sflag:s8] =	dma.local @!p0 [hbm:s6], $0xF7A  }
0x23: {  	s9 =	sor.u32 $0xD0000000, s2;
	s6 =	simm.s32 $0x108;
	_ =	swait.ge @!p0 [sflag:s8], $0x0  }
0x24: {  	s3 =	sadd.s32 $0x88, s3;
	s6 =	simm.s32 @!p1 $0x1082;
	[sflag:s4] =	ssyncset.s32 $0xFFFFF086  }
0x25: {  	[simem:s6], [sflag:s4] =	dma.local [hbm:s3], $0xF7A  }
0x26: {  	[smem:$0x3F99] =	sst s1;
	(tag) =	ssettag s2;
	_ =	strace s9  }
0x27: {  	s1 =	sld [smem:$0x3FA9]  }
0x28: {  	s2 =	sld [smem:$0x3FAA]  }
0x29: {  	s4 =	sld [smem:$0x3FAC]  }
0x2a: {  	p0 =	seq.s32 s5, $0x0;
	s5 =	sld [smem:$0x3FAD]  }
0x2b: {  	s6 =	sld [smem:$0x3FAE]  }
0x2c: {  	s7 =	sld [smem:$0x3FAF]  }
0x2d: {  	s3 =	simm.s32 $0x108;
	s8 =	sld [smem:$0x3FB0]  }
0x2e: {  	s3 =	simm.s32 @!p0 $0x1082;
	s9 =	sld [smem:$0x3FB1]  }
0x2f: {  	lr =	sadd.s32 s0, s3;
	s0 =	sld [smem:$0x3FA8]  }
0x30: {  	s3 =	sld [smem:$0x3FAB]  }
0x31: {  	[smem:$0x3FB4] =	sst s10  }
0x32: {  	s10 =	sld [smem:$0x3FB2];
	_ =	sdelay $0x3  }
0x33: {  	p0 =	seq.s32 s10, $0x1;
	s10 =	sld [smem:$0x3FB4];
	_ =	sdelay $0x3  }
0x34: {  	[smem:$0x3FB4] =	sst s10  }
0x35: {  	s10 =	sld [smem:$0x3FB3];
	_ =	sdelay $0x3  }
0x36: {  	p1 =	seq.s32 s10, $0x1;
	s10 =	sld [smem:$0x3FB4];
	_ =	sdelay $0x3  }
0x37: {  	[smem:$0x3FB4] =	sst s10  }
0x38: {  	s10 =	sld [smem:$0x3FB5]  }
0x39: {  	_ = 	snop;
	(pc) =	sbr.ind lr, $3  }
0x3a: {  	_ = 	snop  }
0x3b: {  	_ = 	snop  }
0x3c: {  	p2 =	seq.s32 s10, $0x1;
	s10 =	sld [smem:$0x3FB4]  }
0x3d: {  	_ =	shalt  }
0x3e: {  	_ =	shalt  }
0x3f: {  	_ =	shalt  }
0x40: {  	_ =	shalt  }
0x41: {  	_ =	shalt  }
0x42: {  	_ =	shalt  }
0x43: {  	_ =	shalt  }
0x44: {  	_ =	shalt  }
0x45: {  	_ =	shalt  }
0x46: {  	_ =	shalt  }
0x47: {  	_ =	shalt  }
0x48: {  	_ =	shalt  }
0x49: {  	_ =	shalt  }
0x4a: {  	_ =	shalt  }
0x4b: {  	_ =	shalt  }
0x4c: {  	_ =	shalt  }
0x4d: {  	_ =	shalt  }
0x4e: {  	_ =	shalt  }
0x4f: {  	_ =	shalt  }
0x50: {  	_ =	shalt  }
0x51: {  	_ =	shalt  }
0x52: {  	_ =	shalt  }
0x53: {  	_ =	shalt  }
0x54: {  	_ =	shalt  }
0x55: {  	_ =	shalt  }
0x56: {  	_ =	shalt  }
0x57: {  	_ =	shalt  }
0x58: {  	_ =	shalt  }
0x59: {  	_ =	shalt  }
0x5a: {  	_ =	shalt  }
0x5b: {  	_ =	shalt  }
0x5c: {  	_ =	shalt  }
0x5d: {  	_ =	shalt  }
0x5e: {  	_ =	shalt  }
0x5f: {  	_ =	shalt  }
0x60: {  	_ =	shalt  }
0x61: {  	_ =	shalt  }
0x62: {  	_ =	shalt  }
0x63: {  	_ =	shalt  }
0x64: {  	_ =	shalt  }
0x65: {  	_ =	shalt  }
0x66: {  	_ =	shalt  }
0x67: {  	_ =	shalt  }
0x68: {  	_ =	shalt  }
0x69: {  	_ =	shalt  }
0x6a: {  	_ =	shalt  }
0x6b: {  	_ =	shalt  }
0x6c: {  	_ =	shalt  }
0x6d: {  	_ =	shalt  }
0x6e: {  	_ =	shalt  }
0x6f: {  	_ =	shalt  }
0x70: {  	_ =	shalt  }
0x71: {  	_ =	shalt  }
0x72: {  	_ =	shalt  }
0x73: {  	_ =	shalt  }
0x74: {  	_ =	shalt  }
0x75: {  	_ =	shalt  }
0x76: {  	_ =	shalt  }
0x77: {  	_ =	shalt  }
0x78: {  	_ =	shalt  }
0x79: {  	_ =	shalt  }
0x7a: {  	_ =	shalt  }
0x7b: {  	_ =	shalt  }
0x7c: {  	_ =	shalt  }
0x7d: {  	_ =	shalt  }
0x7e: {  	_ =	shalt  }
0x7f: {  	_ =	shalt  }
0x80: {  	_ =	shalt  }
0x81: {  	_ =	shalt  }
0x82: {  	_ =	shalt  }
0x83: {  	_ =	shalt  }
0x84: {  	_ =	shalt  }
0x85: {  	_ =	shalt  }
0x86: {  	_ =	shalt  }
0x87: {  	_ =	shalt  }
.Lfunc_end0:
.L_simem_size_0:
called_computation.1_lowered:
.L_overlay_start_0:
0x88: {  	s2 =	sld [smem:$0x3FD9]  }
0x89: {  	s3 =	sld [smem:$0x3FFE];
	_ =	sdelay $0x1  }
0x8a: {  	s1 =	srdreg.scid  }
0x8b: {  	s0 =	sand.u32 $0x1, s1  }
0x8c: {  	s16 =	sshll.u32 s0, $0xA;
	s2 =	sadd.s32 s3, s2  }
0x8d: {  	s2 =	sadd.s32 s2, s16  }
0x8e: {  	[smem:$0x3FC0] =	sst s2  }
0x8f: {  	_ = 	snop  }
0x90: {  	(tm) =	ssettm $0x1  }
0x91: {  	s17 =	sld [smem:$0x3FFB];
	_ =	sdelay $0x3  }
0x92: {  	_ =	strace s17  }
0x93: {  	s2 =	sld [smem:$0x3FFC];
	_ =	sdelay $0x3  }
0x94: {  	_ =	strace s2  }
0x95: {  	s2 =	sld [smem:$0x3FFD];
	_ =	sdelay $0x3  }
0x96: {  	_ =	strace s2  }
0x97: {  	_ =	strace $0x8FFFFFFF  }
0x98: {  	s18 =	sld [smem:$0x3FDB];
	_ =	sdelay $0x1  }
0x99: {  	s19 =	simm.s32 $_scs_section_size  }
0x9a: {  	s4 =	simm.s32 $_size__tile_overlayer_lowered;
	s5 =	simm.s32 $_tile_overlayer_lowered  }
0x9b: {  	s22 =	simm.s32 $0x1BFF;
	s21 =	sshll.u32 s5, $0x1;
	s2 =	sadd.s32 s19, s18  }
0x9c: {  	s6 =	simm.s32 $0x0;
	s20 =	sshll.u32 s4, $0x1;
	s4 =	sadd.s32 s21, s2  }
0x9d: {  	[timem:s6], [sflag:s22] =	dma.local [hbm:s4], s20  }
0x9e: {  	_ =	swait.ge [sflag:s22], s20  }
0x9f: {  	s3 =	ssub.s32 $0x0, s20;
	[sflag:s22] =	ssyncset.done $0x0  }
0xa0: {  	[sflag:s22] =	ssyncadd.s32 s3;
	_ =	sdelay $0x1  }
0xa1: {  	s23 =	simm.s32 $0x1B8B  }
0xa2: {  	_ =	swait.ge [sflag:s23], $0x1  }
0xa3: {  	[sflag:s23] =	ssyncset.done $0x0  }
0xa4: {  	s25 =	simm.s32 $0x1B8E;
	s24 =	sld [smem:$0x3FFE];
	[sflag:s23] =	ssyncadd.s32 $0xFFFFFFFF  }
0xa5: {  	s26 =	simm.s32 $execute0_lowered;
	[smem:$0x3FD2] =	sst s25  }
0xa6: {  	s4 =	sshll.u32 s26, $0x1;
	_ =	strace $0x80000049;
	[dreg:$0x1] =	wrdreg $0xFFFFFFFF  }
0xa7: {  	s28 =	simm.s32 $_size_execute0_lowered;
	s2 =	sadd.s32 s2, s4;
	[dreg:$0x0] =	wrdreg $0x0  }
0xa8: {  	s4 =	sshll.u32 s28, $0x1;
	[dreg:$0x2] =	wrdreg s2  }
0xa9: {  	[dreg:$0x3] =	wrdreg s4  }
0xaa: {  	[dreg:$0x4] =	wrdreg $0xC0  }
0xab: {  	_ =	task [dreg:s6], $0x5FFFF  }
0xac: {  	[dreg:$0x1] =	wrdreg $0xFFFFFFFF  }
0xad: {  	[dreg:$0x0] =	wrdreg $0x60  }
0xae: {  	[dreg:$0x2] =	wrdreg s24  }
0xaf: {  	[dreg:$0x3] =	wrdreg $0x42000  }
0xb0: {  	[dreg:$0x4] =	wrdreg $0x9  }
0xb1: {  	_ =	task.clear_ibuf [dreg:s6], $0x5FFFF;
	_ =	strace $0x90000049  }
0xb2: {  	s29 =	simm.s32 $0x9;
	_ =	strace $0x8000004B  }
0xb3: {  	_ =	swait.ge [sflag:s29], $0x1  }
0xb4: {  	[sflag:s29] =	ssyncadd.s32 $0xFFFFFFFF  }
0xb5: {  	_ =	strace $0x9000004B  }
0xb6: {  	_ =	sfence  }
0xb7: {  	s30 =	sld [smem:$0x0];
	_ =	sdelay $0x2  }
0xb8: {  	s31 =	sshll.u32 s1, $0xD;
	s1 =	sshrl.u32 s1, $0x2  }
0xb9: {  	s3 =	sand.u32 $0x4000, s31;
	s1 =	sadd.s32 s1, s30  }
0xba: {  	s0 =	sor.u32 s3, s0;
	s1 =	sshll.u32 s1, $0x11  }
0xbb: {  	s0 =	sor.u32 s1, s0  }
0xbc: {  	s0 =	sadd.s32 $0x8F2B, s0  }
0xbd: {  	[sflag:s0] =	ssyncadd.remote.s32 $0x1  }
0xbe: {  	_ =	sfence.sel $0xFFFF  }
0xbf: {  	[dreg:$0x0] =	wrdreg $0xFFFFFFFF;
	(pc) =	sbr.abs _section_cstart, $3  }
0xc0: {  	[dreg:$0x1] =	wrdreg $0xFFFFFFFF  }
0xc1: {  	_ =	task.clear_ibuf [dreg:s6], $0x2FFFF;
	_ =	strace $0x9FFFFFFF  }
0xc2: {  	(tm) =	ssettm $0x7FFFFFFF  }
0xc3: {  	_ =	shalt  }
tec
execute0_lowered:
.L_overlay_start_1:
0x0: {  	(tag) =	ssettag $0x1  }
0x1: {  	s0 =	rddreg [dreg:$0x0]  }
0x2: {  	s1 =	rddreg [dreg:$0x1];
	s2 =	simm.s32 $0x0;
	s4 =	stileid.u32  }
0x3: {  	s6 =	srdreg.scid;
	s18 =	simm.s32 $0x200;
	s19 =	simm.s32 $0x6  }
0x4: {  	s20 =	simm.s32 $0x100;
	s21 =	simm.s32 $0x80;
	s28 =	simm.s32 $0x4  }
0x5: {  	s29 =	simm.s32 $0x5;
	s30 =	simm.s32 $0x0;
	[smem:$0x7FF] =	sst s2  }
0x6: {  	s3 =	sadd.s32 $0x5AE00, s0;
	s5 =	sshll.u32 s4, $0x4;
	s7 =	smul.u32 $0x4E000, s4  }
0x7: {  	s15 =	sadd.s32 $0x82000, s0;
	s16 =	sand.u32 $0x1, s6;
	s22 =	sadd.s32 $0xA9200, s0  }
0x8: {  	s23 =	sadd.s32 $0xD0400, s0;
	s17 =	smul.u32 $0x2700, s4;
	s12 =	sadd.s32 $0x138000, s1  }
0x9: {  	s31 =	sor.u32 $0x4E0, s4;
	p0 =	sne.s32 s4, $0x0;
	p3 =	seq.s32 s4, $0x0  }
0xa: {  	_ =	strace $0x8000004A;
	s14 =	sadd.s32 s5, s0;
	[dreg:$0x3] =	wrdreg s22  }
0xb: {  	s8 =	ssub.s32 $0x2, s16;
	p1 =	seq.s32 s16, $0x1;
	[dreg:$0x4] =	wrdreg s23  }
0xc: {  	p2 =	sgt.u32 s31, $0x4E1;
	s7 =	sshrl.u32 s7, $0x2;
	s24 =	sshrl.u32 s8, $0x1  }
0xd: {  	s13 =	sadd.s32 $0x7C00, s14;
	s14 =	sadd.s32 $0x2C00, s14;
	s5 =	sadd.s32 s22, s17  }
0xe: {  	s26 =	sadd.s32 s23, s17;
	s3 =	smov.u32 @p1 s15;
	s22 =	simm.s32 $0x180  }
.Ltmp0:
0xf: {  	s23 =	simm.s32 $0x2;
	[dreg:$0x6] =	wrdreg s5;
	(pc) =	sbr.rel .LBB2_1-.Ltmp0, $4  }
0x10: {  	s7 =	sadd.s32 s7, s1;
	s0 =	ssub.s32 s8, s24;
	[dreg:$0x7] =	wrdreg s26  }
0x11: {  	s24 =	simm.s32 $0x3;
	s26 =	simm.s32 $0x7;
	s25 =	sadd.s32 $0x4000, s7  }
0x12: {  	s9 =	sadd.s32 $0x8000, s7;
	s10 =	sadd.s32 $0xC000, s7;
	s11 =	sadd.s32 $0x10000, s7  }
0x13: {  	v0 =	vimm.f32 $0.0e+00;
	s17 =	smax.u32 s0, $0x1;
	[dreg:$0x5] =	wrdreg s25;
	s25 =	simm.s32 $0x1  }
.LBB2_8:
0x14: {  	s5 =	sadd.s32 $0x27000, s15;
	s6 =	sshrl.u32 s12, $0x3  }
0x15: {  	[hbm:s5], [sflag:s0] =	dma.local [spmem:s6], $0x100  }
0x16: {  	_ =	swait.ge [sflag:s19], $0x100  }
0x17: {  	[sflag:s19] =	ssyncset.done $0x0  }
0x18: {  	[sflag:s19] =	ssyncadd.s32 $0xFFFFFF00  }
.LBB2_9:
0x19: {  	s30 =	sadd.s32 $0x1, s30  }
0x1a: {  	p4 =	sne.s32 s30, s17  }
.Ltmp1:
0x1b: {  	_ = 	snop;
	(pc) =	sbr.rel @!p4 .LBB2_10-.Ltmp1, $1  }
0x1c: {  	_ =	sdelay $0x3  }
.LBB2_1:
0x1d: {  	s0 =	simm.s32 $0x0;
	s15 =	simm.s32 $0x200  }
.LBB2_2:
0x1e: {  	p4 =	sne.s32 s15, $0xFE00;
	[tilespmem:s0+$0x270] =	vst v0  }
0x1f: {  	[tilespmem:s0+$0x200] =	vst v0  }
0x20: {  	[tilespmem:s0+$0x210] =	vst v0  }
.Ltmp2:
0x21: {  	[tilespmem:s0+$0x220] =	vst v0;
	(pc) =	sbr.rel @p4 .LBB2_2-.Ltmp2, $4  }
0x22: {  	[tilespmem:s0+$0x230] =	vst v0  }
0x23: {  	[tilespmem:s0+$0x240] =	vst v0  }
0x24: {  	[tilespmem:s0+$0x250] =	vst v0  }
0x25: {  	[tilespmem:s0+$0x260] =	vst v0;
	s0 =	sshra.s32 s15, $0x2;
	s15 =	sadd.s32 $0x200, s15  }
0x26: {  	[tilespmem:s0+$0x270] =	vst v0  }
0x27: {  	[tilespmem:s0+$0x200] =	vst v0  }
0x28: {  	[tilespmem:s0+$0x210] =	vst v0  }
0x29: {  	[tilespmem:s0+$0x220] =	vst v0  }
0x2a: {  	[tilespmem:s0+$0x230] =	vst v0  }
0x2b: {  	[tilespmem:s0+$0x240] =	vst v0  }
0x2c: {  	[tilespmem:s0+$0x250] =	vst v0  }
0x2d: {  	[tilespmem:s0+$0x260] =	vst v0  }
0x2e: {  	[spmem:s7] =	stream.linear.scatter [tilespmem:s18], [sflag:$0x6], $0x4000, $0x38;
	[tilespmem:$0x17A80] =	vst v63  }
0x2f: {  	_ =	swait.ge [sflag:s19], $0x4000  }
0x30: {  	[sflag:s19] =	ssyncset.done $0x0  }
0x31: {  	s6 =	rddreg [dreg:$0x5];
	[sflag:s19] =	ssyncadd.s32 $0xFFFFC000  }
0x32: {  	[spmem:s6] =	stream.linear.scatter [tilespmem:s18], [sflag:$0x6], $0x4000, $0x38;
	[tilespmem:$0x17A80] =	vst v63  }
0x33: {  	_ =	swait.ge [sflag:s19], $0x4000  }
0x34: {  	[sflag:s19] =	ssyncset.done $0x0  }
0x35: {  	[sflag:s19] =	ssyncadd.s32 $0xFFFFC000  }
0x36: {  	[spmem:s9] =	stream.linear.scatter [tilespmem:s18], [sflag:$0x6], $0x4000, $0x38;
	[tilespmem:$0x17A80] =	vst v63  }
0x37: {  	_ =	swait.ge [sflag:s19], $0x4000  }
0x38: {  	[sflag:s19] =	ssyncset.done $0x0  }
0x39: {  	[sflag:s19] =	ssyncadd.s32 $0xFFFFC000  }
0x3a: {  	[spmem:s10] =	stream.linear.scatter [tilespmem:s18], [sflag:$0x6], $0x4000, $0x38;
	[tilespmem:$0x17A80] =	vst v63  }
0x3b: {  	_ =	swait.ge [sflag:s19], $0x4000  }
0x3c: {  	[sflag:s19] =	ssyncset.done $0x0  }
0x3d: {  	[sflag:s19] =	ssyncadd.s32 $0xFFFFC000  }
0x3e: {  	[spmem:s11] =	stream.linear.scatter [tilespmem:s18], [sflag:$0x6], $0x3800, $0x38;
	[tilespmem:$0x17A80] =	vst v63  }
0x3f: {  	_ =	swait.ge [sflag:s19], $0x3800  }
0x40: {  	[sflag:s19] =	ssyncset.done $0x0  }
0x41: {  	s0 =	simm.s32 @!p0 $0x200;
	[sflag:s19] =	ssyncadd.s32 $0xFFFFC800  }
0x42: {  	[spmem:s12] =	stream.linear.scatter @!p0 [tilespmem:s0], [sflag:$0x6], $0x800, $0x38;
	[tilespmem:$0x17A80] =	vst v63  }
0x43: {  	s0 =	simm.s32 @!p0 $0x6  }
0x44: {  	_ =	swait.ge @!p0 [sflag:s0], $0x800  }
0x45: {  	[sflag:s0] =	ssyncset.done @!p0 $0x0  }
0x46: {  	[sflag:s0] =	ssyncadd.s32 @!p0 $0xFFFFF800  }
0x47: {  	s8 =	simm.s32 $0x0;
	[bflag:$0x0] =	sbarrier.arrive $0xFFFF  }
0x48: {  	[tilespmem:s8], [sflag:$0x2] =	stream.linear.gather [hbm4b:s13+s8], $0x80, $0x38;
	[tilespmem:$0x17A80] =	vst v63  }
0x49: {  	s15 =	sadd.s32 $0x0, s13  }
0x4a: {  	[tilespmem:s20], [sflag:$0x3] =	stream.linear.gather [hbm4b:s14+s8], $0x80, $0x38;
	[tilespmem:$0x17A80] =	vst v63  }
0x4b: {  	s0 =	sadd.s32 $0x100, s15;
	s15 =	sadd.s32 $0x0, s14  }
0x4c: {  	[tilespmem:s21], [sflag:$0x4] =	stream.linear.gather [hbm4b:s0+s2], $0x80, $0x38;
	[tilespmem:$0x17A80] =	vst v63  }
0x4d: {  	s16 =	sadd.s32 $0x100, s15  }
0x4e: {  	[tilespmem:s22], [sflag:$0x5] =	stream.linear.gather [hbm4b:s16+s2], $0x80, $0x38;
	[tilespmem:$0x17A80] =	vst v63  }
0x4f: {  	_ =	swait.ge [sflag:s23], $0x80  }
0x50: {  	[sflag:s23] =	ssyncset.done $0x0  }
0x51: {  	[sflag:s23] =	ssyncadd.s32 $0xFFFFFF80  }
0x52: {  	_ =	swait.ge [sflag:s24], $0x80  }
0x53: {  	[sflag:s24] =	ssyncset.done $0x0  }
0x54: {  	[sflag:s24] =	ssyncadd.s32 $0xFFFFFF80  }
0x55: {  	[tilespmem:s18], [sflag:$0x1] =	stream.indirect.gather [hbm4b:s3+s21], $0x80, s2, s21, $0xb8;
	[tilespmem:$0x17A80] =	vst v63  }
0x56: {  	_ =	swait.ge [sflag:s25], $0x4000  }
0x57: {  	[sflag:s25] =	ssyncset.done $0x0  }
0x58: {  	[sflag:s25] =	ssyncadd.s32 $0xFFFFC000  }
0x59: {  	[spmem:s1] =	stream.indirect.scatter.add.f32 [tilespmem:s18], [sflag:$0x7], $0x80, s20, s21, $0xb8;
	[tilespmem:$0x17A80] =	vst v63  }
0x5a: {  	p4 =	sgt.u32 s4, $0x4C1;
	_ =	swait.ge [sflag:s26], $0x4000  }
0x5b: {  	s15 =	sadd.s32 @!p4 $0x0, s14;
	s0 =	sadd.s32 @!p4 $0x0, s13;
	[sflag:s26] =	ssyncset.done $0x0  }
0x5c: {  	s0 =	sadd.s32 @!p4 $0x200, s0;
	s16 =	simm.s32 @!p4 $0x0;
	[sflag:s26] =	ssyncadd.s32 $0xFFFFC000  }
0x5d: {  	[tilespmem:s16], [sflag:$0x2] =	stream.linear.gather @!p4 [hbm4b:s0+s16], $0x80, $0x38;
	[tilespmem:$0x17A80] =	vst v63  }
0x5e: {  	s0 =	sadd.s32 @!p4 $0x200, s15;
	s15 =	simm.s32 @!p4 $0x100  }
0x5f: {  	[tilespmem:s15], [sflag:$0x3] =	stream.linear.gather @!p4 [hbm4b:s0+s16], $0x80, $0x38;
	[tilespmem:$0x17A80] =	vst v63  }
0x60: {  	_ =	swait.ge [sflag:s28], $0x80  }
0x61: {  	[sflag:s28] =	ssyncset.done $0x0  }
0x62: {  	[sflag:s28] =	ssyncadd.s32 $0xFFFFFF80  }
0x63: {  	_ =	swait.ge [sflag:s29], $0x80  }
0x64: {  	[sflag:s29] =	ssyncset.done $0x0  }
0x65: {  	[sflag:s29] =	ssyncadd.s32 $0xFFFFFF80  }
0x66: {  	[tilespmem:s18], [sflag:$0x1] =	stream.indirect.gather [hbm4b:s3+s21], $0x80, s21, s21, $0xb8;
	[tilespmem:$0x17A80] =	vst v63  }
0x67: {  	_ =	swait.ge [sflag:s25], $0x4000  }
0x68: {  	[sflag:s25] =	ssyncset.done $0x0  }
0x69: {  	[sflag:s25] =	ssyncadd.s32 $0xFFFFC000  }
0x6a: {  	[spmem:s1] =	stream.indirect.scatter.add.f32 [tilespmem:s18], [sflag:$0x6], $0x80, s22, s21, $0xb8;
	[tilespmem:$0x17A80] =	vst v63  }
0x6b: {  	s31 =	sadd.s32 $0x20, s4;
	s0 =	simm.s32 $0x200;
	_ =	swait.ge [sflag:s19], $0x4000  }
0x6c: {  	s15 =	simm.s32 $0x400;
	s16 =	sadd.s32 $0x200, s13;
	[sflag:s19] =	ssyncset.done $0x0  }
.LBB2_4:
0x6d: {  	s16 =	sadd.s32 $0x100, s16;
	s5 =	sadd.s32 s0, s14;
	[sflag:s19] =	ssyncadd.s32 $0xFFFFC000  }
0x6e: {  	[tilespmem:s21], [sflag:$0x4] =	stream.linear.gather [hbm4b:s16+s2], $0x80, $0x38;
	[tilespmem:$0x17A80] =	vst v63  }
0x6f: {  	s5 =	sadd.s32 $0x100, s5;
	s16 =	smov.u32 s15;
	s15 =	sadd.s32 $0x200, s15  }
0x70: {  	[tilespmem:s22], [sflag:$0x5] =	stream.linear.gather [hbm4b:s5+s2], $0x80, $0x38;
	[tilespmem:$0x17A80] =	vst v63  }
0x71: {  	p4 =	sne.s32 s15, $0x4E00;
	_ =	swait.ge [sflag:s23], $0x80  }
0x72: {  	[sflag:s23] =	ssyncset.done $0x0  }
0x73: {  	[sflag:s23] =	ssyncadd.s32 $0xFFFFFF80  }
0x74: {  	_ =	swait.ge [sflag:s24], $0x80  }
0x75: {  	[sflag:s24] =	ssyncset.done $0x0  }
0x76: {  	[sflag:s24] =	ssyncadd.s32 $0xFFFFFF80  }
0x77: {  	[tilespmem:s18], [sflag:$0x1] =	stream.indirect.gather [hbm4b:s3+s21], $0x80, s2, s21, $0xb8;
	[tilespmem:$0x17A80] =	vst v63  }
0x78: {  	_ =	swait.ge [sflag:s25], $0x4000  }
0x79: {  	[sflag:s25] =	ssyncset.done $0x0  }
0x7a: {  	[sflag:s25] =	ssyncadd.s32 $0xFFFFC000  }
0x7b: {  	[spmem:s1] =	stream.indirect.scatter.add.f32 [tilespmem:s18], [sflag:$0x7], $0x80, s20, s21, $0xb8;
	[tilespmem:$0x17A80] =	vst v63  }
0x7c: {  	p5 =	sgt.u32 s31, $0x4C1;
	_ =	swait.ge [sflag:s26], $0x4000  }
0x7d: {  	s5 =	sadd.s32 @!p5 s0, s13;
	s0 =	sadd.s32 @!p5 s0, s14;
	[sflag:s26] =	ssyncset.done $0x0  }
0x7e: {  	s6 =	simm.s32 @!p5 $0x0;
	s5 =	sadd.s32 @!p5 $0x200, s5;
	[sflag:s26] =	ssyncadd.s32 $0xFFFFC000  }
0x7f: {  	[tilespmem:s6], [sflag:$0x2] =	stream.linear.gather @!p5 [hbm4b:s5+s6], $0x80, $0x38;
	[tilespmem:$0x17A80] =	vst v63  }
0x80: {  	s8 =	simm.s32 @!p5 $0x100;
	s5 =	sadd.s32 @!p5 $0x200, s0;
	s0 =	smov.u32 s16  }
0x81: {  	[tilespmem:s8], [sflag:$0x3] =	stream.linear.gather @!p5 [hbm4b:s5+s6], $0x80, $0x38;
	[tilespmem:$0x17A80] =	vst v63  }
0x82: {  	_ =	swait.ge [sflag:s28], $0x80  }
0x83: {  	[sflag:s28] =	ssyncset.done $0x0  }
0x84: {  	[sflag:s28] =	ssyncadd.s32 $0xFFFFFF80  }
0x85: {  	_ =	swait.ge [sflag:s29], $0x80  }
0x86: {  	[sflag:s29] =	ssyncset.done $0x0  }
0x87: {  	[sflag:s29] =	ssyncadd.s32 $0xFFFFFF80  }
0x88: {  	[tilespmem:s18], [sflag:$0x1] =	stream.indirect.gather [hbm4b:s3+s21], $0x80, s21, s21, $0xb8;
	[tilespmem:$0x17A80] =	vst v63  }
0x89: {  	_ =	swait.ge [sflag:s25], $0x4000  }
.Ltmp3:
0x8a: {  	[sflag:s25] =	ssyncset.done $0x0;
	(pc) =	sbr.rel @p4 .LBB2_4-.Ltmp3, $4  }
0x8b: {  	[sflag:s25] =	ssyncadd.s32 $0xFFFFC000  }
0x8c: {  	[spmem:s1] =	stream.indirect.scatter.add.f32 [tilespmem:s18], [sflag:$0x6], $0x80, s22, s21, $0xb8;
	[tilespmem:$0x17A80] =	vst v63  }
0x8d: {  	_ =	swait.ge [sflag:s19], $0x4000  }
0x8e: {  	s31 =	sadd.s32 $0x20, s31;
	s16 =	sadd.s32 s0, s13;
	[sflag:s19] =	ssyncset.done $0x0  }
0x8f: {  	s5 =	sadd.s32 $0x100, s16;
	s6 =	sadd.s32 s0, s14;
	[sflag:s19] =	ssyncadd.s32 $0xFFFFC000  }
0x90: {  	[tilespmem:s21], [sflag:$0x4] =	stream.linear.gather [hbm4b:s5+s2], $0x80, $0x38;
	[tilespmem:$0x17A80] =	vst v63  }
0x91: {  	s16 =	sadd.s32 $0x100, s6  }
0x92: {  	[tilespmem:s22], [sflag:$0x5] =	stream.linear.gather [hbm4b:s16+s2], $0x80, $0x38;
	[tilespmem:$0x17A80] =	vst v63  }
0x93: {  	_ =	swait.ge [sflag:s23], $0x80  }
0x94: {  	[sflag:s23] =	ssyncset.done $0x0  }
0x95: {  	[sflag:s23] =	ssyncadd.s32 $0xFFFFFF80  }
0x96: {  	_ =	swait.ge [sflag:s24], $0x80  }
0x97: {  	[sflag:s24] =	ssyncset.done $0x0  }
0x98: {  	[sflag:s24] =	ssyncadd.s32 $0xFFFFFF80  }
0x99: {  	[tilespmem:s18], [sflag:$0x1] =	stream.indirect.gather [hbm4b:s3+s21], $0x80, s2, s21, $0xb8;
	[tilespmem:$0x17A80] =	vst v63  }
0x9a: {  	_ =	swait.ge [sflag:s25], $0x4000  }
0x9b: {  	[sflag:s25] =	ssyncset.done $0x0  }
0x9c: {  	[sflag:s25] =	ssyncadd.s32 $0xFFFFC000  }
0x9d: {  	[spmem:s1] =	stream.indirect.scatter.add.f32 [tilespmem:s18], [sflag:$0x7], $0x80, s20, s21, $0xb8;
	[tilespmem:$0x17A80] =	vst v63  }
0x9e: {  	p4 =	sgt.u32 s31, $0x4C1;
	_ =	swait.ge [sflag:s26], $0x4000  }
0x9f: {  	s5 =	sadd.s32 @!p4 s0, s13;
	s0 =	sadd.s32 @!p4 s0, s14;
	[sflag:s26] =	ssyncset.done $0x0  }
0xa0: {  	s6 =	simm.s32 @!p4 $0x0;
	s5 =	sadd.s32 @!p4 $0x200, s5;
	[sflag:s26] =	ssyncadd.s32 $0xFFFFC000  }
0xa1: {  	[tilespmem:s6], [sflag:$0x2] =	stream.linear.gather @!p4 [hbm4b:s5+s6], $0x80, $0x38;
	[tilespmem:$0x17A80] =	vst v63  }
0xa2: {  	s0 =	sadd.s32 @!p4 $0x200, s0;
	s5 =	simm.s32 @!p4 $0x100  }
0xa3: {  	[tilespmem:s5], [sflag:$0x3] =	stream.linear.gather @!p4 [hbm4b:s0+s6], $0x80, $0x38;
	[tilespmem:$0x17A80] =	vst v63  }
0xa4: {  	_ =	swait.ge [sflag:s28], $0x80  }
0xa5: {  	[sflag:s28] =	ssyncset.done $0x0  }
0xa6: {  	[sflag:s28] =	ssyncadd.s32 $0xFFFFFF80  }
0xa7: {  	_ =	swait.ge [sflag:s29], $0x80  }
0xa8: {  	[sflag:s29] =	ssyncset.done $0x0  }
0xa9: {  	[sflag:s29] =	ssyncadd.s32 $0xFFFFFF80  }
0xaa: {  	[tilespmem:s18], [sflag:$0x1] =	stream.indirect.gather [hbm4b:s3+s21], $0x80, s21, s21, $0xb8;
	[tilespmem:$0x17A80] =	vst v63  }
0xab: {  	_ =	swait.ge [sflag:s25], $0x4000  }
0xac: {  	[sflag:s25] =	ssyncset.done $0x0  }
0xad: {  	[sflag:s25] =	ssyncadd.s32 $0xFFFFC000  }
0xae: {  	[spmem:s1] =	stream.indirect.scatter.add.f32 [tilespmem:s18], [sflag:$0x6], $0x80, s22, s21, $0xb8;
	[tilespmem:$0x17A80] =	vst v63  }
0xaf: {  	_ =	swait.ge [sflag:s19], $0x4000  }
0xb0: {  	[sflag:s19] =	ssyncset.done $0x0  }
0xb1: {  	s0 =	simm.s32 @!p2 $0x2;
	[sflag:s19] =	ssyncadd.s32 $0xFFFFC000  }
0xb2: {  	_ =	swait.ge @!p2 [sflag:s0], $0x80  }
0xb3: {  	[sflag:s0] =	ssyncset.done @!p2 $0x0  }
0xb4: {  	[sflag:s0] =	ssyncadd.s32 @!p2 $0xFFFFFF80;
	s0 =	simm.s32 @!p2 $0x3  }
0xb5: {  	_ =	swait.ge @!p2 [sflag:s0], $0x80  }
0xb6: {  	s5 =	simm.s32 @!p2 $0x0;
	[sflag:s0] =	ssyncset.done @!p2 $0x0  }
0xb7: {  	s6 =	simm.s32 @!p2 $0x200;
	[sflag:s0] =	ssyncadd.s32 @!p2 $0xFFFFFF80;
	s0 =	simm.s32 @!p2 $0x80  }
0xb8: {  	[tilespmem:s6], [sflag:$0x1] =	stream.indirect.gather @!p2 [hbm4b:s3+s0], $0x80, s5, s0, $0xb8;
	[tilespmem:$0x17A80] =	vst v63  }
0xb9: {  	s5 =	simm.s32 @!p2 $0x1  }
0xba: {  	_ =	swait.ge @!p2 [sflag:s5], $0x4000  }
0xbb: {  	[sflag:s5] =	ssyncset.done @!p2 $0x0  }
0xbc: {  	[sflag:s5] =	ssyncadd.s32 @!p2 $0xFFFFC000;
	s5 =	simm.s32 @!p2 $0x100  }
0xbd: {  	[spmem:s1] =	stream.indirect.scatter.add.f32 @!p2 [tilespmem:s6], [sflag:$0x7], $0x80, s5, s0, $0xb8;
	[tilespmem:$0x17A80] =	vst v63  }
0xbe: {  	s0 =	simm.s32 @!p2 $0x7  }
.Ltmp4:
0xbf: {  	_ =	swait.ge @!p2 [sflag:s0], $0x4000;
	(pc) =	sbr.rel @!p1 .LBB2_6-.Ltmp4, $4  }
0xc0: {  	[sflag:s0] =	ssyncset.done @!p2 $0x0  }
0xc1: {  	[sflag:s0] =	ssyncadd.s32 @!p2 $0xFFFFC000  }
0xc2: {  	s16 =	sshll.u32 s4, $0x6;
	[bflag:$0x0] =	sbarrier.arrive $0xFFFF  }
0xc3: {  	s15 =	sshrl.u32 s7, $0x3;
	s0 =	sor.u32 $0x1C06, s16  }
0xc4: {  	s0 =	sor.u32 $0x1C06, s16;
	s5 =	rddreg [dreg:$0x7]  }
0xc5: {  	[hbm:s5], [sflag:s0] =	dma.local [spmem:s15], $0x2700  }
.Ltmp5:
0xc6: {  	_ = 	snop;
	(pc) =	sbr.rel @p0 .LBB2_9-.Ltmp5, $4  }
.Ltmp6:
0xc7: {  	_ = 	snop;
	(pc) =	sbr.rel @!p0 .LBB2_8-.Ltmp6, $4  }
0xc8: {  	_ =	swait.ge [sflag:s19], $0x2700  }
0xc9: {  	[sflag:s19] =	ssyncset.done $0x0  }
0xca: {  	s15 =	rddreg [dreg:$0x4];
	[sflag:s19] =	ssyncadd.s32 $0xFFFFD900  }
0xcb: {  	_ = 	snop  }
.LBB2_6:
0xcc: {  	s5 =	rddreg [dreg:$0x6]  }
0xcd: {  	[hbm:s5], [sflag:s0] =	dma.local [spmem:s15], $0x2700  }
.Ltmp7:
0xce: {  	_ = 	snop;
	(pc) =	sbr.rel @!p3 .LBB2_9-.Ltmp7, $4  }
.Ltmp8:
0xcf: {  	_ = 	snop;
	(pc) =	sbr.rel @p3 .LBB2_8-.Ltmp8, $4  }
0xd0: {  	_ =	swait.ge [sflag:s19], $0x2700  }
0xd1: {  	[sflag:s19] =	ssyncset.done $0x0  }
0xd2: {  	s15 =	rddreg [dreg:$0x3];
	[sflag:s19] =	ssyncadd.s32 $0xFFFFD900  }
0xd3: {  	_ = 	snop  }
.LBB2_10:
0xd4: {  	_ =	sfence.sel $0x180000  }
0xd5: {  	[bflag:$0x0] =	sbarrier.arrive $0xFFFF  }
0xd6: {  	_ =	strace $0x9000004A  }
0xd7: {  	[bflag:$0x2] =	sbarrier.arrive $0xFFFF  }
0xd8: {  	s0 =	rddreg [dreg:$0x2]  }
0xd9: {  	s0 =	sadd.s32 @!p0 $0x100000, s0  }
0xda: {  	[sflag:s0] =	ssyncadd.tile.s32 @!p0 $0x1;
	_ =	shalt  }
.Lfunc_end2:
_tile_overlayer_lowered:
.L_overlay_start_2:
0xdb: {  	(tag) =	ssettag $0x2  }
0xdc: {  	s0 =	rddreg [dreg:$0x0];
	s2 =	stileid.u32  }
0xdd: {  	s1 =	rddreg [dreg:$0x1];
	p0 =	sne.s32 s2, $0x0  }
0xde: {  	s3 =	rddreg [dreg:$0x2];
	[bflag:$0x3] =	sbarrier.arrive $0xFFFF;
	s2 =	simm.s32 @!p0 $0x1C06  }
0xdf: {  	[timem:s3], [sflag:s2] =	dma.local @!p0 [hbm:s0], s1  }
0xe0: {  	s0 =	simm.s32 @!p0 $0x6  }
0xe1: {  	_ =	swait.ge @!p0 [sflag:s0], s1  }
0xe2: {  	s1 =	ssub.s32 @!p0 $0x0, s1;
	[sflag:s0] =	ssyncset.done @!p0 $0x0  }
0xe3: {  	[sflag:s0] =	ssyncadd.s32 @!p0 s1  }
0xe4: {  	[bflag:$0x3] =	sbarrier.arrive $0xFFFF  }
0xe5: {  	_ =	shalt  }

</sc_bundles>
